<compile_context>
chip_gen: v7x
topology: tpu7x:2x2x1
jax: 0.10.2.dev20260603
libtpu: 0.0.44.dev20260713+nightly
codegen_flags: <defaults>
</compile_context>

<pallas_src>
import functools

import jax
import jax.numpy as jnp
from jax import lax
from jax.experimental import pallas as pl
from jax.experimental.pallas import tpu as pltpu
from jax.experimental.pallas import tpu_sc as plsc

TOPK = 128
N = 8192
ROWS = 4096
NC = 2
NS = 16
NW = NC * NS
RPW = ROWS // NW
NV = N // 16
CAP = N
OCAP = TOPK

_PRED = 2.03125


def _key(bits):
    return bits ^ lax.shift_right_logical(lax.shift_right_arithmetic(bits, 31), 1)


def _make_kernel():
    mesh = plsc.VectorSubcoreMesh(
        core_axis_name="c", subcore_axis_name="s", num_cores=NC, num_subcores=NS
    )

    @functools.partial(
        pl.kernel,
        out_type=jax.ShapeDtypeStruct((ROWS, TOPK), jnp.float32),
        mesh=mesh,
        compiler_params=pltpu.CompilerParams(needs_layout_passes=False),
        scratch_types=[
            pltpu.VMEM((2 * N,), jnp.float32),
            pltpu.VMEM((3 * CAP,), jnp.float32),
            pltpu.VMEM((2 * OCAP,), jnp.float32),
            pltpu.VMEM((16,), jnp.int32),
            pltpu.VMEM((256,), jnp.int32),
            pltpu.SemaphoreType.DMA,
            pltpu.SemaphoreType.DMA,
            pltpu.SemaphoreType.DMA,
            pltpu.SemaphoreType.DMA,
        ],
    )
    def kern(x_hbm, out_hbm, rowbuf, cand, outbuf, hist, hist256,
             sem0, sem1, osem0, osem1):
        c = lax.axis_index("c")
        s = lax.axis_index("s")
        wid = s * NC + c
        r0 = wid * RPW

        iota = lax.iota(jnp.int32, 16)
        ones = jnp.ones((16,), jnp.int32)
        zeros = jnp.zeros((16,), jnp.int32)
        predv = jnp.full((16,), _PRED, jnp.float32)

        def keys_of(vec):
            return _key(lax.bitcast_convert_type(vec, jnp.int32))

        def bcast_at(x, idx_v):
            return x.at[idx_v].get(mode="promise_in_bounds")

        def scan_vec(hv, rank_v):
            hr = lax.rev(hv, (0,))
            cs = plsc.cumsum(hr)
            ge = cs >= rank_v
            p = plsc.all_reduce_ffs(ge)
            bstar_v = 15 - p
            above = bcast_at(cs - hr, p)
            return bstar_v, rank_v - above

        def extract_pred(base):

            def e_body(i, ncv1):
                v = rowbuf[pl.ds(base + i * 16, 16)]
                msk = v >= predv
                pos = ncv1 + plsc.cumsum(ones, mask=msk)
                plsc.store_scatter(cand, [pos], v, mask=msk)
                return ncv1 + plsc.all_reduce_population_count(msk)

            m1 = jnp.full((16,), -1, jnp.int32)
            return jnp.max(
                plsc.parallel_loop(0, NV, unroll=8, carry=m1)(e_body)
            ) + 1

        def hist_fallback(base):
            hist[...] = zeros

            def h_body(i, _):
                ks = keys_of(rowbuf[pl.ds(base + i * 16, 16)])
                nib = lax.shift_right_logical(ks, 28) ^ 8
                plsc.addupdate_scatter(hist, [nib], ones)
                return 0

            lax.fori_loop(0, NV, h_body, 0)
            bstar_v, _ = scan_vec(hist[...], jnp.full((16,), TOPK, jnp.int32))

            def e_body(i, ncv):
                v = rowbuf[pl.ds(base + i * 16, 16)]
                nib = lax.shift_right_logical(keys_of(v), 28) ^ 8
                msk = nib >= bstar_v
                pos = ncv + plsc.cumsum(ones, mask=msk) - 1
                plsc.store_scatter(cand, [pos], v, mask=msk)
                return ncv + plsc.all_reduce_population_count(msk)

            nc = jnp.max(lax.fori_loop(0, NV, e_body, zeros, unroll=2))
            return nc, jnp.int32(TOPK), jnp.int32(24)

        def refine(nc0, rank0, shift0):

            def lcond(st):
                shift, src, nc, rank_v = st
                return (nc > 16) & (shift >= 0)

            def lbody(st):
                shift, src, nc, rank_v = st
                sbase = src * CAP
                hist[...] = zeros
                for z in range(16):
                    hist256[pl.ds(z * 16, 16)] = zeros
                nvc = (nc + 15) >> 4
                byte_xor = jnp.where(shift == 24, jnp.int32(0x80), jnp.int32(0))

                def h_body(i, carry):
                    valid = iota + i * 16 < nc
                    kv = keys_of(cand[pl.ds(sbase + i * 16, 16)])
                    byte = (lax.shift_right_logical(kv, shift) & 255) ^ byte_xor
                    plsc.addupdate_scatter(hist256, [byte], ones, mask=valid)
                    plsc.addupdate_scatter(
                        hist, [lax.shift_right_logical(byte, 4)], ones, mask=valid
                    )
                    return carry

                plsc.parallel_loop(0, nvc, unroll=2, carry=jnp.int32(0))(h_body)
                bc_v, rank1 = scan_vec(hist[...], rank_v)
                fine = plsc.load_gather(hist256, [bc_v * 16 + iota])
                bf_v, rank_n = scan_vec(fine, rank1)
                byte_star_raw = (bc_v * 16 + bf_v) ^ byte_xor
                dsrc = jnp.where(src == 1, jnp.int32(2), jnp.int32(1))
                dbase = dsrc * CAP

                def e_body(i, nv2):
                    valid = iota + i * 16 < nc
                    vv = cand[pl.ds(sbase + i * 16, 16)]
                    kv = keys_of(vv)
                    byte = lax.shift_right_logical(kv, shift) & 255
                    msk = valid & (byte == byte_star_raw)
                    pos = nv2 + plsc.cumsum(ones, mask=msk)
                    plsc.store_scatter(cand, [dbase + pos], vv, mask=msk)
                    return nv2 + plsc.all_reduce_population_count(msk)

                m1 = jnp.full((16,), -1, jnp.int32)
                nc_n = jnp.max(
                    plsc.parallel_loop(0, nvc, unroll=2, carry=m1)(e_body)
                ) + 1
                return (shift - 8, dsrc, nc_n, rank_n)

            rank_v0 = jnp.broadcast_to(rank0, (16,))
            shift, src, nc, rank_v = lax.while_loop(
                lcond, lbody, (shift0, jnp.int32(0), nc0, rank_v0)
            )

            def sort_term(_):
                vmask = iota < nc
                ksv = keys_of(cand[pl.ds(src * CAP, 16)])
                sk, _, _ = plsc.sort_key_val(ksv, ksv, mask=vmask, descending=True)
                T_v = bcast_at(sk, rank_v - 1)
                g_v = plsc.all_reduce_population_count(vmask & (ksv > T_v))
                ntie_v = plsc.all_reduce_population_count(vmask & (ksv == T_v))
                m_v = rank_v - g_v
                simple_v = jnp.where(m_v == ntie_v, ones, zeros)
                return T_v, m_v, simple_v

            def equal_term(_):
                T_v = bcast_at(keys_of(cand[pl.ds(src * CAP, 16)]), zeros)
                simple_v = jnp.where(rank_v == nc, ones, zeros)
                return T_v, rank_v, simple_v

            T_v, m_v, simple_v = lax.cond(nc <= 16, sort_term, equal_term, 0)
            return jnp.max(simple_v), T_v, m_v

        def final_from_cand(nc0, obase, simple, T_v, m_v):
            tfv = lax.bitcast_convert_type(_key(T_v), jnp.float32)
            nvc = (nc0 + 15) >> 4

            def fin_simple(_):
                def fb(i, pv1):
                    valid = iota < nc0 - i * 16
                    v = cand[pl.ds(i * 16, 16)]
                    msk = valid & (v >= tfv)
                    pos = pv1 + plsc.cumsum(ones, mask=msk)
                    plsc.store_scatter(outbuf, [obase + pos], v, mask=msk)
                    return pv1 + plsc.all_reduce_population_count(msk)

                m1 = jnp.full((16,), -1, jnp.int32)
                plsc.parallel_loop(0, nvc, unroll=2, carry=m1)(fb)
                return 0

            def fin_general(_):
                def fb(i, carry):
                    pv, tv = carry
                    valid = iota < nc0 - i * 16
                    v = cand[pl.ds(i * 16, 16)]
                    gt = valid & (v > tfv)
                    tie = valid & (v == tfv)
                    tcs = plsc.cumsum(ones, mask=tie)
                    keep = gt | (tie & (tv + tcs - 1 < m_v))
                    pos = pv + plsc.cumsum(ones, mask=keep) - 1
                    plsc.store_scatter(outbuf, [obase + pos], v, mask=keep)
                    return (pv + plsc.all_reduce_population_count(keep),
                            tv + plsc.all_reduce_population_count(tie))

                lax.fori_loop(0, nvc, fb, (zeros, zeros))
                return 0

            lax.cond(simple == 1, fin_simple, fin_general, 0)

        def do_row(j, base, sem, osem, obase):
            row = r0 + j
            pltpu.make_async_copy(
                x_hbm.at[row], rowbuf.at[pl.ds(base, N)], sem
            ).wait()

            nc_p = extract_pred(base)
            nc, rank, shift0 = lax.cond(
                nc_p >= TOPK,
                lambda _: (nc_p, jnp.int32(TOPK), jnp.int32(24)),
                lambda _: hist_fallback(base),
                0,
            )

            @pl.when(j + 2 < RPW)
            def _():
                pltpu.async_copy(
                    x_hbm.at[row + 2], rowbuf.at[pl.ds(base, N)], sem
                )

            simple, T_v, m_v = refine(nc, rank, shift0)

            @pl.when(j >= 2)
            def _():
                pltpu.make_async_copy(
                    outbuf.at[pl.ds(obase, TOPK)], out_hbm.at[row - 2], osem
                ).wait()

            final_from_cand(nc, obase, simple, T_v, m_v)
            pltpu.async_copy(
                outbuf.at[pl.ds(obase, TOPK)], out_hbm.at[row], osem
            )

        pltpu.async_copy(x_hbm.at[r0], rowbuf.at[pl.ds(0, N)], sem0)
        pltpu.async_copy(x_hbm.at[r0 + 1], rowbuf.at[pl.ds(N, N)], sem1)

        def pair_body(p, _):
            do_row(2 * p, 0, sem0, osem0, 0)
            do_row(2 * p + 1, N, sem1, osem1, OCAP)
            return 0

        lax.fori_loop(0, RPW // 2, pair_body, 0)

        pltpu.make_async_copy(
            outbuf.at[pl.ds(0, TOPK)], out_hbm.at[r0 + RPW - 2], osem0
        ).wait()
        pltpu.make_async_copy(
            outbuf.at[pl.ds(OCAP, TOPK)], out_hbm.at[r0 + RPW - 1], osem1
        ).wait()

    return kern


_kern = _make_kernel()


@jax.jit
def _kmax(x):
    return _kern(x)


def kernel(inputs):
    x = inputs.reshape(ROWS, N)
    out = _kmax(x)
    return out.reshape(inputs.shape[0], inputs.shape[1], TOPK)

# --- scband reference (transcript-rebuilt; emitter-appended) ---
"""Pipeline reference for scband-kmax-pool1d-22746146799740 (READ-ONLY COPY).

The authoritative reference and input builder live on the scoring server;
editing this copy changes nothing except your own understanding.
"""

import jax, jax.numpy as jnp
import numpy as np

K = 128

def setup_inputs(seed: int = 0) -> dict:
    key = jax.random.key(seed)
    inputs = jax.random.normal(key, (16, 256, 8192), dtype=jnp.float32)
    return {"inputs": inputs}

def reference(inputs):
    # kmax_pooling(inputs, dim=2, k=K):
    #   indices = inputs.topk(k, dim=2)[1].sort(dim=2)[0]
    #   return inputs.gather(2, indices)
    # dim=2 is the last axis of the 3D input, so lax.top_k applies directly.
    _, idx = jax.lax.top_k(inputs, K)          # [B, C, K] indices of top-k along last axis
    idx = jnp.sort(idx, axis=2)                # restore original (temporal) order
    out = jnp.take_along_axis(inputs, idx, axis=2)  # gather along dim 2
    return out

if __name__ == "__main__":
    import jax
    _d = setup_inputs()
    print(jax.jit(kernel)(*tuple(_d.values())))

</pallas_src>

<mosaic_0001>
#map = affine_map<(d0, d1) -> (0, 0)>
module attributes {stable_mosaic.version = 14 : i64} {
  func.func @kern(%arg0: i32, %arg1: i32, %arg2: memref<4096x8192xf32, #tpu.memory_space<hbm>>, %arg3: memref<4096x128xf32, #tpu.memory_space<hbm>>, %arg4: memref<16384xf32, #tpu.memory_space<vmem>>, %arg5: memref<24576xf32, #tpu.memory_space<vmem>>, %arg6: memref<256xf32, #tpu.memory_space<vmem>>, %arg7: memref<16xi32, #tpu.memory_space<vmem>>, %arg8: memref<256xi32, #tpu.memory_space<vmem>>, %arg9: memref<!tpu.dma_semaphore, #tpu.memory_space<semaphore_mem>>, %arg10: memref<!tpu.dma_semaphore, #tpu.memory_space<semaphore_mem>>, %arg11: memref<!tpu.dma_semaphore, #tpu.memory_space<semaphore_mem>>, %arg12: memref<!tpu.dma_semaphore, #tpu.memory_space<semaphore_mem>>) attributes {dimension_semantics = [#tpu.dimension_semantics<core_parallel>, #tpu.dimension_semantics<subcore_parallel>], iteration_bounds = array<i64: 2, 16>, scalar_prefetch = 0 : i64, scratch_operands = 9 : i64, tpu.core_type = #tpu.core_type<sc_vector_subcore>, window_params = [{transform_indices = #map}, {transform_indices = #map}]} {
    %mul3A = arith.constant 2 : i32
    %mul3A_0 = arith.muli %arg1, %mul3A : i32
    %add3A = arith.addi %mul3A_0, %arg0 : i32
    %mul3A_1 = arith.constant 128 : i32
    %mul3A_2 = arith.muli %add3A, %mul3A_1 : i32
    %iota3A = tpu.iota {dimensions = array<i32: 0>} : vector<16xi32>
    %broadcast_in_dim3A = arith.constant 1 : i32
    %broadcast_in_dim3A_3 = vector.broadcast %broadcast_in_dim3A : i32 to vector<16xi32>
    %broadcast_in_dim3A_4 = arith.constant 0 : i32
    %broadcast_in_dim3A_5 = vector.broadcast %broadcast_in_dim3A_4 : i32 to vector<16xi32>
    %broadcast_in_dim3A_6 = arith.constant 2.031250e+00 : f32
    %broadcast_in_dim3A_7 = vector.broadcast %broadcast_in_dim3A_6 : f32 to vector<16xf32>
    %dma_start3A = arith.constant 0 : i32
    %dma_start3A_8 = tpu.memref_slice %arg4[%dma_start3A] : memref<16384xf32, #tpu.memory_space<vmem>> -> memref<8192xf32, #tpu.memory_space<vmem>>
    %dma_start3A_9 = arith.constant 0 : i32
    %dma_start3A_10 = tpu.memref_slice %arg2[%mul3A_2, %dma_start3A_9] : memref<4096x8192xf32, #tpu.memory_space<hbm>> -> memref<1x8192xf32, #tpu.memory_space<hbm>>
    %dma_start3A_11 = tpu.memref_squeeze %dma_start3A_10 : memref<1x8192xf32, #tpu.memory_space<hbm>> -> memref<8192xf32, #tpu.memory_space<hbm>>
    %dma_start3A_12 = arith.constant 0 : i32
    %dma_start3A_13 = tpu.memref_slice %arg4[%dma_start3A_12] : memref<16384xf32, #tpu.memory_space<vmem>> -> memref<8192xf32, #tpu.memory_space<vmem>>
    %dma_start3A_14 = arith.constant 0 : i32
    %dma_start3A_15 = tpu.memref_slice %arg2[%mul3A_2, %dma_start3A_14] : memref<4096x8192xf32, #tpu.memory_space<hbm>> -> memref<1x8192xf32, #tpu.memory_space<hbm>>
    %dma_start3A_16 = tpu.memref_squeeze %dma_start3A_15 : memref<1x8192xf32, #tpu.memory_space<hbm>> -> memref<8192xf32, #tpu.memory_space<hbm>>
    tpu.enqueue_dma source(%dma_start3A_16 : memref<8192xf32, #tpu.memory_space<hbm>>) target(%dma_start3A_13 : memref<8192xf32, #tpu.memory_space<vmem>>) target_semaphore(%arg9 : memref<!tpu.dma_semaphore, #tpu.memory_space<semaphore_mem>>)
    %add3A_17 = arith.constant 1 : i32
    %add3A_18 = arith.addi %mul3A_2, %add3A_17 : i32
    %dma_start3A_19 = arith.constant 8192 : i32
    %dma_start3A_20 = tpu.memref_slice %arg4[%dma_start3A_19] : memref<16384xf32, #tpu.memory_space<vmem>> -> memref<8192xf32, #tpu.memory_space<vmem>>
    %dma_start3A_21 = arith.constant 0 : i32
    %dma_start3A_22 = tpu.memref_slice %arg2[%add3A_18, %dma_start3A_21] : memref<4096x8192xf32, #tpu.memory_space<hbm>> -> memref<1x8192xf32, #tpu.memory_space<hbm>>
    %dma_start3A_23 = tpu.memref_squeeze %dma_start3A_22 : memref<1x8192xf32, #tpu.memory_space<hbm>> -> memref<8192xf32, #tpu.memory_space<hbm>>
    %dma_start3A_24 = arith.constant 8192 : i32
    %dma_start3A_25 = tpu.memref_slice %arg4[%dma_start3A_24] : memref<16384xf32, #tpu.memory_space<vmem>> -> memref<8192xf32, #tpu.memory_space<vmem>>
    %dma_start3A_26 = arith.constant 0 : i32
    %dma_start3A_27 = tpu.memref_slice %arg2[%add3A_18, %dma_start3A_26] : memref<4096x8192xf32, #tpu.memory_space<hbm>> -> memref<1x8192xf32, #tpu.memory_space<hbm>>
    %dma_start3A_28 = tpu.memref_squeeze %dma_start3A_27 : memref<1x8192xf32, #tpu.memory_space<hbm>> -> memref<8192xf32, #tpu.memory_space<hbm>>
    tpu.enqueue_dma source(%dma_start3A_28 : memref<8192xf32, #tpu.memory_space<hbm>>) target(%dma_start3A_25 : memref<8192xf32, #tpu.memory_space<vmem>>) target_semaphore(%arg10 : memref<!tpu.dma_semaphore, #tpu.memory_space<semaphore_mem>>)
    %scan3A = arith.constant 0 : i32
    %scan3A_29 = arith.constant 0 : i32
    %scan3A_30 = arith.constant 64 : i32
    %scan3A_31 = arith.addi %scan3A_29, %scan3A_30 : i32
    %scan3A_32 = arith.constant 1 : i32
    %scan3A_33 = scf.for %scan3A_61 = %scan3A_29 to %scan3A_31 step %scan3A_32 iter_args(%scan3A_62 = %scan3A) -> (i32)  : i32 {
      %mul3A_63 = arith.constant 2 : i32
      %mul3A_64 = arith.muli %mul3A_63, %scan3A_61 : i32
      %add3A_65 = arith.addi %mul3A_2, %mul3A_64 : i32
      %dma_wait3A_66 = arith.constant 0 : i32
      %dma_wait3A_67 = tpu.memref_slice %arg4[%dma_wait3A_66] : memref<16384xf32, #tpu.memory_space<vmem>> -> memref<8192xf32, #tpu.memory_space<vmem>>
      %dma_wait3A_68 = arith.constant 0 : i32
      %dma_wait3A_69 = tpu.memref_slice %arg2[%add3A_65, %dma_wait3A_68] : memref<4096x8192xf32, #tpu.memory_space<hbm>> -> memref<1x8192xf32, #tpu.memory_space<hbm>>
      %dma_wait3A_70 = tpu.memref_squeeze %dma_wait3A_69 : memref<1x8192xf32, #tpu.memory_space<hbm>> -> memref<8192xf32, #tpu.memory_space<hbm>>
      %dma_wait3A_71 = arith.constant 0 : i32
      %dma_wait3A_72 = tpu.memref_slice %arg4[%dma_wait3A_71] : memref<16384xf32, #tpu.memory_space<vmem>> -> memref<8192xf32, #tpu.memory_space<vmem>>
      %dma_wait3A_73 = arith.constant 0 : i32
      %dma_wait3A_74 = tpu.memref_slice %arg2[%add3A_65, %dma_wait3A_73] : memref<4096x8192xf32, #tpu.memory_space<hbm>> -> memref<1x8192xf32, #tpu.memory_space<hbm>>
      %dma_wait3A_75 = tpu.memref_squeeze %dma_wait3A_74 : memref<1x8192xf32, #tpu.memory_space<hbm>> -> memref<8192xf32, #tpu.memory_space<hbm>>
      tpu.wait_dma2 semaphore(%arg9 : memref<!tpu.dma_semaphore, #tpu.memory_space<semaphore_mem>>) src(%dma_wait3A_75 : memref<8192xf32, #tpu.memory_space<hbm>>) dst(%dma_wait3A_72 : memref<8192xf32, #tpu.memory_space<vmem>>)
      %broadcast_in_dim3A_76 = arith.constant -1 : i32
      %broadcast_in_dim3A_77 = vector.broadcast %broadcast_in_dim3A_76 : i32 to vector<16xi32>
      %parallel_loop3A = arith.constant 0 : i32
      %parallel_loop3A_78 = arith.constant 512 : i32
      %parallel_loop3A_79 = arith.constant 1 : i32
      %parallel_loop3A_80 = scf.for %parallel_loop3A_243 = %parallel_loop3A to %parallel_loop3A_78 step %parallel_loop3A_79 iter_args(%parallel_loop3A_244 = %broadcast_in_dim3A_77) -> (vector<16xi32>)  : i32 {
        %parallel_loop3A_245 = arith.constant 16 : i32
        %parallel_loop3A_246 = arith.muli %parallel_loop3A_243, %parallel_loop3A_245 : i32
        %parallel_loop3A_247 = arith.constant 0 : i32
        %parallel_loop3A_248 = arith.addi %parallel_loop3A_247, %parallel_loop3A_246 : i32
        %parallel_loop3A_249 = arith.index_cast %parallel_loop3A_248 : i32 to index
        %parallel_loop3A_250 = tpu.vector_load %arg4[%parallel_loop3A_249] {strides = array<i32>} : memref<16384xf32, #tpu.memory_space<vmem>>, vector<16xf32>,
        %parallel_loop3A_251 = arith.cmpf oge, %parallel_loop3A_250, %broadcast_in_dim3A_7 : vector<16xf32>
        %parallel_loop3A_252 = tpu.scan <sum>, %broadcast_in_dim3A_3 masked %parallel_loop3A_251 : vector<16xi32>, vector<16xi1> -> vector<16xi32>
        %parallel_loop3A_253 = arith.addi %parallel_loop3A_244, %parallel_loop3A_252 : vector<16xi32>
        tpu.vector_store_idx %arg5[%parallel_loop3A_253], %parallel_loop3A_250 masked %parallel_loop3A_251 : memref<24576xf32, #tpu.memory_space<vmem>>[vector<16xi32>], vector<16xf32>, vector<16xi1>
        %parallel_loop3A_254 = tpu.all_reduce %parallel_loop3A_251 {dim = 0 : i64, kind = #tpu.reduction_kind<sum>} : vector<16xi1> -> vector<16xi32>
        %parallel_loop3A_255 = arith.addi %parallel_loop3A_244, %parallel_loop3A_254 : vector<16xi32>
        scf.yield %parallel_loop3A_255 : vector<16xi32>
      } {sc.loop_unroll_factor = 8 : i64, sc.parallel_access}
      %reduce_max3A = arith.constant true
      %reduce_max3A_81 = vector.broadcast %reduce_max3A : i1 to vector<16xi1>
      %reduce_max3A_82 = arith.constant -2147483648 : i32
      %reduce_max3A_83 = vector.broadcast %reduce_max3A_82 : i32 to vector<16xi32>
      %reduce_max3A_84 = arith.xori %parallel_loop3A_80, %reduce_max3A_83 : vector<16xi32>
      %reduce_max3A_85 = tpu.scan <max>, %reduce_max3A_84 masked %reduce_max3A_81 : vector<16xi32>, vector<16xi1> -> vector<16xi32>
      %reduce_max3A_86 = arith.xori %reduce_max3A_85, %reduce_max3A_83 : vector<16xi32>
      %reduce_max3A_87 = vector.extract %reduce_max3A_86[15] : i32 from vector<16xi32>
      %add3A_88 = arith.constant 1 : i32
      %add3A_89 = arith.addi %reduce_max3A_87, %add3A_88 : i32
      %ge3A = arith.constant 128 : i32
      %ge3A_90 = arith.cmpi sge, %add3A_89, %ge3A : i32
      %convert_element_type3A = arith.extui %ge3A_90 : i1 to i32
      %cond3A = arith.constant 0 : i32
      %cond3A_91 = arith.constant 0 : i32
      %cond3A_92 = arith.cmpi ne, %convert_element_type3A, %cond3A_91 : i32
      %cond3A_93:3 = scf.if %cond3A_92 -> (i32, i32, i32) {
        %cond3A_243 = arith.constant 128 : i32
        %cond3A_244 = arith.constant 24 : i32
        scf.yield %add3A_89, %cond3A_243, %cond3A_244 : i32, i32, i32
      } else {
        %swap3A = arith.constant 0 : index
        %swap3A_243 = tpu.vector_load %arg7[%swap3A] {strides = array<i32>} : memref<16xi32, #tpu.memory_space<vmem>>, vector<16xi32>,
        tpu.vector_store %arg7[%swap3A], %broadcast_in_dim3A_5 {strides = array<i32>} : memref<16xi32, #tpu.memory_space<vmem>>, vector<16xi32>,
        %scan3A_244 = arith.constant 0 : i32
        %scan3A_245 = arith.constant 0 : i32
        %scan3A_246 = arith.constant 512 : i32
        %scan3A_247 = arith.addi %scan3A_245, %scan3A_246 : i32
        %scan3A_248 = arith.constant 1 : i32
        %scan3A_249 = scf.for %scan3A_290 = %scan3A_245 to %scan3A_247 step %scan3A_248 iter_args(%scan3A_291 = %scan3A_244) -> (i32)  : i32 {
          %mul3A_292 = arith.constant 16 : i32
          %mul3A_293 = arith.muli %scan3A_290, %mul3A_292 : i32
          %add3A_294 = arith.constant 0 : i32
          %add3A_295 = arith.addi %add3A_294, %mul3A_293 : i32
          %get3A_296 = arith.index_cast %add3A_295 : i32 to index
          %get3A_297 = tpu.vector_load %arg4[%get3A_296] {strides = array<i32>} : memref<16384xf32, #tpu.memory_space<vmem>>, vector<16xf32>,
          %bitcast_convert_type3A_298 = tpu.bitcast %get3A_297 : vector<16xf32> -> vector<16xi32>
          %shift_right_arithmetic3A_299 = arith.constant 31 : i32
          %shift_right_arithmetic3A_300 = vector.broadcast %shift_right_arithmetic3A_299 : i32 to vector<16xi32>
          %shift_right_arithmetic3A_301 = arith.shrsi %bitcast_convert_type3A_298, %shift_right_arithmetic3A_300 : vector<16xi32>
          %shift_right_logical3A_302 = arith.constant 1 : i32
          %shift_right_logical3A_303 = vector.broadcast %shift_right_logical3A_302 : i32 to vector<16xi32>
          %shift_right_logical3A_304 = arith.shrui %shift_right_arithmetic3A_301, %shift_right_logical3A_303 : vector<16xi32>
          %xor3A_305 = arith.xori %bitcast_convert_type3A_298, %shift_right_logical3A_304 : vector<16xi32>
          %shift_right_logical3A_306 = arith.constant 28 : i32
          %shift_right_logical3A_307 = vector.broadcast %shift_right_logical3A_306 : i32 to vector<16xi32>
          %shift_right_logical3A_308 = arith.shrui %xor3A_305, %shift_right_logical3A_307 : vector<16xi32>
          %xor3A_309 = arith.constant 8 : i32
          %xor3A_310 = vector.broadcast %xor3A_309 : i32 to vector<16xi32>
          %xor3A_311 = arith.xori %shift_right_logical3A_308, %xor3A_310 : vector<16xi32>
          tpu.vector_store_idx %arg7[%xor3A_311], %broadcast_in_dim3A_3 {add = true} : memref<16xi32, #tpu.memory_space<vmem>>[vector<16xi32>], vector<16xi32>,
          %scan3A_312 = arith.constant 0 : i32
          scf.yield %scan3A_312 : i32
        }
        %scan3A_250 = arith.constant 512 : i32
        %get3A = arith.constant 0 : index
        %get3A_251 = tpu.vector_load %arg7[%get3A] {strides = array<i32>} : memref<16xi32, #tpu.memory_space<vmem>>, vector<16xi32>,
        %broadcast_in_dim3A_252 = arith.constant 128 : i32
        %broadcast_in_dim3A_253 = vector.broadcast %broadcast_in_dim3A_252 : i32 to vector<16xi32>
        %rev3A = arith.constant 15 : i32
        %rev3A_254 = vector.broadcast %rev3A : i32 to vector<16xi32>
        %rev3A_255 = tpu.iota {dimensions = array<i32: 0>} : vector<16xi32>
        %rev3A_256 = arith.subi %rev3A_254, %rev3A_255 : vector<16xi32>
        %rev3A_257 = tpu.dynamic_gather %get3A_251[%rev3A_256] in [0] : vector<16xi32>, vector<16xi32> -> vector<16xi32>
        %broadcast_in_dim3A_258 = arith.constant true
        %broadcast_in_dim3A_259 = vector.broadcast %broadcast_in_dim3A_258 : i1 to vector<16xi1>
        %masked_cumsum3A = tpu.scan <sum>, %rev3A_257 masked %broadcast_in_dim3A_259 : vector<16xi32>, vector<16xi1> -> vector<16xi32>
        %ge3A_260 = arith.cmpi sge, %masked_cumsum3A, %broadcast_in_dim3A_253 : vector<16xi32>
        %all_reduce_ffs3A = tpu.all_reduce %ge3A_260 {dim = 0 : i64, kind = #tpu.reduction_kind<find_first_set>} : vector<16xi1> -> vector<16xi32>
        %sub3A_261 = arith.constant 15 : i32
        %sub3A_262 = vector.broadcast %sub3A_261 : i32 to vector<16xi32>
        %sub3A_263 = arith.subi %sub3A_262, %all_reduce_ffs3A : vector<16xi32>
        %sub3A_264 = arith.subi %masked_cumsum3A, %rev3A_257 : vector<16xi32>
        %lt3A_265 = arith.constant 0 : i32
        %lt3A_266 = vector.broadcast %lt3A_265 : i32 to vector<16xi32>
        %lt3A_267 = arith.cmpi slt, %all_reduce_ffs3A, %lt3A_266 : vector<16xi32>
        %add3A_268 = arith.constant 16 : i32
        %add3A_269 = vector.broadcast %add3A_268 : i32 to vector<16xi32>
        %add3A_270 = arith.addi %all_reduce_ffs3A, %add3A_269 : vector<16xi32>
        %select_n3A = arith.select %lt3A_267, %add3A_270, %all_reduce_ffs3A : vector<16xi1>, vector<16xi32>
        %broadcast_in_dim3A_271 = vector.shape_cast %select_n3A : vector<16xi32> to vector<16x1xi32>
        %gather3A = vector.shape_cast %broadcast_in_dim3A_271 : vector<16x1xi32> to vector<16xi32>
        %gather3A_272 = tpu.dynamic_gather %sub3A_264[%gather3A] in [0] : vector<16xi32>, vector<16xi32> -> vector<16xi32>
        %sub3A_273 = arith.subi %broadcast_in_dim3A_253, %gather3A_272 : vector<16xi32>
        %scan3A_274 = arith.constant 0 : i32
        %scan3A_275 = arith.constant 512 : i32
        %scan3A_276 = arith.addi %scan3A_274, %scan3A_275 : i32
        %scan3A_277 = arith.constant 2 : i32
        %scan3A_278 = scf.for %scan3A_290 = %scan3A_274 to %scan3A_276 step %scan3A_277 iter_args(%scan3A_291 = %broadcast_in_dim3A_5) -> (vector<16xi32>)  : i32 {
          %mul3A_292 = arith.constant 16 : i32
          %mul3A_293 = arith.muli %scan3A_290, %mul3A_292 : i32
          %add3A_294 = arith.constant 0 : i32
          %add3A_295 = arith.addi %add3A_294, %mul3A_293 : i32
          %get3A_296 = arith.index_cast %add3A_295 : i32 to index
          %get3A_297 = tpu.vector_load %arg4[%get3A_296] {strides = array<i32>} : memref<16384xf32, #tpu.memory_space<vmem>>, vector<16xf32>,
          %bitcast_convert_type3A_298 = tpu.bitcast %get3A_297 : vector<16xf32> -> vector<16xi32>
          %shift_right_arithmetic3A_299 = arith.constant 31 : i32
          %shift_right_arithmetic3A_300 = vector.broadcast %shift_right_arithmetic3A_299 : i32 to vector<16xi32>
          %shift_right_arithmetic3A_301 = arith.shrsi %bitcast_convert_type3A_298, %shift_right_arithmetic3A_300 : vector<16xi32>
          %shift_right_logical3A_302 = arith.constant 1 : i32
          %shift_right_logical3A_303 = vector.broadcast %shift_right_logical3A_302 : i32 to vector<16xi32>
          %shift_right_logical3A_304 = arith.shrui %shift_right_arithmetic3A_301, %shift_right_logical3A_303 : vector<16xi32>
          %xor3A_305 = arith.xori %bitcast_convert_type3A_298, %shift_right_logical3A_304 : vector<16xi32>
          %shift_right_logical3A_306 = arith.constant 28 : i32
          %shift_right_logical3A_307 = vector.broadcast %shift_right_logical3A_306 : i32 to vector<16xi32>
          %shift_right_logical3A_308 = arith.shrui %xor3A_305, %shift_right_logical3A_307 : vector<16xi32>
          %xor3A_309 = arith.constant 8 : i32
          %xor3A_310 = vector.broadcast %xor3A_309 : i32 to vector<16xi32>
          %xor3A_311 = arith.xori %shift_right_logical3A_308, %xor3A_310 : vector<16xi32>
          %ge3A_312 = arith.cmpi sge, %xor3A_311, %sub3A_263 : vector<16xi32>
          %masked_cumsum3A_313 = tpu.scan <sum>, %broadcast_in_dim3A_3 masked %ge3A_312 : vector<16xi32>, vector<16xi1> -> vector<16xi32>
          %add3A_314 = arith.addi %scan3A_291, %masked_cumsum3A_313 : vector<16xi32>
          %sub3A_315 = arith.constant 1 : i32
          %sub3A_316 = vector.broadcast %sub3A_315 : i32 to vector<16xi32>
          %sub3A_317 = arith.subi %add3A_314, %sub3A_316 : vector<16xi32>
          tpu.vector_store_idx %arg5[%sub3A_317], %get3A_297 masked %ge3A_312 : memref<24576xf32, #tpu.memory_space<vmem>>[vector<16xi32>], vector<16xf32>, vector<16xi1>
          %all_reduce_population_count3A = tpu.all_reduce %ge3A_312 {dim = 0 : i64, kind = #tpu.reduction_kind<sum>} : vector<16xi1> -> vector<16xi32>
          %add3A_318 = arith.addi %scan3A_291, %all_reduce_population_count3A : vector<16xi32>
          %scan3A_319 = arith.constant 1 : i32
          %scan3A_320 = arith.addi %scan3A_290, %scan3A_319 : i32
          %mul3A_321 = arith.constant 16 : i32
          %mul3A_322 = arith.muli %scan3A_320, %mul3A_321 : i32
          %add3A_323 = arith.constant 0 : i32
          %add3A_324 = arith.addi %add3A_323, %mul3A_322 : i32
          %get3A_325 = arith.index_cast %add3A_324 : i32 to index
          %get3A_326 = tpu.vector_load %arg4[%get3A_325] {strides = array<i32>} : memref<16384xf32, #tpu.memory_space<vmem>>, vector<16xf32>,
          %bitcast_convert_type3A_327 = tpu.bitcast %get3A_326 : vector<16xf32> -> vector<16xi32>
          %shift_right_arithmetic3A_328 = arith.constant 31 : i32
          %shift_right_arithmetic3A_329 = vector.broadcast %shift_right_arithmetic3A_328 : i32 to vector<16xi32>
          %shift_right_arithmetic3A_330 = arith.shrsi %bitcast_convert_type3A_327, %shift_right_arithmetic3A_329 : vector<16xi32>
          %shift_right_logical3A_331 = arith.constant 1 : i32
          %shift_right_logical3A_332 = vector.broadcast %shift_right_logical3A_331 : i32 to vector<16xi32>
          %shift_right_logical3A_333 = arith.shrui %shift_right_arithmetic3A_330, %shift_right_logical3A_332 : vector<16xi32>
          %xor3A_334 = arith.xori %bitcast_convert_type3A_327, %shift_right_logical3A_333 : vector<16xi32>
          %shift_right_logical3A_335 = arith.constant 28 : i32
          %shift_right_logical3A_336 = vector.broadcast %shift_right_logical3A_335 : i32 to vector<16xi32>
          %shift_right_logical3A_337 = arith.shrui %xor3A_334, %shift_right_logical3A_336 : vector<16xi32>
          %xor3A_338 = arith.constant 8 : i32
          %xor3A_339 = vector.broadcast %xor3A_338 : i32 to vector<16xi32>
          %xor3A_340 = arith.xori %shift_right_logical3A_337, %xor3A_339 : vector<16xi32>
          %ge3A_341 = arith.cmpi sge, %xor3A_340, %sub3A_263 : vector<16xi32>
          %masked_cumsum3A_342 = tpu.scan <sum>, %broadcast_in_dim3A_3 masked %ge3A_341 : vector<16xi32>, vector<16xi1> -> vector<16xi32>
          %add3A_343 = arith.addi %add3A_318, %masked_cumsum3A_342 : vector<16xi32>
          %sub3A_344 = arith.constant 1 : i32
          %sub3A_345 = vector.broadcast %sub3A_344 : i32 to vector<16xi32>
          %sub3A_346 = arith.subi %add3A_343, %sub3A_345 : vector<16xi32>
          tpu.vector_store_idx %arg5[%sub3A_346], %get3A_326 masked %ge3A_341 : memref<24576xf32, #tpu.memory_space<vmem>>[vector<16xi32>], vector<16xf32>, vector<16xi1>
          %all_reduce_population_count3A_347 = tpu.all_reduce %ge3A_341 {dim = 0 : i64, kind = #tpu.reduction_kind<sum>} : vector<16xi1> -> vector<16xi32>
          %add3A_348 = arith.addi %add3A_318, %all_reduce_population_count3A_347 : vector<16xi32>
          scf.yield %add3A_348 : vector<16xi32>
        }
        %scan3A_279 = arith.constant 512 : i32
        %reduce_max3A_280 = arith.constant true
        %reduce_max3A_281 = vector.broadcast %reduce_max3A_280 : i1 to vector<16xi1>
        %reduce_max3A_282 = arith.constant -2147483648 : i32
        %reduce_max3A_283 = vector.broadcast %reduce_max3A_282 : i32 to vector<16xi32>
        %reduce_max3A_284 = arith.xori %scan3A_278, %reduce_max3A_283 : vector<16xi32>
        %reduce_max3A_285 = tpu.scan <max>, %reduce_max3A_284 masked %reduce_max3A_281 : vector<16xi32>, vector<16xi1> -> vector<16xi32>
        %reduce_max3A_286 = arith.xori %reduce_max3A_285, %reduce_max3A_283 : vector<16xi32>
        %reduce_max3A_287 = vector.extract %reduce_max3A_286[15] : i32 from vector<16xi32>
        %cond3A_288 = arith.constant 128 : i32
        %cond3A_289 = arith.constant 24 : i32
        scf.yield %reduce_max3A_287, %cond3A_288, %cond3A_289 : i32, i32, i32
      }
      %add3A_94 = arith.constant 2 : i32
      %add3A_95 = arith.addi %mul3A_64, %add3A_94 : i32
      %lt3A = arith.constant 128 : i32
      %lt3A_96 = arith.cmpi slt, %add3A_95, %lt3A : i32
      %convert_element_type3A_97 = arith.extui %lt3A_96 : i1 to i32
      %cond3A_98 = arith.constant 0 : i32
      %cond3A_99 = arith.cmpi ne, %convert_element_type3A_97, %cond3A_98 : i32
      scf.if %cond3A_99 {
        %add3A_243 = arith.constant 2 : i32
        %add3A_244 = arith.addi %add3A_65, %add3A_243 : i32
        %dma_start3A_245 = arith.constant 0 : i32
        %dma_start3A_246 = tpu.memref_slice %arg4[%dma_start3A_245] : memref<16384xf32, #tpu.memory_space<vmem>> -> memref<8192xf32, #tpu.memory_space<vmem>>
        %dma_start3A_247 = arith.constant 0 : i32
        %dma_start3A_248 = tpu.memref_slice %arg2[%add3A_244, %dma_start3A_247] : memref<4096x8192xf32, #tpu.memory_space<hbm>> -> memref<1x8192xf32, #tpu.memory_space<hbm>>
        %dma_start3A_249 = tpu.memref_squeeze %dma_start3A_248 : memref<1x8192xf32, #tpu.memory_space<hbm>> -> memref<8192xf32, #tpu.memory_space<hbm>>
        %dma_start3A_250 = arith.constant 0 : i32
        %dma_start3A_251 = tpu.memref_slice %arg4[%dma_start3A_250] : memref<16384xf32, #tpu.memory_space<vmem>> -> memref<8192xf32, #tpu.memory_space<vmem>>
        %dma_start3A_252 = arith.constant 0 : i32
        %dma_start3A_253 = tpu.memref_slice %arg2[%add3A_244, %dma_start3A_252] : memref<4096x8192xf32, #tpu.memory_space<hbm>> -> memref<1x8192xf32, #tpu.memory_space<hbm>>
        %dma_start3A_254 = tpu.memref_squeeze %dma_start3A_253 : memref<1x8192xf32, #tpu.memory_space<hbm>> -> memref<8192xf32, #tpu.memory_space<hbm>>
        tpu.enqueue_dma source(%dma_start3A_254 : memref<8192xf32, #tpu.memory_space<hbm>>) target(%dma_start3A_251 : memref<8192xf32, #tpu.memory_space<vmem>>) target_semaphore(%arg9 : memref<!tpu.dma_semaphore, #tpu.memory_space<semaphore_mem>>)
      } else {
      }
      %broadcast_in_dim3A_100 = vector.broadcast %cond3A_93#1 : i32 to vector<16xi32>
      %while3A = arith.constant 0 : i32
      %while3A_101:4 = scf.while (%while3A_243 = %cond3A_93#2, %while3A_244 = %while3A, %while3A_245 = %cond3A_93#0, %while3A_246 = %broadcast_in_dim3A_100) : (i32, i32, i32, vector<16xi32>) -> (i32, i32, i32, vector<16xi32>) {
        %gt3A = arith.constant 16 : i32
        %gt3A_247 = arith.cmpi sgt, %while3A_245, %gt3A : i32
        %ge3A_248 = arith.constant 0 : i32
        %ge3A_249 = arith.cmpi sge, %while3A_243, %ge3A_248 : i32
        %and3A = arith.andi %gt3A_247, %ge3A_249 : i1
        scf.condition(%and3A) %while3A_243, %while3A_244, %while3A_245, %while3A_246 : i32, i32, i32, vector<16xi32>
      } do {
      ^bb0(%while3A_243: i32, %while3A_244: i32, %while3A_245: i32, %while3A_246: vector<16xi32>):
        %mul3A_247 = arith.constant 8192 : i32
        %mul3A_248 = arith.muli %while3A_244, %mul3A_247 : i32
        %swap3A = arith.constant 0 : index
        %swap3A_249 = tpu.vector_load %arg7[%swap3A] {strides = array<i32>} : memref<16xi32, #tpu.memory_space<vmem>>, vector<16xi32>,
        tpu.vector_store %arg7[%swap3A], %broadcast_in_dim3A_5 {strides = array<i32>} : memref<16xi32, #tpu.memory_space<vmem>>, vector<16xi32>,
        %swap3A_250 = arith.constant 0 : index
        %swap3A_251 = tpu.vector_load %arg8[%swap3A_250] {strides = array<i32>} : memref<256xi32, #tpu.memory_space<vmem>>, vector<16xi32>,
        tpu.vector_store %arg8[%swap3A_250], %broadcast_in_dim3A_5 {strides = array<i32>} : memref<256xi32, #tpu.memory_space<vmem>>, vector<16xi32>,
        %swap3A_252 = arith.constant 16 : index
        %swap3A_253 = tpu.vector_load %arg8[%swap3A_252] {strides = array<i32>} : memref<256xi32, #tpu.memory_space<vmem>>, vector<16xi32>,
        tpu.vector_store %arg8[%swap3A_252], %broadcast_in_dim3A_5 {strides = array<i32>} : memref<256xi32, #tpu.memory_space<vmem>>, vector<16xi32>,
        %swap3A_254 = arith.constant 32 : index
        %swap3A_255 = tpu.vector_load %arg8[%swap3A_254] {strides = array<i32>} : memref<256xi32, #tpu.memory_space<vmem>>, vector<16xi32>,
        tpu.vector_store %arg8[%swap3A_254], %broadcast_in_dim3A_5 {strides = array<i32>} : memref<256xi32, #tpu.memory_space<vmem>>, vector<16xi32>,
        %swap3A_256 = arith.constant 48 : index
        %swap3A_257 = tpu.vector_load %arg8[%swap3A_256] {strides = array<i32>} : memref<256xi32, #tpu.memory_space<vmem>>, vector<16xi32>,
        tpu.vector_store %arg8[%swap3A_256], %broadcast_in_dim3A_5 {strides = array<i32>} : memref<256xi32, #tpu.memory_space<vmem>>, vector<16xi32>,
        %swap3A_258 = arith.constant 64 : index
        %swap3A_259 = tpu.vector_load %arg8[%swap3A_258] {strides = array<i32>} : memref<256xi32, #tpu.memory_space<vmem>>, vector<16xi32>,
        tpu.vector_store %arg8[%swap3A_258], %broadcast_in_dim3A_5 {strides = array<i32>} : memref<256xi32, #tpu.memory_space<vmem>>, vector<16xi32>,
        %swap3A_260 = arith.constant 80 : index
        %swap3A_261 = tpu.vector_load %arg8[%swap3A_260] {strides = array<i32>} : memref<256xi32, #tpu.memory_space<vmem>>, vector<16xi32>,
        tpu.vector_store %arg8[%swap3A_260], %broadcast_in_dim3A_5 {strides = array<i32>} : memref<256xi32, #tpu.memory_space<vmem>>, vector<16xi32>,
        %swap3A_262 = arith.constant 96 : index
        %swap3A_263 = tpu.vector_load %arg8[%swap3A_262] {strides = array<i32>} : memref<256xi32, #tpu.memory_space<vmem>>, vector<16xi32>,
        tpu.vector_store %arg8[%swap3A_262], %broadcast_in_dim3A_5 {strides = array<i32>} : memref<256xi32, #tpu.memory_space<vmem>>, vector<16xi32>,
        %swap3A_264 = arith.constant 112 : index
        %swap3A_265 = tpu.vector_load %arg8[%swap3A_264] {strides = array<i32>} : memref<256xi32, #tpu.memory_space<vmem>>, vector<16xi32>,
        tpu.vector_store %arg8[%swap3A_264], %broadcast_in_dim3A_5 {strides = array<i32>} : memref<256xi32, #tpu.memory_space<vmem>>, vector<16xi32>,
        %swap3A_266 = arith.constant 128 : index
        %swap3A_267 = tpu.vector_load %arg8[%swap3A_266] {strides = array<i32>} : memref<256xi32, #tpu.memory_space<vmem>>, vector<16xi32>,
        tpu.vector_store %arg8[%swap3A_266], %broadcast_in_dim3A_5 {strides = array<i32>} : memref<256xi32, #tpu.memory_space<vmem>>, vector<16xi32>,
        %swap3A_268 = arith.constant 144 : index
        %swap3A_269 = tpu.vector_load %arg8[%swap3A_268] {strides = array<i32>} : memref<256xi32, #tpu.memory_space<vmem>>, vector<16xi32>,
        tpu.vector_store %arg8[%swap3A_268], %broadcast_in_dim3A_5 {strides = array<i32>} : memref<256xi32, #tpu.memory_space<vmem>>, vector<16xi32>,
        %swap3A_270 = arith.constant 160 : index
        %swap3A_271 = tpu.vector_load %arg8[%swap3A_270] {strides = array<i32>} : memref<256xi32, #tpu.memory_space<vmem>>, vector<16xi32>,
        tpu.vector_store %arg8[%swap3A_270], %broadcast_in_dim3A_5 {strides = array<i32>} : memref<256xi32, #tpu.memory_space<vmem>>, vector<16xi32>,
        %swap3A_272 = arith.constant 176 : index
        %swap3A_273 = tpu.vector_load %arg8[%swap3A_272] {strides = array<i32>} : memref<256xi32, #tpu.memory_space<vmem>>, vector<16xi32>,
        tpu.vector_store %arg8[%swap3A_272], %broadcast_in_dim3A_5 {strides = array<i32>} : memref<256xi32, #tpu.memory_space<vmem>>, vector<16xi32>,
        %swap3A_274 = arith.constant 192 : index
        %swap3A_275 = tpu.vector_load %arg8[%swap3A_274] {strides = array<i32>} : memref<256xi32, #tpu.memory_space<vmem>>, vector<16xi32>,
        tpu.vector_store %arg8[%swap3A_274], %broadcast_in_dim3A_5 {strides = array<i32>} : memref<256xi32, #tpu.memory_space<vmem>>, vector<16xi32>,
        %swap3A_276 = arith.constant 208 : index
        %swap3A_277 = tpu.vector_load %arg8[%swap3A_276] {strides = array<i32>} : memref<256xi32, #tpu.memory_space<vmem>>, vector<16xi32>,
        tpu.vector_store %arg8[%swap3A_276], %broadcast_in_dim3A_5 {strides = array<i32>} : memref<256xi32, #tpu.memory_space<vmem>>, vector<16xi32>,
        %swap3A_278 = arith.constant 224 : index
        %swap3A_279 = tpu.vector_load %arg8[%swap3A_278] {strides = array<i32>} : memref<256xi32, #tpu.memory_space<vmem>>, vector<16xi32>,
        tpu.vector_store %arg8[%swap3A_278], %broadcast_in_dim3A_5 {strides = array<i32>} : memref<256xi32, #tpu.memory_space<vmem>>, vector<16xi32>,
        %swap3A_280 = arith.constant 240 : index
        %swap3A_281 = tpu.vector_load %arg8[%swap3A_280] {strides = array<i32>} : memref<256xi32, #tpu.memory_space<vmem>>, vector<16xi32>,
        tpu.vector_store %arg8[%swap3A_280], %broadcast_in_dim3A_5 {strides = array<i32>} : memref<256xi32, #tpu.memory_space<vmem>>, vector<16xi32>,
        %add3A_282 = arith.constant 15 : i32
        %add3A_283 = arith.addi %while3A_245, %add3A_282 : i32
        %shift_right_arithmetic3A_284 = arith.constant 4 : i32
        %shift_right_arithmetic3A_285 = arith.shrsi %add3A_283, %shift_right_arithmetic3A_284 : i32
        %eq3A_286 = arith.constant 24 : i32
        %eq3A_287 = arith.cmpi eq, %while3A_243, %eq3A_286 : i32
        %jit3A = arith.constant 128 : i32
        %jit3A_288 = arith.constant 0 : i32
        %select_n3A = arith.select %eq3A_287, %jit3A, %jit3A_288 : i32
        %parallel_loop3A_289 = arith.constant 0 : i32
        %parallel_loop3A_290 = arith.constant 1 : i32
        %parallel_loop3A_291 = arith.constant 0 : i32
        %parallel_loop3A_292 = scf.for %parallel_loop3A_375 = %parallel_loop3A_289 to %shift_right_arithmetic3A_285 step %parallel_loop3A_290 iter_args(%parallel_loop3A_376 = %parallel_loop3A_291) -> (i32)  : i32 {
          %parallel_loop3A_377 = arith.constant 16 : i32
          %parallel_loop3A_378 = arith.muli %parallel_loop3A_375, %parallel_loop3A_377 : i32
          %parallel_loop3A_379 = vector.broadcast %parallel_loop3A_378 : i32 to vector<16xi32>
          %parallel_loop3A_380 = arith.addi %iota3A, %parallel_loop3A_379 : vector<16xi32>
          %parallel_loop3A_381 = vector.broadcast %while3A_245 : i32 to vector<16xi32>
          %parallel_loop3A_382 = arith.cmpi slt, %parallel_loop3A_380, %parallel_loop3A_381 : vector<16xi32>
          %parallel_loop3A_383 = arith.constant 16 : i32
          %parallel_loop3A_384 = arith.muli %parallel_loop3A_375, %parallel_loop3A_383 : i32
          %parallel_loop3A_385 = arith.addi %mul3A_248, %parallel_loop3A_384 : i32
          %parallel_loop3A_386 = arith.index_cast %parallel_loop3A_385 : i32 to index
          %parallel_loop3A_387 = tpu.vector_load %arg5[%parallel_loop3A_386] {strides = array<i32>} : memref<24576xf32, #tpu.memory_space<vmem>>, vector<16xf32>,
          %parallel_loop3A_388 = tpu.bitcast %parallel_loop3A_387 : vector<16xf32> -> vector<16xi32>
          %parallel_loop3A_389 = arith.constant 31 : i32
          %parallel_loop3A_390 = vector.broadcast %parallel_loop3A_389 : i32 to vector<16xi32>
          %parallel_loop3A_391 = arith.shrsi %parallel_loop3A_388, %parallel_loop3A_390 : vector<16xi32>
          %parallel_loop3A_392 = arith.constant 1 : i32
          %parallel_loop3A_393 = vector.broadcast %parallel_loop3A_392 : i32 to vector<16xi32>
          %parallel_loop3A_394 = arith.shrui %parallel_loop3A_391, %parallel_loop3A_393 : vector<16xi32>
          %parallel_loop3A_395 = arith.xori %parallel_loop3A_388, %parallel_loop3A_394 : vector<16xi32>
          %parallel_loop3A_396 = vector.broadcast %while3A_243 : i32 to vector<16xi32>
          %parallel_loop3A_397 = arith.shrui %parallel_loop3A_395, %parallel_loop3A_396 : vector<16xi32>
          %parallel_loop3A_398 = arith.constant 255 : i32
          %parallel_loop3A_399 = vector.broadcast %parallel_loop3A_398 : i32 to vector<16xi32>
          %parallel_loop3A_400 = arith.andi %parallel_loop3A_397, %parallel_loop3A_399 : vector<16xi32>
          %parallel_loop3A_401 = vector.broadcast %select_n3A : i32 to vector<16xi32>
          %parallel_loop3A_402 = arith.xori %parallel_loop3A_400, %parallel_loop3A_401 : vector<16xi32>
          tpu.vector_store_idx %arg8[%parallel_loop3A_402], %broadcast_in_dim3A_3 masked %parallel_loop3A_382 {add = true} : memref<256xi32, #tpu.memory_space<vmem>>[vector<16xi32>], vector<16xi32>, vector<16xi1>
          %parallel_loop3A_403 = arith.constant 4 : i32
          %parallel_loop3A_404 = vector.broadcast %parallel_loop3A_403 : i32 to vector<16xi32>
          %parallel_loop3A_405 = arith.shrui %parallel_loop3A_402, %parallel_loop3A_404 : vector<16xi32>
          tpu.vector_store_idx %arg7[%parallel_loop3A_405], %broadcast_in_dim3A_3 masked %parallel_loop3A_382 {add = true} : memref<16xi32, #tpu.memory_space<vmem>>[vector<16xi32>], vector<16xi32>, vector<16xi1>
          scf.yield %parallel_loop3A_376 : i32
        } {sc.loop_unroll_factor = 2 : i64, sc.parallel_access}
        %get3A = arith.constant 0 : index
        %get3A_293 = tpu.vector_load %arg7[%get3A] {strides = array<i32>} : memref<16xi32, #tpu.memory_space<vmem>>, vector<16xi32>,
        %rev3A = arith.constant 15 : i32
        %rev3A_294 = vector.broadcast %rev3A : i32 to vector<16xi32>
        %rev3A_295 = tpu.iota {dimensions = array<i32: 0>} : vector<16xi32>
        %rev3A_296 = arith.subi %rev3A_294, %rev3A_295 : vector<16xi32>
        %rev3A_297 = tpu.dynamic_gather %get3A_293[%rev3A_296] in [0] : vector<16xi32>, vector<16xi32> -> vector<16xi32>
        %broadcast_in_dim3A_298 = arith.constant true
        %broadcast_in_dim3A_299 = vector.broadcast %broadcast_in_dim3A_298 : i1 to vector<16xi1>
        %masked_cumsum3A = tpu.scan <sum>, %rev3A_297 masked %broadcast_in_dim3A_299 : vector<16xi32>, vector<16xi1> -> vector<16xi32>
        %ge3A_300 = arith.cmpi sge, %masked_cumsum3A, %while3A_246 : vector<16xi32>
        %all_reduce_ffs3A = tpu.all_reduce %ge3A_300 {dim = 0 : i64, kind = #tpu.reduction_kind<find_first_set>} : vector<16xi1> -> vector<16xi32>
        %sub3A_301 = arith.constant 15 : i32
        %sub3A_302 = vector.broadcast %sub3A_301 : i32 to vector<16xi32>
        %sub3A_303 = arith.subi %sub3A_302, %all_reduce_ffs3A : vector<16xi32>
        %sub3A_304 = arith.subi %masked_cumsum3A, %rev3A_297 : vector<16xi32>
        %lt3A_305 = arith.constant 0 : i32
        %lt3A_306 = vector.broadcast %lt3A_305 : i32 to vector<16xi32>
        %lt3A_307 = arith.cmpi slt, %all_reduce_ffs3A, %lt3A_306 : vector<16xi32>
        %add3A_308 = arith.constant 16 : i32
        %add3A_309 = vector.broadcast %add3A_308 : i32 to vector<16xi32>
        %add3A_310 = arith.addi %all_reduce_ffs3A, %add3A_309 : vector<16xi32>
        %select_n3A_311 = arith.select %lt3A_307, %add3A_310, %all_reduce_ffs3A : vector<16xi1>, vector<16xi32>
        %broadcast_in_dim3A_312 = vector.shape_cast %select_n3A_311 : vector<16xi32> to vector<16x1xi32>
        %gather3A = vector.shape_cast %broadcast_in_dim3A_312 : vector<16x1xi32> to vector<16xi32>
        %gather3A_313 = tpu.dynamic_gather %sub3A_304[%gather3A] in [0] : vector<16xi32>, vector<16xi32> -> vector<16xi32>
        %sub3A_314 = arith.subi %while3A_246, %gather3A_313 : vector<16xi32>
        %mul3A_315 = arith.constant 16 : i32
        %mul3A_316 = vector.broadcast %mul3A_315 : i32 to vector<16xi32>
        %mul3A_317 = arith.muli %sub3A_303, %mul3A_316 : vector<16xi32>
        %add3A_318 = arith.addi %mul3A_317, %iota3A : vector<16xi32>
        %gather3A_319 = tpu.vector_load_idx %arg8[%add3A_318] : memref<256xi32, #tpu.memory_space<vmem>>[vector<16xi32>], vector<16xi32>,
        %rev3A_320 = arith.constant 15 : i32
        %rev3A_321 = vector.broadcast %rev3A_320 : i32 to vector<16xi32>
        %rev3A_322 = tpu.iota {dimensions = array<i32: 0>} : vector<16xi32>
        %rev3A_323 = arith.subi %rev3A_321, %rev3A_322 : vector<16xi32>
        %rev3A_324 = tpu.dynamic_gather %gather3A_319[%rev3A_323] in [0] : vector<16xi32>, vector<16xi32> -> vector<16xi32>
        %broadcast_in_dim3A_325 = arith.constant true
        %broadcast_in_dim3A_326 = vector.broadcast %broadcast_in_dim3A_325 : i1 to vector<16xi1>
        %masked_cumsum3A_327 = tpu.scan <sum>, %rev3A_324 masked %broadcast_in_dim3A_326 : vector<16xi32>, vector<16xi1> -> vector<16xi32>
        %ge3A_328 = arith.cmpi sge, %masked_cumsum3A_327, %sub3A_314 : vector<16xi32>
        %all_reduce_ffs3A_329 = tpu.all_reduce %ge3A_328 {dim = 0 : i64, kind = #tpu.reduction_kind<find_first_set>} : vector<16xi1> -> vector<16xi32>
        %sub3A_330 = arith.constant 15 : i32
        %sub3A_331 = vector.broadcast %sub3A_330 : i32 to vector<16xi32>
        %sub3A_332 = arith.subi %sub3A_331, %all_reduce_ffs3A_329 : vector<16xi32>
        %sub3A_333 = arith.subi %masked_cumsum3A_327, %rev3A_324 : vector<16xi32>
        %lt3A_334 = arith.constant 0 : i32
        %lt3A_335 = vector.broadcast %lt3A_334 : i32 to vector<16xi32>
        %lt3A_336 = arith.cmpi slt, %all_reduce_ffs3A_329, %lt3A_335 : vector<16xi32>
        %add3A_337 = arith.constant 16 : i32
        %add3A_338 = vector.broadcast %add3A_337 : i32 to vector<16xi32>
        %add3A_339 = arith.addi %all_reduce_ffs3A_329, %add3A_338 : vector<16xi32>
        %select_n3A_340 = arith.select %lt3A_336, %add3A_339, %all_reduce_ffs3A_329 : vector<16xi1>, vector<16xi32>
        %broadcast_in_dim3A_341 = vector.shape_cast %select_n3A_340 : vector<16xi32> to vector<16x1xi32>
        %gather3A_342 = vector.shape_cast %broadcast_in_dim3A_341 : vector<16x1xi32> to vector<16xi32>
        %gather3A_343 = tpu.dynamic_gather %sub3A_333[%gather3A_342] in [0] : vector<16xi32>, vector<16xi32> -> vector<16xi32>
        %sub3A_344 = arith.subi %sub3A_314, %gather3A_343 : vector<16xi32>
        %mul3A_345 = arith.constant 16 : i32
        %mul3A_346 = vector.broadcast %mul3A_345 : i32 to vector<16xi32>
        %mul3A_347 = arith.muli %sub3A_303, %mul3A_346 : vector<16xi32>
        %add3A_348 = arith.addi %mul3A_347, %sub3A_332 : vector<16xi32>
        %xor3A_349 = vector.broadcast %select_n3A : i32 to vector<16xi32>
        %xor3A_350 = arith.xori %add3A_348, %xor3A_349 : vector<16xi32>
        %eq3A_351 = arith.constant 1 : i32
        %eq3A_352 = arith.cmpi eq, %while3A_244, %eq3A_351 : i32
        %jit3A_353 = arith.constant 2 : i32
        %jit3A_354 = arith.constant 1 : i32
        %select_n3A_355 = arith.select %eq3A_352, %jit3A_353, %jit3A_354 : i32
        %mul3A_356 = arith.constant 8192 : i32
        %mul3A_357 = arith.muli %select_n3A_355, %mul3A_356 : i32
        %broadcast_in_dim3A_358 = arith.constant -1 : i32
        %broadcast_in_dim3A_359 = vector.broadcast %broadcast_in_dim3A_358 : i32 to vector<16xi32>
        %parallel_loop3A_360 = arith.constant 0 : i32
        %parallel_loop3A_361 = arith.constant 1 : i32
        %parallel_loop3A_362 = scf.for %parallel_loop3A_375 = %parallel_loop3A_360 to %shift_right_arithmetic3A_285 step %parallel_loop3A_361 iter_args(%parallel_loop3A_376 = %broadcast_in_dim3A_359) -> (vector<16xi32>)  : i32 {
          %parallel_loop3A_377 = arith.constant 16 : i32
          %parallel_loop3A_378 = arith.muli %parallel_loop3A_375, %parallel_loop3A_377 : i32
          %parallel_loop3A_379 = vector.broadcast %parallel_loop3A_378 : i32 to vector<16xi32>
          %parallel_loop3A_380 = arith.addi %iota3A, %parallel_loop3A_379 : vector<16xi32>
          %parallel_loop3A_381 = vector.broadcast %while3A_245 : i32 to vector<16xi32>
          %parallel_loop3A_382 = arith.cmpi slt, %parallel_loop3A_380, %parallel_loop3A_381 : vector<16xi32>
          %parallel_loop3A_383 = arith.constant 16 : i32
          %parallel_loop3A_384 = arith.muli %parallel_loop3A_375, %parallel_loop3A_383 : i32
          %parallel_loop3A_385 = arith.addi %mul3A_248, %parallel_loop3A_384 : i32
          %parallel_loop3A_386 = arith.index_cast %parallel_loop3A_385 : i32 to index
          %parallel_loop3A_387 = tpu.vector_load %arg5[%parallel_loop3A_386] {strides = array<i32>} : memref<24576xf32, #tpu.memory_space<vmem>>, vector<16xf32>,
          %parallel_loop3A_388 = tpu.bitcast %parallel_loop3A_387 : vector<16xf32> -> vector<16xi32>
          %parallel_loop3A_389 = arith.constant 31 : i32
          %parallel_loop3A_390 = vector.broadcast %parallel_loop3A_389 : i32 to vector<16xi32>
          %parallel_loop3A_391 = arith.shrsi %parallel_loop3A_388, %parallel_loop3A_390 : vector<16xi32>
          %parallel_loop3A_392 = arith.constant 1 : i32
          %parallel_loop3A_393 = vector.broadcast %parallel_loop3A_392 : i32 to vector<16xi32>
          %parallel_loop3A_394 = arith.shrui %parallel_loop3A_391, %parallel_loop3A_393 : vector<16xi32>
          %parallel_loop3A_395 = arith.xori %parallel_loop3A_388, %parallel_loop3A_394 : vector<16xi32>
          %parallel_loop3A_396 = vector.broadcast %while3A_243 : i32 to vector<16xi32>
          %parallel_loop3A_397 = arith.shrui %parallel_loop3A_395, %parallel_loop3A_396 : vector<16xi32>
          %parallel_loop3A_398 = arith.constant 255 : i32
          %parallel_loop3A_399 = vector.broadcast %parallel_loop3A_398 : i32 to vector<16xi32>
          %parallel_loop3A_400 = arith.andi %parallel_loop3A_397, %parallel_loop3A_399 : vector<16xi32>
          %parallel_loop3A_401 = arith.cmpi eq, %parallel_loop3A_400, %xor3A_350 : vector<16xi32>
          %parallel_loop3A_402 = arith.andi %parallel_loop3A_382, %parallel_loop3A_401 : vector<16xi1>
          %parallel_loop3A_403 = tpu.scan <sum>, %broadcast_in_dim3A_3 masked %parallel_loop3A_402 : vector<16xi32>, vector<16xi1> -> vector<16xi32>
          %parallel_loop3A_404 = arith.addi %parallel_loop3A_376, %parallel_loop3A_403 : vector<16xi32>
          %parallel_loop3A_405 = vector.broadcast %mul3A_357 : i32 to vector<16xi32>
          %parallel_loop3A_406 = arith.addi %parallel_loop3A_405, %parallel_loop3A_404 : vector<16xi32>
          tpu.vector_store_idx %arg5[%parallel_loop3A_406], %parallel_loop3A_387 masked %parallel_loop3A_402 : memref<24576xf32, #tpu.memory_space<vmem>>[vector<16xi32>], vector<16xf32>, vector<16xi1>
          %parallel_loop3A_407 = tpu.all_reduce %parallel_loop3A_402 {dim = 0 : i64, kind = #tpu.reduction_kind<sum>} : vector<16xi1> -> vector<16xi32>
          %parallel_loop3A_408 = arith.addi %parallel_loop3A_376, %parallel_loop3A_407 : vector<16xi32>
          scf.yield %parallel_loop3A_408 : vector<16xi32>
        } {sc.loop_unroll_factor = 2 : i64, sc.parallel_access}
        %reduce_max3A_363 = arith.constant true
        %reduce_max3A_364 = vector.broadcast %reduce_max3A_363 : i1 to vector<16xi1>
        %reduce_max3A_365 = arith.constant -2147483648 : i32
        %reduce_max3A_366 = vector.broadcast %reduce_max3A_365 : i32 to vector<16xi32>
        %reduce_max3A_367 = arith.xori %parallel_loop3A_362, %reduce_max3A_366 : vector<16xi32>
        %reduce_max3A_368 = tpu.scan <max>, %reduce_max3A_367 masked %reduce_max3A_364 : vector<16xi32>, vector<16xi1> -> vector<16xi32>
        %reduce_max3A_369 = arith.xori %reduce_max3A_368, %reduce_max3A_366 : vector<16xi32>
        %reduce_max3A_370 = vector.extract %reduce_max3A_369[15] : i32 from vector<16xi32>
        %add3A_371 = arith.constant 1 : i32
        %add3A_372 = arith.addi %reduce_max3A_370, %add3A_371 : i32
        %sub3A_373 = arith.constant 8 : i32
        %sub3A_374 = arith.subi %while3A_243, %sub3A_373 : i32
        scf.yield %sub3A_374, %select_n3A_355, %add3A_372, %sub3A_344 : i32, i32, i32, vector<16xi32>
      }
      %le3A = arith.constant 16 : i32
      %le3A_102 = arith.cmpi sle, %while3A_101#2, %le3A : i32
      %convert_element_type3A_103 = arith.extui %le3A_102 : i1 to i32
      %cond3A_104 = arith.constant 0 : i32
      %cond3A_105 = arith.constant 0 : i32
      %cond3A_106 = arith.cmpi ne, %convert_element_type3A_103, %cond3A_105 : i32
      %cond3A_107:3 = scf.if %cond3A_106 -> (vector<16xi32>, vector<16xi32>, vector<16xi32>) {
        %lt3A_243 = vector.broadcast %while3A_101#2 : i32 to vector<16xi32>
        %lt3A_244 = arith.cmpi slt, %iota3A, %lt3A_243 : vector<16xi32>
        %mul3A_245 = arith.constant 8192 : i32
        %mul3A_246 = arith.muli %while3A_101#1, %mul3A_245 : i32
        %get3A = arith.index_cast %mul3A_246 : i32 to index
        %get3A_247 = tpu.vector_load %arg5[%get3A] {strides = array<i32>} : memref<24576xf32, #tpu.memory_space<vmem>>, vector<16xf32>,
        %bitcast_convert_type3A_248 = tpu.bitcast %get3A_247 : vector<16xf32> -> vector<16xi32>
        %shift_right_arithmetic3A_249 = arith.constant 31 : i32
        %shift_right_arithmetic3A_250 = vector.broadcast %shift_right_arithmetic3A_249 : i32 to vector<16xi32>
        %shift_right_arithmetic3A_251 = arith.shrsi %bitcast_convert_type3A_248, %shift_right_arithmetic3A_250 : vector<16xi32>
        %shift_right_logical3A_252 = arith.constant 1 : i32
        %shift_right_logical3A_253 = vector.broadcast %shift_right_logical3A_252 : i32 to vector<16xi32>
        %shift_right_logical3A_254 = arith.shrui %shift_right_arithmetic3A_251, %shift_right_logical3A_253 : vector<16xi32>
        %xor3A_255 = arith.xori %bitcast_convert_type3A_248, %shift_right_logical3A_254 : vector<16xi32>
        %masked_sort3A = arith.constant -2147483648 : i32
        %masked_sort3A_256 = vector.broadcast %masked_sort3A : i32 to vector<16xi32>
        %masked_sort3A_257 = arith.xori %xor3A_255, %masked_sort3A_256 : vector<16xi32>
        %masked_sort3A_258, %masked_sort3A_259, %masked_sort3A_260 = tpu.sort %masked_sort3A_257, %xor3A_255 masked %lt3A_244 {descending = true} : (vector<16xi32>, vector<16xi32>, vector<16xi1>) -> (vector<16xi1>, vector<16xi32>, vector<16xi32>)
        %masked_sort3A_261 = arith.xori %masked_sort3A_259, %masked_sort3A_256 : vector<16xi32>
        %sub3A_262 = arith.constant 1 : i32
        %sub3A_263 = vector.broadcast %sub3A_262 : i32 to vector<16xi32>
        %sub3A_264 = arith.subi %while3A_101#3, %sub3A_263 : vector<16xi32>
        %lt3A_265 = arith.constant 0 : i32
        %lt3A_266 = vector.broadcast %lt3A_265 : i32 to vector<16xi32>
        %lt3A_267 = arith.cmpi slt, %sub3A_264, %lt3A_266 : vector<16xi32>
        %add3A_268 = arith.constant 16 : i32
        %add3A_269 = vector.broadcast %add3A_268 : i32 to vector<16xi32>
        %add3A_270 = arith.addi %sub3A_264, %add3A_269 : vector<16xi32>
        %select_n3A = arith.select %lt3A_267, %add3A_270, %sub3A_264 : vector<16xi1>, vector<16xi32>
        %broadcast_in_dim3A_271 = vector.shape_cast %select_n3A : vector<16xi32> to vector<16x1xi32>
        %gather3A = vector.shape_cast %broadcast_in_dim3A_271 : vector<16x1xi32> to vector<16xi32>
        %gather3A_272 = tpu.dynamic_gather %masked_sort3A_261[%gather3A] in [0] : vector<16xi32>, vector<16xi32> -> vector<16xi32>
        %gt3A = arith.cmpi sgt, %xor3A_255, %gather3A_272 : vector<16xi32>
        %and3A = arith.andi %lt3A_244, %gt3A : vector<16xi1>
        %all_reduce_population_count3A = tpu.all_reduce %and3A {dim = 0 : i64, kind = #tpu.reduction_kind<sum>} : vector<16xi1> -> vector<16xi32>
        %eq3A_273 = arith.cmpi eq, %xor3A_255, %gather3A_272 : vector<16xi32>
        %and3A_274 = arith.andi %lt3A_244, %eq3A_273 : vector<16xi1>
        %all_reduce_population_count3A_275 = tpu.all_reduce %and3A_274 {dim = 0 : i64, kind = #tpu.reduction_kind<sum>} : vector<16xi1> -> vector<16xi32>
        %sub3A_276 = arith.subi %while3A_101#3, %all_reduce_population_count3A : vector<16xi32>
        %eq3A_277 = arith.cmpi eq, %sub3A_276, %all_reduce_population_count3A_275 : vector<16xi32>
        %select_n3A_278 = arith.select %eq3A_277, %broadcast_in_dim3A_3, %broadcast_in_dim3A_5 : vector<16xi1>, vector<16xi32>
        scf.yield %gather3A_272, %sub3A_276, %select_n3A_278 : vector<16xi32>, vector<16xi32>, vector<16xi32>
      } else {
        %mul3A_243 = arith.constant 8192 : i32
        %mul3A_244 = arith.muli %while3A_101#1, %mul3A_243 : i32
        %get3A = arith.index_cast %mul3A_244 : i32 to index
        %get3A_245 = tpu.vector_load %arg5[%get3A] {strides = array<i32>} : memref<24576xf32, #tpu.memory_space<vmem>>, vector<16xf32>,
        %bitcast_convert_type3A_246 = tpu.bitcast %get3A_245 : vector<16xf32> -> vector<16xi32>
        %shift_right_arithmetic3A_247 = arith.constant 31 : i32
        %shift_right_arithmetic3A_248 = vector.broadcast %shift_right_arithmetic3A_247 : i32 to vector<16xi32>
        %shift_right_arithmetic3A_249 = arith.shrsi %bitcast_convert_type3A_246, %shift_right_arithmetic3A_248 : vector<16xi32>
        %shift_right_logical3A_250 = arith.constant 1 : i32
        %shift_right_logical3A_251 = vector.broadcast %shift_right_logical3A_250 : i32 to vector<16xi32>
        %shift_right_logical3A_252 = arith.shrui %shift_right_arithmetic3A_249, %shift_right_logical3A_251 : vector<16xi32>
        %xor3A_253 = arith.xori %bitcast_convert_type3A_246, %shift_right_logical3A_252 : vector<16xi32>
        %lt3A_254 = arith.constant 0 : i32
        %lt3A_255 = vector.broadcast %lt3A_254 : i32 to vector<16xi32>
        %lt3A_256 = arith.cmpi slt, %broadcast_in_dim3A_5, %lt3A_255 : vector<16xi32>
        %add3A_257 = arith.constant 16 : i32
        %add3A_258 = vector.broadcast %add3A_257 : i32 to vector<16xi32>
        %add3A_259 = arith.addi %broadcast_in_dim3A_5, %add3A_258 : vector<16xi32>
        %select_n3A = arith.select %lt3A_256, %add3A_259, %broadcast_in_dim3A_5 : vector<16xi1>, vector<16xi32>
        %broadcast_in_dim3A_260 = vector.shape_cast %select_n3A : vector<16xi32> to vector<16x1xi32>
        %gather3A = vector.shape_cast %broadcast_in_dim3A_260 : vector<16x1xi32> to vector<16xi32>
        %gather3A_261 = tpu.dynamic_gather %xor3A_253[%gather3A] in [0] : vector<16xi32>, vector<16xi32> -> vector<16xi32>
        %eq3A_262 = vector.broadcast %while3A_101#2 : i32 to vector<16xi32>
        %eq3A_263 = arith.cmpi eq, %while3A_101#3, %eq3A_262 : vector<16xi32>
        %select_n3A_264 = arith.select %eq3A_263, %broadcast_in_dim3A_3, %broadcast_in_dim3A_5 : vector<16xi1>, vector<16xi32>
        scf.yield %gather3A_261, %while3A_101#3, %select_n3A_264 : vector<16xi32>, vector<16xi32>, vector<16xi32>
      }
      %reduce_max3A_108 = arith.constant true
      %reduce_max3A_109 = vector.broadcast %reduce_max3A_108 : i1 to vector<16xi1>
      %reduce_max3A_110 = arith.constant -2147483648 : i32
      %reduce_max3A_111 = vector.broadcast %reduce_max3A_110 : i32 to vector<16xi32>
      %reduce_max3A_112 = arith.xori %cond3A_107#2, %reduce_max3A_111 : vector<16xi32>
      %reduce_max3A_113 = tpu.scan <max>, %reduce_max3A_112 masked %reduce_max3A_109 : vector<16xi32>, vector<16xi1> -> vector<16xi32>
      %reduce_max3A_114 = arith.xori %reduce_max3A_113, %reduce_max3A_111 : vector<16xi32>
      %reduce_max3A_115 = vector.extract %reduce_max3A_114[15] : i32 from vector<16xi32>
      %ge3A_116 = arith.constant 2 : i32
      %ge3A_117 = arith.cmpi sge, %mul3A_64, %ge3A_116 : i32
      %convert_element_type3A_118 = arith.extui %ge3A_117 : i1 to i32
      %cond3A_119 = arith.constant 0 : i32
      %cond3A_120 = arith.cmpi ne, %convert_element_type3A_118, %cond3A_119 : i32
      scf.if %cond3A_120 {
        %sub3A_243 = arith.constant 2 : i32
        %sub3A_244 = arith.subi %add3A_65, %sub3A_243 : i32
        %dma_wait3A_245 = arith.constant 0 : i32
        %dma_wait3A_246 = tpu.memref_slice %arg6[%dma_wait3A_245] : memref<256xf32, #tpu.memory_space<vmem>> -> memref<128xf32, #tpu.memory_space<vmem>>
        %dma_wait3A_247 = arith.constant 0 : i32
        %dma_wait3A_248 = tpu.memref_slice %arg3[%sub3A_244, %dma_wait3A_247] : memref<4096x128xf32, #tpu.memory_space<hbm>> -> memref<1x128xf32, #tpu.memory_space<hbm>>
        %dma_wait3A_249 = tpu.memref_squeeze %dma_wait3A_248 : memref<1x128xf32, #tpu.memory_space<hbm>> -> memref<128xf32, #tpu.memory_space<hbm>>
        %dma_wait3A_250 = arith.constant 0 : i32
        %dma_wait3A_251 = tpu.memref_slice %arg3[%sub3A_244, %dma_wait3A_250] : memref<4096x128xf32, #tpu.memory_space<hbm>> -> memref<1x128xf32, #tpu.memory_space<hbm>>
        %dma_wait3A_252 = tpu.memref_squeeze %dma_wait3A_251 : memref<1x128xf32, #tpu.memory_space<hbm>> -> memref<128xf32, #tpu.memory_space<hbm>>
        %dma_wait3A_253 = arith.constant 0 : i32
        %dma_wait3A_254 = tpu.memref_slice %arg6[%dma_wait3A_253] : memref<256xf32, #tpu.memory_space<vmem>> -> memref<128xf32, #tpu.memory_space<vmem>>
        tpu.wait_dma2 semaphore(%arg11 : memref<!tpu.dma_semaphore, #tpu.memory_space<semaphore_mem>>) src(%dma_wait3A_254 : memref<128xf32, #tpu.memory_space<vmem>>) dst(%dma_wait3A_252 : memref<128xf32, #tpu.memory_space<hbm>>)
      } else {
      }
      %shift_right_arithmetic3A = arith.constant 31 : i32
      %shift_right_arithmetic3A_121 = vector.broadcast %shift_right_arithmetic3A : i32 to vector<16xi32>
      %shift_right_arithmetic3A_122 = arith.shrsi %cond3A_107#0, %shift_right_arithmetic3A_121 : vector<16xi32>
      %shift_right_logical3A = arith.constant 1 : i32
      %shift_right_logical3A_123 = vector.broadcast %shift_right_logical3A : i32 to vector<16xi32>
      %shift_right_logical3A_124 = arith.shrui %shift_right_arithmetic3A_122, %shift_right_logical3A_123 : vector<16xi32>
      %xor3A = arith.xori %cond3A_107#0, %shift_right_logical3A_124 : vector<16xi32>
      %bitcast_convert_type3A = tpu.bitcast %xor3A : vector<16xi32> -> vector<16xf32>
      %add3A_125 = arith.constant 15 : i32
      %add3A_126 = arith.addi %cond3A_93#0, %add3A_125 : i32
      %shift_right_arithmetic3A_127 = arith.constant 4 : i32
      %shift_right_arithmetic3A_128 = arith.shrsi %add3A_126, %shift_right_arithmetic3A_127 : i32
      %eq3A = arith.constant 1 : i32
      %eq3A_129 = arith.cmpi eq, %reduce_max3A_115, %eq3A : i32
      %convert_element_type3A_130 = arith.extui %eq3A_129 : i1 to i32
      %cond3A_131 = arith.constant 0 : i32
      %cond3A_132 = arith.constant 0 : i32
      %cond3A_133 = arith.cmpi ne, %convert_element_type3A_130, %cond3A_132 : i32
      %cond3A_134 = scf.if %cond3A_133 -> (i32) {
        %broadcast_in_dim3A_243 = arith.constant -1 : i32
        %broadcast_in_dim3A_244 = vector.broadcast %broadcast_in_dim3A_243 : i32 to vector<16xi32>
        %parallel_loop3A_245 = arith.constant 0 : i32
        %parallel_loop3A_246 = arith.constant 1 : i32
        %parallel_loop3A_247 = scf.for %parallel_loop3A_249 = %parallel_loop3A_245 to %shift_right_arithmetic3A_128 step %parallel_loop3A_246 iter_args(%parallel_loop3A_250 = %broadcast_in_dim3A_244) -> (vector<16xi32>)  : i32 {
          %parallel_loop3A_251 = arith.constant 16 : i32
          %parallel_loop3A_252 = arith.muli %parallel_loop3A_249, %parallel_loop3A_251 : i32
          %parallel_loop3A_253 = arith.subi %cond3A_93#0, %parallel_loop3A_252 : i32
          %parallel_loop3A_254 = vector.broadcast %parallel_loop3A_253 : i32 to vector<16xi32>
          %parallel_loop3A_255 = arith.cmpi slt, %iota3A, %parallel_loop3A_254 : vector<16xi32>
          %parallel_loop3A_256 = arith.constant 16 : i32
          %parallel_loop3A_257 = arith.muli %parallel_loop3A_249, %parallel_loop3A_256 : i32
          %parallel_loop3A_258 = arith.index_cast %parallel_loop3A_257 : i32 to index
          %parallel_loop3A_259 = tpu.vector_load %arg5[%parallel_loop3A_258] {strides = array<i32>} : memref<24576xf32, #tpu.memory_space<vmem>>, vector<16xf32>,
          %parallel_loop3A_260 = arith.cmpf oge, %parallel_loop3A_259, %bitcast_convert_type3A : vector<16xf32>
          %parallel_loop3A_261 = arith.andi %parallel_loop3A_255, %parallel_loop3A_260 : vector<16xi1>
          %parallel_loop3A_262 = tpu.scan <sum>, %broadcast_in_dim3A_3 masked %parallel_loop3A_261 : vector<16xi32>, vector<16xi1> -> vector<16xi32>
          %parallel_loop3A_263 = arith.addi %parallel_loop3A_250, %parallel_loop3A_262 : vector<16xi32>
          %parallel_loop3A_264 = arith.constant 0 : i32
          %parallel_loop3A_265 = vector.broadcast %parallel_loop3A_264 : i32 to vector<16xi32>
          %parallel_loop3A_266 = arith.addi %parallel_loop3A_265, %parallel_loop3A_263 : vector<16xi32>
          tpu.vector_store_idx %arg6[%parallel_loop3A_266], %parallel_loop3A_259 masked %parallel_loop3A_261 : memref<256xf32, #tpu.memory_space<vmem>>[vector<16xi32>], vector<16xf32>, vector<16xi1>
          %parallel_loop3A_267 = tpu.all_reduce %parallel_loop3A_261 {dim = 0 : i64, kind = #tpu.reduction_kind<sum>} : vector<16xi1> -> vector<16xi32>
          %parallel_loop3A_268 = arith.addi %parallel_loop3A_250, %parallel_loop3A_267 : vector<16xi32>
          scf.yield %parallel_loop3A_268 : vector<16xi32>
        } {sc.loop_unroll_factor = 2 : i64, sc.parallel_access}
        %cond3A_248 = arith.constant 0 : i32
        scf.yield %cond3A_248 : i32
      } else {
        %while3A_243 = arith.constant 0 : i32
        %while3A_244 = arith.subi %shift_right_arithmetic3A_128, %while3A_243 : i32
        %while3A_245 = arith.addi %while3A_243, %while3A_244 : i32
        %while3A_246 = arith.constant 1 : i32
        %while3A_247 = arith.divsi %while3A_244, %while3A_246 : i32
        %while3A_248 = arith.muli %while3A_247, %while3A_246 : i32
        %while3A_249 = arith.addi %while3A_243, %while3A_248 : i32
        %while3A_250 = arith.constant 1 : i32
        %while3A_251:2 = scf.for %while3A_255 = %while3A_243 to %while3A_249 step %while3A_250 iter_args(%while3A_256 = %broadcast_in_dim3A_5, %while3A_257 = %broadcast_in_dim3A_5) -> (vector<16xi32>, vector<16xi32>)  : i32 {
          %mul3A_258 = arith.constant 16 : i32
          %mul3A_259 = arith.muli %while3A_255, %mul3A_258 : i32
          %sub3A_260 = arith.subi %cond3A_93#0, %mul3A_259 : i32
          %lt3A_261 = vector.broadcast %sub3A_260 : i32 to vector<16xi32>
          %lt3A_262 = arith.cmpi slt, %iota3A, %lt3A_261 : vector<16xi32>
          %mul3A_263 = arith.constant 16 : i32
          %mul3A_264 = arith.muli %while3A_255, %mul3A_263 : i32
          %get3A = arith.index_cast %mul3A_264 : i32 to index
          %get3A_265 = tpu.vector_load %arg5[%get3A] {strides = array<i32>} : memref<24576xf32, #tpu.memory_space<vmem>>, vector<16xf32>,
          %gt3A = arith.cmpf ogt, %get3A_265, %bitcast_convert_type3A : vector<16xf32>
          %and3A = arith.andi %lt3A_262, %gt3A : vector<16xi1>
          %eq3A_266 = arith.cmpf oeq, %get3A_265, %bitcast_convert_type3A : vector<16xf32>
          %and3A_267 = arith.andi %lt3A_262, %eq3A_266 : vector<16xi1>
          %masked_cumsum3A = tpu.scan <sum>, %broadcast_in_dim3A_3 masked %and3A_267 : vector<16xi32>, vector<16xi1> -> vector<16xi32>
          %add3A_268 = arith.addi %while3A_257, %masked_cumsum3A : vector<16xi32>
          %sub3A_269 = arith.constant 1 : i32
          %sub3A_270 = vector.broadcast %sub3A_269 : i32 to vector<16xi32>
          %sub3A_271 = arith.subi %add3A_268, %sub3A_270 : vector<16xi32>
          %lt3A_272 = arith.cmpi slt, %sub3A_271, %cond3A_107#1 : vector<16xi32>
          %and3A_273 = arith.andi %and3A_267, %lt3A_272 : vector<16xi1>
          %or3A = arith.ori %and3A, %and3A_273 : vector<16xi1>
          %masked_cumsum3A_274 = tpu.scan <sum>, %broadcast_in_dim3A_3 masked %or3A : vector<16xi32>, vector<16xi1> -> vector<16xi32>
          %add3A_275 = arith.addi %while3A_256, %masked_cumsum3A_274 : vector<16xi32>
          %sub3A_276 = arith.constant 1 : i32
          %sub3A_277 = vector.broadcast %sub3A_276 : i32 to vector<16xi32>
          %sub3A_278 = arith.subi %add3A_275, %sub3A_277 : vector<16xi32>
          %add3A_279 = arith.constant 0 : i32
          %add3A_280 = vector.broadcast %add3A_279 : i32 to vector<16xi32>
          %add3A_281 = arith.addi %add3A_280, %sub3A_278 : vector<16xi32>
          tpu.vector_store_idx %arg6[%add3A_281], %get3A_265 masked %or3A : memref<256xf32, #tpu.memory_space<vmem>>[vector<16xi32>], vector<16xf32>, vector<16xi1>
          %all_reduce_population_count3A = tpu.all_reduce %or3A {dim = 0 : i64, kind = #tpu.reduction_kind<sum>} : vector<16xi1> -> vector<16xi32>
          %add3A_282 = arith.addi %while3A_256, %all_reduce_population_count3A : vector<16xi32>
          %all_reduce_population_count3A_283 = tpu.all_reduce %and3A_267 {dim = 0 : i64, kind = #tpu.reduction_kind<sum>} : vector<16xi1> -> vector<16xi32>
          %add3A_284 = arith.addi %while3A_257, %all_reduce_population_count3A_283 : vector<16xi32>
          scf.yield %add3A_282, %add3A_284 : vector<16xi32>, vector<16xi32>
        }
        %while3A_252 = arith.constant 1 : i32
        %while3A_253:2 = scf.for %while3A_255 = %while3A_249 to %while3A_245 step %while3A_252 iter_args(%while3A_256 = %while3A_251#0, %while3A_257 = %while3A_251#1) -> (vector<16xi32>, vector<16xi32>)  : i32 {
          %mul3A_258 = arith.constant 16 : i32
          %mul3A_259 = arith.muli %while3A_255, %mul3A_258 : i32
          %sub3A_260 = arith.subi %cond3A_93#0, %mul3A_259 : i32
          %lt3A_261 = vector.broadcast %sub3A_260 : i32 to vector<16xi32>
          %lt3A_262 = arith.cmpi slt, %iota3A, %lt3A_261 : vector<16xi32>
          %mul3A_263 = arith.constant 16 : i32
          %mul3A_264 = arith.muli %while3A_255, %mul3A_263 : i32
          %get3A = arith.index_cast %mul3A_264 : i32 to index
          %get3A_265 = tpu.vector_load %arg5[%get3A] {strides = array<i32>} : memref<24576xf32, #tpu.memory_space<vmem>>, vector<16xf32>,
          %gt3A = arith.cmpf ogt, %get3A_265, %bitcast_convert_type3A : vector<16xf32>
          %and3A = arith.andi %lt3A_262, %gt3A : vector<16xi1>
          %eq3A_266 = arith.cmpf oeq, %get3A_265, %bitcast_convert_type3A : vector<16xf32>
          %and3A_267 = arith.andi %lt3A_262, %eq3A_266 : vector<16xi1>
          %masked_cumsum3A = tpu.scan <sum>, %broadcast_in_dim3A_3 masked %and3A_267 : vector<16xi32>, vector<16xi1> -> vector<16xi32>
          %add3A_268 = arith.addi %while3A_257, %masked_cumsum3A : vector<16xi32>
          %sub3A_269 = arith.constant 1 : i32
          %sub3A_270 = vector.broadcast %sub3A_269 : i32 to vector<16xi32>
          %sub3A_271 = arith.subi %add3A_268, %sub3A_270 : vector<16xi32>
          %lt3A_272 = arith.cmpi slt, %sub3A_271, %cond3A_107#1 : vector<16xi32>
          %and3A_273 = arith.andi %and3A_267, %lt3A_272 : vector<16xi1>
          %or3A = arith.ori %and3A, %and3A_273 : vector<16xi1>
          %masked_cumsum3A_274 = tpu.scan <sum>, %broadcast_in_dim3A_3 masked %or3A : vector<16xi32>, vector<16xi1> -> vector<16xi32>
          %add3A_275 = arith.addi %while3A_256, %masked_cumsum3A_274 : vector<16xi32>
          %sub3A_276 = arith.constant 1 : i32
          %sub3A_277 = vector.broadcast %sub3A_276 : i32 to vector<16xi32>
          %sub3A_278 = arith.subi %add3A_275, %sub3A_277 : vector<16xi32>
          %add3A_279 = arith.constant 0 : i32
          %add3A_280 = vector.broadcast %add3A_279 : i32 to vector<16xi32>
          %add3A_281 = arith.addi %add3A_280, %sub3A_278 : vector<16xi32>
          tpu.vector_store_idx %arg6[%add3A_281], %get3A_265 masked %or3A : memref<256xf32, #tpu.memory_space<vmem>>[vector<16xi32>], vector<16xf32>, vector<16xi1>
          %all_reduce_population_count3A = tpu.all_reduce %or3A {dim = 0 : i64, kind = #tpu.reduction_kind<sum>} : vector<16xi1> -> vector<16xi32>
          %add3A_282 = arith.addi %while3A_256, %all_reduce_population_count3A : vector<16xi32>
          %all_reduce_population_count3A_283 = tpu.all_reduce %and3A_267 {dim = 0 : i64, kind = #tpu.reduction_kind<sum>} : vector<16xi1> -> vector<16xi32>
          %add3A_284 = arith.addi %while3A_257, %all_reduce_population_count3A_283 : vector<16xi32>
          scf.yield %add3A_282, %add3A_284 : vector<16xi32>, vector<16xi32>
        }
        %cond3A_254 = arith.constant 0 : i32
        scf.yield %cond3A_254 : i32
      }
      %dma_start3A_135 = arith.constant 0 : i32
      %dma_start3A_136 = tpu.memref_slice %arg6[%dma_start3A_135] : memref<256xf32, #tpu.memory_space<vmem>> -> memref<128xf32, #tpu.memory_space<vmem>>
      %dma_start3A_137 = arith.constant 0 : i32
      %dma_start3A_138 = tpu.memref_slice %arg3[%add3A_65, %dma_start3A_137] : memref<4096x128xf32, #tpu.memory_space<hbm>> -> memref<1x128xf32, #tpu.memory_space<hbm>>
      %dma_start3A_139 = tpu.memref_squeeze %dma_start3A_138 : memref<1x128xf32, #tpu.memory_space<hbm>> -> memref<128xf32, #tpu.memory_space<hbm>>
      %dma_start3A_140 = arith.constant 0 : i32
      %dma_start3A_141 = tpu.memref_slice %arg3[%add3A_65, %dma_start3A_140] : memref<4096x128xf32, #tpu.memory_space<hbm>> -> memref<1x128xf32, #tpu.memory_space<hbm>>
      %dma_start3A_142 = tpu.memref_squeeze %dma_start3A_141 : memref<1x128xf32, #tpu.memory_space<hbm>> -> memref<128xf32, #tpu.memory_space<hbm>>
      %dma_start3A_143 = arith.constant 0 : i32
      %dma_start3A_144 = tpu.memref_slice %arg6[%dma_start3A_143] : memref<256xf32, #tpu.memory_space<vmem>> -> memref<128xf32, #tpu.memory_space<vmem>>
      tpu.enqueue_dma source(%dma_start3A_144 : memref<128xf32, #tpu.memory_space<vmem>>) target(%dma_start3A_142 : memref<128xf32, #tpu.memory_space<hbm>>) target_semaphore(%arg11 : memref<!tpu.dma_semaphore, #tpu.memory_space<semaphore_mem>>)
      %mul3A_145 = arith.constant 2 : i32
      %mul3A_146 = arith.muli %mul3A_145, %scan3A_61 : i32
      %add3A_147 = arith.constant 1 : i32
      %add3A_148 = arith.addi %mul3A_146, %add3A_147 : i32
      %add3A_149 = arith.addi %mul3A_2, %add3A_148 : i32
      %dma_wait3A_150 = arith.constant 8192 : i32
      %dma_wait3A_151 = tpu.memref_slice %arg4[%dma_wait3A_150] : memref<16384xf32, #tpu.memory_space<vmem>> -> memref<8192xf32, #tpu.memory_space<vmem>>
      %dma_wait3A_152 = arith.constant 0 : i32
      %dma_wait3A_153 = tpu.memref_slice %arg2[%add3A_149, %dma_wait3A_152] : memref<4096x8192xf32, #tpu.memory_space<hbm>> -> memref<1x8192xf32, #tpu.memory_space<hbm>>
      %dma_wait3A_154 = tpu.memref_squeeze %dma_wait3A_153 : memref<1x8192xf32, #tpu.memory_space<hbm>> -> memref<8192xf32, #tpu.memory_space<hbm>>
      %dma_wait3A_155 = arith.constant 8192 : i32
      %dma_wait3A_156 = tpu.memref_slice %arg4[%dma_wait3A_155] : memref<16384xf32, #tpu.memory_space<vmem>> -> memref<8192xf32, #tpu.memory_space<vmem>>
      %dma_wait3A_157 = arith.constant 0 : i32
      %dma_wait3A_158 = tpu.memref_slice %arg2[%add3A_149, %dma_wait3A_157] : memref<4096x8192xf32, #tpu.memory_space<hbm>> -> memref<1x8192xf32, #tpu.memory_space<hbm>>
      %dma_wait3A_159 = tpu.memref_squeeze %dma_wait3A_158 : memref<1x8192xf32, #tpu.memory_space<hbm>> -> memref<8192xf32, #tpu.memory_space<hbm>>
      tpu.wait_dma2 semaphore(%arg10 : memref<!tpu.dma_semaphore, #tpu.memory_space<semaphore_mem>>) src(%dma_wait3A_159 : memref<8192xf32, #tpu.memory_space<hbm>>) dst(%dma_wait3A_156 : memref<8192xf32, #tpu.memory_space<vmem>>)
      %broadcast_in_dim3A_160 = arith.constant -1 : i32
      %broadcast_in_dim3A_161 = vector.broadcast %broadcast_in_dim3A_160 : i32 to vector<16xi32>
      %parallel_loop3A_162 = arith.constant 0 : i32
      %parallel_loop3A_163 = arith.constant 512 : i32
      %parallel_loop3A_164 = arith.constant 1 : i32
      %parallel_loop3A_165 = scf.for %parallel_loop3A_243 = %parallel_loop3A_162 to %parallel_loop3A_163 step %parallel_loop3A_164 iter_args(%parallel_loop3A_244 = %broadcast_in_dim3A_161) -> (vector<16xi32>)  : i32 {
        %parallel_loop3A_245 = arith.constant 16 : i32
        %parallel_loop3A_246 = arith.muli %parallel_loop3A_243, %parallel_loop3A_245 : i32
        %parallel_loop3A_247 = arith.constant 8192 : i32
        %parallel_loop3A_248 = arith.addi %parallel_loop3A_247, %parallel_loop3A_246 : i32
        %parallel_loop3A_249 = arith.index_cast %parallel_loop3A_248 : i32 to index
        %parallel_loop3A_250 = tpu.vector_load %arg4[%parallel_loop3A_249] {strides = array<i32>} : memref<16384xf32, #tpu.memory_space<vmem>>, vector<16xf32>,
        %parallel_loop3A_251 = arith.cmpf oge, %parallel_loop3A_250, %broadcast_in_dim3A_7 : vector<16xf32>
        %parallel_loop3A_252 = tpu.scan <sum>, %broadcast_in_dim3A_3 masked %parallel_loop3A_251 : vector<16xi32>, vector<16xi1> -> vector<16xi32>
        %parallel_loop3A_253 = arith.addi %parallel_loop3A_244, %parallel_loop3A_252 : vector<16xi32>
        tpu.vector_store_idx %arg5[%parallel_loop3A_253], %parallel_loop3A_250 masked %parallel_loop3A_251 : memref<24576xf32, #tpu.memory_space<vmem>>[vector<16xi32>], vector<16xf32>, vector<16xi1>
        %parallel_loop3A_254 = tpu.all_reduce %parallel_loop3A_251 {dim = 0 : i64, kind = #tpu.reduction_kind<sum>} : vector<16xi1> -> vector<16xi32>
        %parallel_loop3A_255 = arith.addi %parallel_loop3A_244, %parallel_loop3A_254 : vector<16xi32>
        scf.yield %parallel_loop3A_255 : vector<16xi32>
      } {sc.loop_unroll_factor = 8 : i64, sc.parallel_access}
      %reduce_max3A_166 = arith.constant true
      %reduce_max3A_167 = vector.broadcast %reduce_max3A_166 : i1 to vector<16xi1>
      %reduce_max3A_168 = arith.constant -2147483648 : i32
      %reduce_max3A_169 = vector.broadcast %reduce_max3A_168 : i32 to vector<16xi32>
      %reduce_max3A_170 = arith.xori %parallel_loop3A_165, %reduce_max3A_169 : vector<16xi32>
      %reduce_max3A_171 = tpu.scan <max>, %reduce_max3A_170 masked %reduce_max3A_167 : vector<16xi32>, vector<16xi1> -> vector<16xi32>
      %reduce_max3A_172 = arith.xori %reduce_max3A_171, %reduce_max3A_169 : vector<16xi32>
      %reduce_max3A_173 = vector.extract %reduce_max3A_172[15] : i32 from vector<16xi32>
      %add3A_174 = arith.constant 1 : i32
      %add3A_175 = arith.addi %reduce_max3A_173, %add3A_174 : i32
      %ge3A_176 = arith.constant 128 : i32
      %ge3A_177 = arith.cmpi sge, %add3A_175, %ge3A_176 : i32
      %convert_element_type3A_178 = arith.extui %ge3A_177 : i1 to i32
      %cond3A_179 = arith.constant 0 : i32
      %cond3A_180 = arith.constant 0 : i32
      %cond3A_181 = arith.cmpi ne, %convert_element_type3A_178, %cond3A_180 : i32
      %cond3A_182:3 = scf.if %cond3A_181 -> (i32, i32, i32) {
        %cond3A_243 = arith.constant 128 : i32
        %cond3A_244 = arith.constant 24 : i32
        scf.yield %add3A_175, %cond3A_243, %cond3A_244 : i32, i32, i32
      } else {
        %swap3A = arith.constant 0 : index
        %swap3A_243 = tpu.vector_load %arg7[%swap3A] {strides = array<i32>} : memref<16xi32, #tpu.memory_space<vmem>>, vector<16xi32>,
        tpu.vector_store %arg7[%swap3A], %broadcast_in_dim3A_5 {strides = array<i32>} : memref<16xi32, #tpu.memory_space<vmem>>, vector<16xi32>,
        %scan3A_244 = arith.constant 0 : i32
        %scan3A_245 = arith.constant 0 : i32
        %scan3A_246 = arith.constant 512 : i32
        %scan3A_247 = arith.addi %scan3A_245, %scan3A_246 : i32
        %scan3A_248 = arith.constant 1 : i32
        %scan3A_249 = scf.for %scan3A_290 = %scan3A_245 to %scan3A_247 step %scan3A_248 iter_args(%scan3A_291 = %scan3A_244) -> (i32)  : i32 {
          %mul3A_292 = arith.constant 16 : i32
          %mul3A_293 = arith.muli %scan3A_290, %mul3A_292 : i32
          %add3A_294 = arith.constant 8192 : i32
          %add3A_295 = arith.addi %add3A_294, %mul3A_293 : i32
          %get3A_296 = arith.index_cast %add3A_295 : i32 to index
          %get3A_297 = tpu.vector_load %arg4[%get3A_296] {strides = array<i32>} : memref<16384xf32, #tpu.memory_space<vmem>>, vector<16xf32>,
          %bitcast_convert_type3A_298 = tpu.bitcast %get3A_297 : vector<16xf32> -> vector<16xi32>
          %shift_right_arithmetic3A_299 = arith.constant 31 : i32
          %shift_right_arithmetic3A_300 = vector.broadcast %shift_right_arithmetic3A_299 : i32 to vector<16xi32>
          %shift_right_arithmetic3A_301 = arith.shrsi %bitcast_convert_type3A_298, %shift_right_arithmetic3A_300 : vector<16xi32>
          %shift_right_logical3A_302 = arith.constant 1 : i32
          %shift_right_logical3A_303 = vector.broadcast %shift_right_logical3A_302 : i32 to vector<16xi32>
          %shift_right_logical3A_304 = arith.shrui %shift_right_arithmetic3A_301, %shift_right_logical3A_303 : vector<16xi32>
          %xor3A_305 = arith.xori %bitcast_convert_type3A_298, %shift_right_logical3A_304 : vector<16xi32>
          %shift_right_logical3A_306 = arith.constant 28 : i32
          %shift_right_logical3A_307 = vector.broadcast %shift_right_logical3A_306 : i32 to vector<16xi32>
          %shift_right_logical3A_308 = arith.shrui %xor3A_305, %shift_right_logical3A_307 : vector<16xi32>
          %xor3A_309 = arith.constant 8 : i32
          %xor3A_310 = vector.broadcast %xor3A_309 : i32 to vector<16xi32>
          %xor3A_311 = arith.xori %shift_right_logical3A_308, %xor3A_310 : vector<16xi32>
          tpu.vector_store_idx %arg7[%xor3A_311], %broadcast_in_dim3A_3 {add = true} : memref<16xi32, #tpu.memory_space<vmem>>[vector<16xi32>], vector<16xi32>,
          %scan3A_312 = arith.constant 0 : i32
          scf.yield %scan3A_312 : i32
        }
        %scan3A_250 = arith.constant 512 : i32
        %get3A = arith.constant 0 : index
        %get3A_251 = tpu.vector_load %arg7[%get3A] {strides = array<i32>} : memref<16xi32, #tpu.memory_space<vmem>>, vector<16xi32>,
        %broadcast_in_dim3A_252 = arith.constant 128 : i32
        %broadcast_in_dim3A_253 = vector.broadcast %broadcast_in_dim3A_252 : i32 to vector<16xi32>
        %rev3A = arith.constant 15 : i32
        %rev3A_254 = vector.broadcast %rev3A : i32 to vector<16xi32>
        %rev3A_255 = tpu.iota {dimensions = array<i32: 0>} : vector<16xi32>
        %rev3A_256 = arith.subi %rev3A_254, %rev3A_255 : vector<16xi32>
        %rev3A_257 = tpu.dynamic_gather %get3A_251[%rev3A_256] in [0] : vector<16xi32>, vector<16xi32> -> vector<16xi32>
        %broadcast_in_dim3A_258 = arith.constant true
        %broadcast_in_dim3A_259 = vector.broadcast %broadcast_in_dim3A_258 : i1 to vector<16xi1>
        %masked_cumsum3A = tpu.scan <sum>, %rev3A_257 masked %broadcast_in_dim3A_259 : vector<16xi32>, vector<16xi1> -> vector<16xi32>
        %ge3A_260 = arith.cmpi sge, %masked_cumsum3A, %broadcast_in_dim3A_253 : vector<16xi32>
        %all_reduce_ffs3A = tpu.all_reduce %ge3A_260 {dim = 0 : i64, kind = #tpu.reduction_kind<find_first_set>} : vector<16xi1> -> vector<16xi32>
        %sub3A_261 = arith.constant 15 : i32
        %sub3A_262 = vector.broadcast %sub3A_261 : i32 to vector<16xi32>
        %sub3A_263 = arith.subi %sub3A_262, %all_reduce_ffs3A : vector<16xi32>
        %sub3A_264 = arith.subi %masked_cumsum3A, %rev3A_257 : vector<16xi32>
        %lt3A_265 = arith.constant 0 : i32
        %lt3A_266 = vector.broadcast %lt3A_265 : i32 to vector<16xi32>
        %lt3A_267 = arith.cmpi slt, %all_reduce_ffs3A, %lt3A_266 : vector<16xi32>
        %add3A_268 = arith.constant 16 : i32
        %add3A_269 = vector.broadcast %add3A_268 : i32 to vector<16xi32>
        %add3A_270 = arith.addi %all_reduce_ffs3A, %add3A_269 : vector<16xi32>
        %select_n3A = arith.select %lt3A_267, %add3A_270, %all_reduce_ffs3A : vector<16xi1>, vector<16xi32>
        %broadcast_in_dim3A_271 = vector.shape_cast %select_n3A : vector<16xi32> to vector<16x1xi32>
        %gather3A = vector.shape_cast %broadcast_in_dim3A_271 : vector<16x1xi32> to vector<16xi32>
        %gather3A_272 = tpu.dynamic_gather %sub3A_264[%gather3A] in [0] : vector<16xi32>, vector<16xi32> -> vector<16xi32>
        %sub3A_273 = arith.subi %broadcast_in_dim3A_253, %gather3A_272 : vector<16xi32>
        %scan3A_274 = arith.constant 0 : i32
        %scan3A_275 = arith.constant 512 : i32
        %scan3A_276 = arith.addi %scan3A_274, %scan3A_275 : i32
        %scan3A_277 = arith.constant 2 : i32
        %scan3A_278 = scf.for %scan3A_290 = %scan3A_274 to %scan3A_276 step %scan3A_277 iter_args(%scan3A_291 = %broadcast_in_dim3A_5) -> (vector<16xi32>)  : i32 {
          %mul3A_292 = arith.constant 16 : i32
          %mul3A_293 = arith.muli %scan3A_290, %mul3A_292 : i32
          %add3A_294 = arith.constant 8192 : i32
          %add3A_295 = arith.addi %add3A_294, %mul3A_293 : i32
          %get3A_296 = arith.index_cast %add3A_295 : i32 to index
          %get3A_297 = tpu.vector_load %arg4[%get3A_296] {strides = array<i32>} : memref<16384xf32, #tpu.memory_space<vmem>>, vector<16xf32>,
          %bitcast_convert_type3A_298 = tpu.bitcast %get3A_297 : vector<16xf32> -> vector<16xi32>
          %shift_right_arithmetic3A_299 = arith.constant 31 : i32
          %shift_right_arithmetic3A_300 = vector.broadcast %shift_right_arithmetic3A_299 : i32 to vector<16xi32>
          %shift_right_arithmetic3A_301 = arith.shrsi %bitcast_convert_type3A_298, %shift_right_arithmetic3A_300 : vector<16xi32>
          %shift_right_logical3A_302 = arith.constant 1 : i32
          %shift_right_logical3A_303 = vector.broadcast %shift_right_logical3A_302 : i32 to vector<16xi32>
          %shift_right_logical3A_304 = arith.shrui %shift_right_arithmetic3A_301, %shift_right_logical3A_303 : vector<16xi32>
          %xor3A_305 = arith.xori %bitcast_convert_type3A_298, %shift_right_logical3A_304 : vector<16xi32>
          %shift_right_logical3A_306 = arith.constant 28 : i32
          %shift_right_logical3A_307 = vector.broadcast %shift_right_logical3A_306 : i32 to vector<16xi32>
          %shift_right_logical3A_308 = arith.shrui %xor3A_305, %shift_right_logical3A_307 : vector<16xi32>
          %xor3A_309 = arith.constant 8 : i32
          %xor3A_310 = vector.broadcast %xor3A_309 : i32 to vector<16xi32>
          %xor3A_311 = arith.xori %shift_right_logical3A_308, %xor3A_310 : vector<16xi32>
          %ge3A_312 = arith.cmpi sge, %xor3A_311, %sub3A_263 : vector<16xi32>
          %masked_cumsum3A_313 = tpu.scan <sum>, %broadcast_in_dim3A_3 masked %ge3A_312 : vector<16xi32>, vector<16xi1> -> vector<16xi32>
          %add3A_314 = arith.addi %scan3A_291, %masked_cumsum3A_313 : vector<16xi32>
          %sub3A_315 = arith.constant 1 : i32
          %sub3A_316 = vector.broadcast %sub3A_315 : i32 to vector<16xi32>
          %sub3A_317 = arith.subi %add3A_314, %sub3A_316 : vector<16xi32>
          tpu.vector_store_idx %arg5[%sub3A_317], %get3A_297 masked %ge3A_312 : memref<24576xf32, #tpu.memory_space<vmem>>[vector<16xi32>], vector<16xf32>, vector<16xi1>
          %all_reduce_population_count3A = tpu.all_reduce %ge3A_312 {dim = 0 : i64, kind = #tpu.reduction_kind<sum>} : vector<16xi1> -> vector<16xi32>
          %add3A_318 = arith.addi %scan3A_291, %all_reduce_population_count3A : vector<16xi32>
          %scan3A_319 = arith.constant 1 : i32
          %scan3A_320 = arith.addi %scan3A_290, %scan3A_319 : i32
          %mul3A_321 = arith.constant 16 : i32
          %mul3A_322 = arith.muli %scan3A_320, %mul3A_321 : i32
          %add3A_323 = arith.constant 8192 : i32
          %add3A_324 = arith.addi %add3A_323, %mul3A_322 : i32
          %get3A_325 = arith.index_cast %add3A_324 : i32 to index
          %get3A_326 = tpu.vector_load %arg4[%get3A_325] {strides = array<i32>} : memref<16384xf32, #tpu.memory_space<vmem>>, vector<16xf32>,
          %bitcast_convert_type3A_327 = tpu.bitcast %get3A_326 : vector<16xf32> -> vector<16xi32>
          %shift_right_arithmetic3A_328 = arith.constant 31 : i32
          %shift_right_arithmetic3A_329 = vector.broadcast %shift_right_arithmetic3A_328 : i32 to vector<16xi32>
          %shift_right_arithmetic3A_330 = arith.shrsi %bitcast_convert_type3A_327, %shift_right_arithmetic3A_329 : vector<16xi32>
          %shift_right_logical3A_331 = arith.constant 1 : i32
          %shift_right_logical3A_332 = vector.broadcast %shift_right_logical3A_331 : i32 to vector<16xi32>
          %shift_right_logical3A_333 = arith.shrui %shift_right_arithmetic3A_330, %shift_right_logical3A_332 : vector<16xi32>
          %xor3A_334 = arith.xori %bitcast_convert_type3A_327, %shift_right_logical3A_333 : vector<16xi32>
          %shift_right_logical3A_335 = arith.constant 28 : i32
          %shift_right_logical3A_336 = vector.broadcast %shift_right_logical3A_335 : i32 to vector<16xi32>
          %shift_right_logical3A_337 = arith.shrui %xor3A_334, %shift_right_logical3A_336 : vector<16xi32>
          %xor3A_338 = arith.constant 8 : i32
          %xor3A_339 = vector.broadcast %xor3A_338 : i32 to vector<16xi32>
          %xor3A_340 = arith.xori %shift_right_logical3A_337, %xor3A_339 : vector<16xi32>
          %ge3A_341 = arith.cmpi sge, %xor3A_340, %sub3A_263 : vector<16xi32>
          %masked_cumsum3A_342 = tpu.scan <sum>, %broadcast_in_dim3A_3 masked %ge3A_341 : vector<16xi32>, vector<16xi1> -> vector<16xi32>
          %add3A_343 = arith.addi %add3A_318, %masked_cumsum3A_342 : vector<16xi32>
          %sub3A_344 = arith.constant 1 : i32
          %sub3A_345 = vector.broadcast %sub3A_344 : i32 to vector<16xi32>
          %sub3A_346 = arith.subi %add3A_343, %sub3A_345 : vector<16xi32>
          tpu.vector_store_idx %arg5[%sub3A_346], %get3A_326 masked %ge3A_341 : memref<24576xf32, #tpu.memory_space<vmem>>[vector<16xi32>], vector<16xf32>, vector<16xi1>
          %all_reduce_population_count3A_347 = tpu.all_reduce %ge3A_341 {dim = 0 : i64, kind = #tpu.reduction_kind<sum>} : vector<16xi1> -> vector<16xi32>
          %add3A_348 = arith.addi %add3A_318, %all_reduce_population_count3A_347 : vector<16xi32>
          scf.yield %add3A_348 : vector<16xi32>
        }
        %scan3A_279 = arith.constant 512 : i32
        %reduce_max3A_280 = arith.constant true
        %reduce_max3A_281 = vector.broadcast %reduce_max3A_280 : i1 to vector<16xi1>
        %reduce_max3A_282 = arith.constant -2147483648 : i32
        %reduce_max3A_283 = vector.broadcast %reduce_max3A_282 : i32 to vector<16xi32>
        %reduce_max3A_284 = arith.xori %scan3A_278, %reduce_max3A_283 : vector<16xi32>
        %reduce_max3A_285 = tpu.scan <max>, %reduce_max3A_284 masked %reduce_max3A_281 : vector<16xi32>, vector<16xi1> -> vector<16xi32>
        %reduce_max3A_286 = arith.xori %reduce_max3A_285, %reduce_max3A_283 : vector<16xi32>
        %reduce_max3A_287 = vector.extract %reduce_max3A_286[15] : i32 from vector<16xi32>
        %cond3A_288 = arith.constant 128 : i32
        %cond3A_289 = arith.constant 24 : i32
        scf.yield %reduce_max3A_287, %cond3A_288, %cond3A_289 : i32, i32, i32
      }
      %add3A_183 = arith.constant 2 : i32
      %add3A_184 = arith.addi %add3A_148, %add3A_183 : i32
      %lt3A_185 = arith.constant 128 : i32
      %lt3A_186 = arith.cmpi slt, %add3A_184, %lt3A_185 : i32
      %convert_element_type3A_187 = arith.extui %lt3A_186 : i1 to i32
      %cond3A_188 = arith.constant 0 : i32
      %cond3A_189 = arith.cmpi ne, %convert_element_type3A_187, %cond3A_188 : i32
      scf.if %cond3A_189 {
        %add3A_243 = arith.constant 2 : i32
        %add3A_244 = arith.addi %add3A_149, %add3A_243 : i32
        %dma_start3A_245 = arith.constant 8192 : i32
        %dma_start3A_246 = tpu.memref_slice %arg4[%dma_start3A_245] : memref<16384xf32, #tpu.memory_space<vmem>> -> memref<8192xf32, #tpu.memory_space<vmem>>
        %dma_start3A_247 = arith.constant 0 : i32
        %dma_start3A_248 = tpu.memref_slice %arg2[%add3A_244, %dma_start3A_247] : memref<4096x8192xf32, #tpu.memory_space<hbm>> -> memref<1x8192xf32, #tpu.memory_space<hbm>>
        %dma_start3A_249 = tpu.memref_squeeze %dma_start3A_248 : memref<1x8192xf32, #tpu.memory_space<hbm>> -> memref<8192xf32, #tpu.memory_space<hbm>>
        %dma_start3A_250 = arith.constant 8192 : i32
        %dma_start3A_251 = tpu.memref_slice %arg4[%dma_start3A_250] : memref<16384xf32, #tpu.memory_space<vmem>> -> memref<8192xf32, #tpu.memory_space<vmem>>
        %dma_start3A_252 = arith.constant 0 : i32
        %dma_start3A_253 = tpu.memref_slice %arg2[%add3A_244, %dma_start3A_252] : memref<4096x8192xf32, #tpu.memory_space<hbm>> -> memref<1x8192xf32, #tpu.memory_space<hbm>>
        %dma_start3A_254 = tpu.memref_squeeze %dma_start3A_253 : memref<1x8192xf32, #tpu.memory_space<hbm>> -> memref<8192xf32, #tpu.memory_space<hbm>>
        tpu.enqueue_dma source(%dma_start3A_254 : memref<8192xf32, #tpu.memory_space<hbm>>) target(%dma_start3A_251 : memref<8192xf32, #tpu.memory_space<vmem>>) target_semaphore(%arg10 : memref<!tpu.dma_semaphore, #tpu.memory_space<semaphore_mem>>)
      } else {
      }
      %broadcast_in_dim3A_190 = vector.broadcast %cond3A_182#1 : i32 to vector<16xi32>
      %while3A_191 = arith.constant 0 : i32
      %while3A_192:4 = scf.while (%while3A_243 = %cond3A_182#2, %while3A_244 = %while3A_191, %while3A_245 = %cond3A_182#0, %while3A_246 = %broadcast_in_dim3A_190) : (i32, i32, i32, vector<16xi32>) -> (i32, i32, i32, vector<16xi32>) {
        %gt3A = arith.constant 16 : i32
        %gt3A_247 = arith.cmpi sgt, %while3A_245, %gt3A : i32
        %ge3A_248 = arith.constant 0 : i32
        %ge3A_249 = arith.cmpi sge, %while3A_243, %ge3A_248 : i32
        %and3A = arith.andi %gt3A_247, %ge3A_249 : i1
        scf.condition(%and3A) %while3A_243, %while3A_244, %while3A_245, %while3A_246 : i32, i32, i32, vector<16xi32>
      } do {
      ^bb0(%while3A_243: i32, %while3A_244: i32, %while3A_245: i32, %while3A_246: vector<16xi32>):
        %mul3A_247 = arith.constant 8192 : i32
        %mul3A_248 = arith.muli %while3A_244, %mul3A_247 : i32
        %swap3A = arith.constant 0 : index
        %swap3A_249 = tpu.vector_load %arg7[%swap3A] {strides = array<i32>} : memref<16xi32, #tpu.memory_space<vmem>>, vector<16xi32>,
        tpu.vector_store %arg7[%swap3A], %broadcast_in_dim3A_5 {strides = array<i32>} : memref<16xi32, #tpu.memory_space<vmem>>, vector<16xi32>,
        %swap3A_250 = arith.constant 0 : index
        %swap3A_251 = tpu.vector_load %arg8[%swap3A_250] {strides = array<i32>} : memref<256xi32, #tpu.memory_space<vmem>>, vector<16xi32>,
        tpu.vector_store %arg8[%swap3A_250], %broadcast_in_dim3A_5 {strides = array<i32>} : memref<256xi32, #tpu.memory_space<vmem>>, vector<16xi32>,
        %swap3A_252 = arith.constant 16 : index
        %swap3A_253 = tpu.vector_load %arg8[%swap3A_252] {strides = array<i32>} : memref<256xi32, #tpu.memory_space<vmem>>, vector<16xi32>,
        tpu.vector_store %arg8[%swap3A_252], %broadcast_in_dim3A_5 {strides = array<i32>} : memref<256xi32, #tpu.memory_space<vmem>>, vector<16xi32>,
        %swap3A_254 = arith.constant 32 : index
        %swap3A_255 = tpu.vector_load %arg8[%swap3A_254] {strides = array<i32>} : memref<256xi32, #tpu.memory_space<vmem>>, vector<16xi32>,
        tpu.vector_store %arg8[%swap3A_254], %broadcast_in_dim3A_5 {strides = array<i32>} : memref<256xi32, #tpu.memory_space<vmem>>, vector<16xi32>,
        %swap3A_256 = arith.constant 48 : index
        %swap3A_257 = tpu.vector_load %arg8[%swap3A_256] {strides = array<i32>} : memref<256xi32, #tpu.memory_space<vmem>>, vector<16xi32>,
        tpu.vector_store %arg8[%swap3A_256], %broadcast_in_dim3A_5 {strides = array<i32>} : memref<256xi32, #tpu.memory_space<vmem>>, vector<16xi32>,
        %swap3A_258 = arith.constant 64 : index
        %swap3A_259 = tpu.vector_load %arg8[%swap3A_258] {strides = array<i32>} : memref<256xi32, #tpu.memory_space<vmem>>, vector<16xi32>,
        tpu.vector_store %arg8[%swap3A_258], %broadcast_in_dim3A_5 {strides = array<i32>} : memref<256xi32, #tpu.memory_space<vmem>>, vector<16xi32>,
        %swap3A_260 = arith.constant 80 : index
        %swap3A_261 = tpu.vector_load %arg8[%swap3A_260] {strides = array<i32>} : memref<256xi32, #tpu.memory_space<vmem>>, vector<16xi32>,
        tpu.vector_store %arg8[%swap3A_260], %broadcast_in_dim3A_5 {strides = array<i32>} : memref<256xi32, #tpu.memory_space<vmem>>, vector<16xi32>,
        %swap3A_262 = arith.constant 96 : index
        %swap3A_263 = tpu.vector_load %arg8[%swap3A_262] {strides = array<i32>} : memref<256xi32, #tpu.memory_space<vmem>>, vector<16xi32>,
        tpu.vector_store %arg8[%swap3A_262], %broadcast_in_dim3A_5 {strides = array<i32>} : memref<256xi32, #tpu.memory_space<vmem>>, vector<16xi32>,
        %swap3A_264 = arith.constant 112 : index
        %swap3A_265 = tpu.vector_load %arg8[%swap3A_264] {strides = array<i32>} : memref<256xi32, #tpu.memory_space<vmem>>, vector<16xi32>,
        tpu.vector_store %arg8[%swap3A_264], %broadcast_in_dim3A_5 {strides = array<i32>} : memref<256xi32, #tpu.memory_space<vmem>>, vector<16xi32>,
        %swap3A_266 = arith.constant 128 : index
        %swap3A_267 = tpu.vector_load %arg8[%swap3A_266] {strides = array<i32>} : memref<256xi32, #tpu.memory_space<vmem>>, vector<16xi32>,
        tpu.vector_store %arg8[%swap3A_266], %broadcast_in_dim3A_5 {strides = array<i32>} : memref<256xi32, #tpu.memory_space<vmem>>, vector<16xi32>,
        %swap3A_268 = arith.constant 144 : index
        %swap3A_269 = tpu.vector_load %arg8[%swap3A_268] {strides = array<i32>} : memref<256xi32, #tpu.memory_space<vmem>>, vector<16xi32>,
        tpu.vector_store %arg8[%swap3A_268], %broadcast_in_dim3A_5 {strides = array<i32>} : memref<256xi32, #tpu.memory_space<vmem>>, vector<16xi32>,
        %swap3A_270 = arith.constant 160 : index
        %swap3A_271 = tpu.vector_load %arg8[%swap3A_270] {strides = array<i32>} : memref<256xi32, #tpu.memory_space<vmem>>, vector<16xi32>,
        tpu.vector_store %arg8[%swap3A_270], %broadcast_in_dim3A_5 {strides = array<i32>} : memref<256xi32, #tpu.memory_space<vmem>>, vector<16xi32>,
        %swap3A_272 = arith.constant 176 : index
        %swap3A_273 = tpu.vector_load %arg8[%swap3A_272] {strides = array<i32>} : memref<256xi32, #tpu.memory_space<vmem>>, vector<16xi32>,
        tpu.vector_store %arg8[%swap3A_272], %broadcast_in_dim3A_5 {strides = array<i32>} : memref<256xi32, #tpu.memory_space<vmem>>, vector<16xi32>,
        %swap3A_274 = arith.constant 192 : index
        %swap3A_275 = tpu.vector_load %arg8[%swap3A_274] {strides = array<i32>} : memref<256xi32, #tpu.memory_space<vmem>>, vector<16xi32>,
        tpu.vector_store %arg8[%swap3A_274], %broadcast_in_dim3A_5 {strides = array<i32>} : memref<256xi32, #tpu.memory_space<vmem>>, vector<16xi32>,
        %swap3A_276 = arith.constant 208 : index
        %swap3A_277 = tpu.vector_load %arg8[%swap3A_276] {strides = array<i32>} : memref<256xi32, #tpu.memory_space<vmem>>, vector<16xi32>,
        tpu.vector_store %arg8[%swap3A_276], %broadcast_in_dim3A_5 {strides = array<i32>} : memref<256xi32, #tpu.memory_space<vmem>>, vector<16xi32>,
        %swap3A_278 = arith.constant 224 : index
        %swap3A_279 = tpu.vector_load %arg8[%swap3A_278] {strides = array<i32>} : memref<256xi32, #tpu.memory_space<vmem>>, vector<16xi32>,
        tpu.vector_store %arg8[%swap3A_278], %broadcast_in_dim3A_5 {strides = array<i32>} : memref<256xi32, #tpu.memory_space<vmem>>, vector<16xi32>,
        %swap3A_280 = arith.constant 240 : index
        %swap3A_281 = tpu.vector_load %arg8[%swap3A_280] {strides = array<i32>} : memref<256xi32, #tpu.memory_space<vmem>>, vector<16xi32>,
        tpu.vector_store %arg8[%swap3A_280], %broadcast_in_dim3A_5 {strides = array<i32>} : memref<256xi32, #tpu.memory_space<vmem>>, vector<16xi32>,
        %add3A_282 = arith.constant 15 : i32
        %add3A_283 = arith.addi %while3A_245, %add3A_282 : i32
        %shift_right_arithmetic3A_284 = arith.constant 4 : i32
        %shift_right_arithmetic3A_285 = arith.shrsi %add3A_283, %shift_right_arithmetic3A_284 : i32
        %eq3A_286 = arith.constant 24 : i32
        %eq3A_287 = arith.cmpi eq, %while3A_243, %eq3A_286 : i32
        %jit3A = arith.constant 128 : i32
        %jit3A_288 = arith.constant 0 : i32
        %select_n3A = arith.select %eq3A_287, %jit3A, %jit3A_288 : i32
        %parallel_loop3A_289 = arith.constant 0 : i32
        %parallel_loop3A_290 = arith.constant 1 : i32
        %parallel_loop3A_291 = arith.constant 0 : i32
        %parallel_loop3A_292 = scf.for %parallel_loop3A_375 = %parallel_loop3A_289 to %shift_right_arithmetic3A_285 step %parallel_loop3A_290 iter_args(%parallel_loop3A_376 = %parallel_loop3A_291) -> (i32)  : i32 {
          %parallel_loop3A_377 = arith.constant 16 : i32
          %parallel_loop3A_378 = arith.muli %parallel_loop3A_375, %parallel_loop3A_377 : i32
          %parallel_loop3A_379 = vector.broadcast %parallel_loop3A_378 : i32 to vector<16xi32>
          %parallel_loop3A_380 = arith.addi %iota3A, %parallel_loop3A_379 : vector<16xi32>
          %parallel_loop3A_381 = vector.broadcast %while3A_245 : i32 to vector<16xi32>
          %parallel_loop3A_382 = arith.cmpi slt, %parallel_loop3A_380, %parallel_loop3A_381 : vector<16xi32>
          %parallel_loop3A_383 = arith.constant 16 : i32
          %parallel_loop3A_384 = arith.muli %parallel_loop3A_375, %parallel_loop3A_383 : i32
          %parallel_loop3A_385 = arith.addi %mul3A_248, %parallel_loop3A_384 : i32
          %parallel_loop3A_386 = arith.index_cast %parallel_loop3A_385 : i32 to index
          %parallel_loop3A_387 = tpu.vector_load %arg5[%parallel_loop3A_386] {strides = array<i32>} : memref<24576xf32, #tpu.memory_space<vmem>>, vector<16xf32>,
          %parallel_loop3A_388 = tpu.bitcast %parallel_loop3A_387 : vector<16xf32> -> vector<16xi32>
          %parallel_loop3A_389 = arith.constant 31 : i32
          %parallel_loop3A_390 = vector.broadcast %parallel_loop3A_389 : i32 to vector<16xi32>
          %parallel_loop3A_391 = arith.shrsi %parallel_loop3A_388, %parallel_loop3A_390 : vector<16xi32>
          %parallel_loop3A_392 = arith.constant 1 : i32
          %parallel_loop3A_393 = vector.broadcast %parallel_loop3A_392 : i32 to vector<16xi32>
          %parallel_loop3A_394 = arith.shrui %parallel_loop3A_391, %parallel_loop3A_393 : vector<16xi32>
          %parallel_loop3A_395 = arith.xori %parallel_loop3A_388, %parallel_loop3A_394 : vector<16xi32>
          %parallel_loop3A_396 = vector.broadcast %while3A_243 : i32 to vector<16xi32>
          %parallel_loop3A_397 = arith.shrui %parallel_loop3A_395, %parallel_loop3A_396 : vector<16xi32>
          %parallel_loop3A_398 = arith.constant 255 : i32
          %parallel_loop3A_399 = vector.broadcast %parallel_loop3A_398 : i32 to vector<16xi32>
          %parallel_loop3A_400 = arith.andi %parallel_loop3A_397, %parallel_loop3A_399 : vector<16xi32>
          %parallel_loop3A_401 = vector.broadcast %select_n3A : i32 to vector<16xi32>
          %parallel_loop3A_402 = arith.xori %parallel_loop3A_400, %parallel_loop3A_401 : vector<16xi32>
          tpu.vector_store_idx %arg8[%parallel_loop3A_402], %broadcast_in_dim3A_3 masked %parallel_loop3A_382 {add = true} : memref<256xi32, #tpu.memory_space<vmem>>[vector<16xi32>], vector<16xi32>, vector<16xi1>
          %parallel_loop3A_403 = arith.constant 4 : i32
          %parallel_loop3A_404 = vector.broadcast %parallel_loop3A_403 : i32 to vector<16xi32>
          %parallel_loop3A_405 = arith.shrui %parallel_loop3A_402, %parallel_loop3A_404 : vector<16xi32>
          tpu.vector_store_idx %arg7[%parallel_loop3A_405], %broadcast_in_dim3A_3 masked %parallel_loop3A_382 {add = true} : memref<16xi32, #tpu.memory_space<vmem>>[vector<16xi32>], vector<16xi32>, vector<16xi1>
          scf.yield %parallel_loop3A_376 : i32
        } {sc.loop_unroll_factor = 2 : i64, sc.parallel_access}
        %get3A = arith.constant 0 : index
        %get3A_293 = tpu.vector_load %arg7[%get3A] {strides = array<i32>} : memref<16xi32, #tpu.memory_space<vmem>>, vector<16xi32>,
        %rev3A = arith.constant 15 : i32
        %rev3A_294 = vector.broadcast %rev3A : i32 to vector<16xi32>
        %rev3A_295 = tpu.iota {dimensions = array<i32: 0>} : vector<16xi32>
        %rev3A_296 = arith.subi %rev3A_294, %rev3A_295 : vector<16xi32>
        %rev3A_297 = tpu.dynamic_gather %get3A_293[%rev3A_296] in [0] : vector<16xi32>, vector<16xi32> -> vector<16xi32>
        %broadcast_in_dim3A_298 = arith.constant true
        %broadcast_in_dim3A_299 = vector.broadcast %broadcast_in_dim3A_298 : i1 to vector<16xi1>
        %masked_cumsum3A = tpu.scan <sum>, %rev3A_297 masked %broadcast_in_dim3A_299 : vector<16xi32>, vector<16xi1> -> vector<16xi32>
        %ge3A_300 = arith.cmpi sge, %masked_cumsum3A, %while3A_246 : vector<16xi32>
        %all_reduce_ffs3A = tpu.all_reduce %ge3A_300 {dim = 0 : i64, kind = #tpu.reduction_kind<find_first_set>} : vector<16xi1> -> vector<16xi32>
        %sub3A_301 = arith.constant 15 : i32
        %sub3A_302 = vector.broadcast %sub3A_301 : i32 to vector<16xi32>
        %sub3A_303 = arith.subi %sub3A_302, %all_reduce_ffs3A : vector<16xi32>
        %sub3A_304 = arith.subi %masked_cumsum3A, %rev3A_297 : vector<16xi32>
        %lt3A_305 = arith.constant 0 : i32
        %lt3A_306 = vector.broadcast %lt3A_305 : i32 to vector<16xi32>
        %lt3A_307 = arith.cmpi slt, %all_reduce_ffs3A, %lt3A_306 : vector<16xi32>
        %add3A_308 = arith.constant 16 : i32
        %add3A_309 = vector.broadcast %add3A_308 : i32 to vector<16xi32>
        %add3A_310 = arith.addi %all_reduce_ffs3A, %add3A_309 : vector<16xi32>
        %select_n3A_311 = arith.select %lt3A_307, %add3A_310, %all_reduce_ffs3A : vector<16xi1>, vector<16xi32>
        %broadcast_in_dim3A_312 = vector.shape_cast %select_n3A_311 : vector<16xi32> to vector<16x1xi32>
        %gather3A = vector.shape_cast %broadcast_in_dim3A_312 : vector<16x1xi32> to vector<16xi32>
        %gather3A_313 = tpu.dynamic_gather %sub3A_304[%gather3A] in [0] : vector<16xi32>, vector<16xi32> -> vector<16xi32>
        %sub3A_314 = arith.subi %while3A_246, %gather3A_313 : vector<16xi32>
        %mul3A_315 = arith.constant 16 : i32
        %mul3A_316 = vector.broadcast %mul3A_315 : i32 to vector<16xi32>
        %mul3A_317 = arith.muli %sub3A_303, %mul3A_316 : vector<16xi32>
        %add3A_318 = arith.addi %mul3A_317, %iota3A : vector<16xi32>
        %gather3A_319 = tpu.vector_load_idx %arg8[%add3A_318] : memref<256xi32, #tpu.memory_space<vmem>>[vector<16xi32>], vector<16xi32>,
        %rev3A_320 = arith.constant 15 : i32
        %rev3A_321 = vector.broadcast %rev3A_320 : i32 to vector<16xi32>
        %rev3A_322 = tpu.iota {dimensions = array<i32: 0>} : vector<16xi32>
        %rev3A_323 = arith.subi %rev3A_321, %rev3A_322 : vector<16xi32>
        %rev3A_324 = tpu.dynamic_gather %gather3A_319[%rev3A_323] in [0] : vector<16xi32>, vector<16xi32> -> vector<16xi32>
        %broadcast_in_dim3A_325 = arith.constant true
        %broadcast_in_dim3A_326 = vector.broadcast %broadcast_in_dim3A_325 : i1 to vector<16xi1>
        %masked_cumsum3A_327 = tpu.scan <sum>, %rev3A_324 masked %broadcast_in_dim3A_326 : vector<16xi32>, vector<16xi1> -> vector<16xi32>
        %ge3A_328 = arith.cmpi sge, %masked_cumsum3A_327, %sub3A_314 : vector<16xi32>
        %all_reduce_ffs3A_329 = tpu.all_reduce %ge3A_328 {dim = 0 : i64, kind = #tpu.reduction_kind<find_first_set>} : vector<16xi1> -> vector<16xi32>
        %sub3A_330 = arith.constant 15 : i32
        %sub3A_331 = vector.broadcast %sub3A_330 : i32 to vector<16xi32>
        %sub3A_332 = arith.subi %sub3A_331, %all_reduce_ffs3A_329 : vector<16xi32>
        %sub3A_333 = arith.subi %masked_cumsum3A_327, %rev3A_324 : vector<16xi32>
        %lt3A_334 = arith.constant 0 : i32
        %lt3A_335 = vector.broadcast %lt3A_334 : i32 to vector<16xi32>
        %lt3A_336 = arith.cmpi slt, %all_reduce_ffs3A_329, %lt3A_335 : vector<16xi32>
        %add3A_337 = arith.constant 16 : i32
        %add3A_338 = vector.broadcast %add3A_337 : i32 to vector<16xi32>
        %add3A_339 = arith.addi %all_reduce_ffs3A_329, %add3A_338 : vector<16xi32>
        %select_n3A_340 = arith.select %lt3A_336, %add3A_339, %all_reduce_ffs3A_329 : vector<16xi1>, vector<16xi32>
        %broadcast_in_dim3A_341 = vector.shape_cast %select_n3A_340 : vector<16xi32> to vector<16x1xi32>
        %gather3A_342 = vector.shape_cast %broadcast_in_dim3A_341 : vector<16x1xi32> to vector<16xi32>
        %gather3A_343 = tpu.dynamic_gather %sub3A_333[%gather3A_342] in [0] : vector<16xi32>, vector<16xi32> -> vector<16xi32>
        %sub3A_344 = arith.subi %sub3A_314, %gather3A_343 : vector<16xi32>
        %mul3A_345 = arith.constant 16 : i32
        %mul3A_346 = vector.broadcast %mul3A_345 : i32 to vector<16xi32>
        %mul3A_347 = arith.muli %sub3A_303, %mul3A_346 : vector<16xi32>
        %add3A_348 = arith.addi %mul3A_347, %sub3A_332 : vector<16xi32>
        %xor3A_349 = vector.broadcast %select_n3A : i32 to vector<16xi32>
        %xor3A_350 = arith.xori %add3A_348, %xor3A_349 : vector<16xi32>
        %eq3A_351 = arith.constant 1 : i32
        %eq3A_352 = arith.cmpi eq, %while3A_244, %eq3A_351 : i32
        %jit3A_353 = arith.constant 2 : i32
        %jit3A_354 = arith.constant 1 : i32
        %select_n3A_355 = arith.select %eq3A_352, %jit3A_353, %jit3A_354 : i32
        %mul3A_356 = arith.constant 8192 : i32
        %mul3A_357 = arith.muli %select_n3A_355, %mul3A_356 : i32
        %broadcast_in_dim3A_358 = arith.constant -1 : i32
        %broadcast_in_dim3A_359 = vector.broadcast %broadcast_in_dim3A_358 : i32 to vector<16xi32>
        %parallel_loop3A_360 = arith.constant 0 : i32
        %parallel_loop3A_361 = arith.constant 1 : i32
        %parallel_loop3A_362 = scf.for %parallel_loop3A_375 = %parallel_loop3A_360 to %shift_right_arithmetic3A_285 step %parallel_loop3A_361 iter_args(%parallel_loop3A_376 = %broadcast_in_dim3A_359) -> (vector<16xi32>)  : i32 {
          %parallel_loop3A_377 = arith.constant 16 : i32
          %parallel_loop3A_378 = arith.muli %parallel_loop3A_375, %parallel_loop3A_377 : i32
          %parallel_loop3A_379 = vector.broadcast %parallel_loop3A_378 : i32 to vector<16xi32>
          %parallel_loop3A_380 = arith.addi %iota3A, %parallel_loop3A_379 : vector<16xi32>
          %parallel_loop3A_381 = vector.broadcast %while3A_245 : i32 to vector<16xi32>
          %parallel_loop3A_382 = arith.cmpi slt, %parallel_loop3A_380, %parallel_loop3A_381 : vector<16xi32>
          %parallel_loop3A_383 = arith.constant 16 : i32
          %parallel_loop3A_384 = arith.muli %parallel_loop3A_375, %parallel_loop3A_383 : i32
          %parallel_loop3A_385 = arith.addi %mul3A_248, %parallel_loop3A_384 : i32
          %parallel_loop3A_386 = arith.index_cast %parallel_loop3A_385 : i32 to index
          %parallel_loop3A_387 = tpu.vector_load %arg5[%parallel_loop3A_386] {strides = array<i32>} : memref<24576xf32, #tpu.memory_space<vmem>>, vector<16xf32>,
          %parallel_loop3A_388 = tpu.bitcast %parallel_loop3A_387 : vector<16xf32> -> vector<16xi32>
          %parallel_loop3A_389 = arith.constant 31 : i32
          %parallel_loop3A_390 = vector.broadcast %parallel_loop3A_389 : i32 to vector<16xi32>
          %parallel_loop3A_391 = arith.shrsi %parallel_loop3A_388, %parallel_loop3A_390 : vector<16xi32>
          %parallel_loop3A_392 = arith.constant 1 : i32
          %parallel_loop3A_393 = vector.broadcast %parallel_loop3A_392 : i32 to vector<16xi32>
          %parallel_loop3A_394 = arith.shrui %parallel_loop3A_391, %parallel_loop3A_393 : vector<16xi32>
          %parallel_loop3A_395 = arith.xori %parallel_loop3A_388, %parallel_loop3A_394 : vector<16xi32>
          %parallel_loop3A_396 = vector.broadcast %while3A_243 : i32 to vector<16xi32>
          %parallel_loop3A_397 = arith.shrui %parallel_loop3A_395, %parallel_loop3A_396 : vector<16xi32>
          %parallel_loop3A_398 = arith.constant 255 : i32
          %parallel_loop3A_399 = vector.broadcast %parallel_loop3A_398 : i32 to vector<16xi32>
          %parallel_loop3A_400 = arith.andi %parallel_loop3A_397, %parallel_loop3A_399 : vector<16xi32>
          %parallel_loop3A_401 = arith.cmpi eq, %parallel_loop3A_400, %xor3A_350 : vector<16xi32>
          %parallel_loop3A_402 = arith.andi %parallel_loop3A_382, %parallel_loop3A_401 : vector<16xi1>
          %parallel_loop3A_403 = tpu.scan <sum>, %broadcast_in_dim3A_3 masked %parallel_loop3A_402 : vector<16xi32>, vector<16xi1> -> vector<16xi32>
          %parallel_loop3A_404 = arith.addi %parallel_loop3A_376, %parallel_loop3A_403 : vector<16xi32>
          %parallel_loop3A_405 = vector.broadcast %mul3A_357 : i32 to vector<16xi32>
          %parallel_loop3A_406 = arith.addi %parallel_loop3A_405, %parallel_loop3A_404 : vector<16xi32>
          tpu.vector_store_idx %arg5[%parallel_loop3A_406], %parallel_loop3A_387 masked %parallel_loop3A_402 : memref<24576xf32, #tpu.memory_space<vmem>>[vector<16xi32>], vector<16xf32>, vector<16xi1>
          %parallel_loop3A_407 = tpu.all_reduce %parallel_loop3A_402 {dim = 0 : i64, kind = #tpu.reduction_kind<sum>} : vector<16xi1> -> vector<16xi32>
          %parallel_loop3A_408 = arith.addi %parallel_loop3A_376, %parallel_loop3A_407 : vector<16xi32>
          scf.yield %parallel_loop3A_408 : vector<16xi32>
        } {sc.loop_unroll_factor = 2 : i64, sc.parallel_access}
        %reduce_max3A_363 = arith.constant true
        %reduce_max3A_364 = vector.broadcast %reduce_max3A_363 : i1 to vector<16xi1>
        %reduce_max3A_365 = arith.constant -2147483648 : i32
        %reduce_max3A_366 = vector.broadcast %reduce_max3A_365 : i32 to vector<16xi32>
        %reduce_max3A_367 = arith.xori %parallel_loop3A_362, %reduce_max3A_366 : vector<16xi32>
        %reduce_max3A_368 = tpu.scan <max>, %reduce_max3A_367 masked %reduce_max3A_364 : vector<16xi32>, vector<16xi1> -> vector<16xi32>
        %reduce_max3A_369 = arith.xori %reduce_max3A_368, %reduce_max3A_366 : vector<16xi32>
        %reduce_max3A_370 = vector.extract %reduce_max3A_369[15] : i32 from vector<16xi32>
        %add3A_371 = arith.constant 1 : i32
        %add3A_372 = arith.addi %reduce_max3A_370, %add3A_371 : i32
        %sub3A_373 = arith.constant 8 : i32
        %sub3A_374 = arith.subi %while3A_243, %sub3A_373 : i32
        scf.yield %sub3A_374, %select_n3A_355, %add3A_372, %sub3A_344 : i32, i32, i32, vector<16xi32>
      }
      %le3A_193 = arith.constant 16 : i32
      %le3A_194 = arith.cmpi sle, %while3A_192#2, %le3A_193 : i32
      %convert_element_type3A_195 = arith.extui %le3A_194 : i1 to i32
      %cond3A_196 = arith.constant 0 : i32
      %cond3A_197 = arith.constant 0 : i32
      %cond3A_198 = arith.cmpi ne, %convert_element_type3A_195, %cond3A_197 : i32
      %cond3A_199:3 = scf.if %cond3A_198 -> (vector<16xi32>, vector<16xi32>, vector<16xi32>) {
        %lt3A_243 = vector.broadcast %while3A_192#2 : i32 to vector<16xi32>
        %lt3A_244 = arith.cmpi slt, %iota3A, %lt3A_243 : vector<16xi32>
        %mul3A_245 = arith.constant 8192 : i32
        %mul3A_246 = arith.muli %while3A_192#1, %mul3A_245 : i32
        %get3A = arith.index_cast %mul3A_246 : i32 to index
        %get3A_247 = tpu.vector_load %arg5[%get3A] {strides = array<i32>} : memref<24576xf32, #tpu.memory_space<vmem>>, vector<16xf32>,
        %bitcast_convert_type3A_248 = tpu.bitcast %get3A_247 : vector<16xf32> -> vector<16xi32>
        %shift_right_arithmetic3A_249 = arith.constant 31 : i32
        %shift_right_arithmetic3A_250 = vector.broadcast %shift_right_arithmetic3A_249 : i32 to vector<16xi32>
        %shift_right_arithmetic3A_251 = arith.shrsi %bitcast_convert_type3A_248, %shift_right_arithmetic3A_250 : vector<16xi32>
        %shift_right_logical3A_252 = arith.constant 1 : i32
        %shift_right_logical3A_253 = vector.broadcast %shift_right_logical3A_252 : i32 to vector<16xi32>
        %shift_right_logical3A_254 = arith.shrui %shift_right_arithmetic3A_251, %shift_right_logical3A_253 : vector<16xi32>
        %xor3A_255 = arith.xori %bitcast_convert_type3A_248, %shift_right_logical3A_254 : vector<16xi32>
        %masked_sort3A = arith.constant -2147483648 : i32
        %masked_sort3A_256 = vector.broadcast %masked_sort3A : i32 to vector<16xi32>
        %masked_sort3A_257 = arith.xori %xor3A_255, %masked_sort3A_256 : vector<16xi32>
        %masked_sort3A_258, %masked_sort3A_259, %masked_sort3A_260 = tpu.sort %masked_sort3A_257, %xor3A_255 masked %lt3A_244 {descending = true} : (vector<16xi32>, vector<16xi32>, vector<16xi1>) -> (vector<16xi1>, vector<16xi32>, vector<16xi32>)
        %masked_sort3A_261 = arith.xori %masked_sort3A_259, %masked_sort3A_256 : vector<16xi32>
        %sub3A_262 = arith.constant 1 : i32
        %sub3A_263 = vector.broadcast %sub3A_262 : i32 to vector<16xi32>
        %sub3A_264 = arith.subi %while3A_192#3, %sub3A_263 : vector<16xi32>
        %lt3A_265 = arith.constant 0 : i32
        %lt3A_266 = vector.broadcast %lt3A_265 : i32 to vector<16xi32>
        %lt3A_267 = arith.cmpi slt, %sub3A_264, %lt3A_266 : vector<16xi32>
        %add3A_268 = arith.constant 16 : i32
        %add3A_269 = vector.broadcast %add3A_268 : i32 to vector<16xi32>
        %add3A_270 = arith.addi %sub3A_264, %add3A_269 : vector<16xi32>
        %select_n3A = arith.select %lt3A_267, %add3A_270, %sub3A_264 : vector<16xi1>, vector<16xi32>
        %broadcast_in_dim3A_271 = vector.shape_cast %select_n3A : vector<16xi32> to vector<16x1xi32>
        %gather3A = vector.shape_cast %broadcast_in_dim3A_271 : vector<16x1xi32> to vector<16xi32>
        %gather3A_272 = tpu.dynamic_gather %masked_sort3A_261[%gather3A] in [0] : vector<16xi32>, vector<16xi32> -> vector<16xi32>
        %gt3A = arith.cmpi sgt, %xor3A_255, %gather3A_272 : vector<16xi32>
        %and3A = arith.andi %lt3A_244, %gt3A : vector<16xi1>
        %all_reduce_population_count3A = tpu.all_reduce %and3A {dim = 0 : i64, kind = #tpu.reduction_kind<sum>} : vector<16xi1> -> vector<16xi32>
        %eq3A_273 = arith.cmpi eq, %xor3A_255, %gather3A_272 : vector<16xi32>
        %and3A_274 = arith.andi %lt3A_244, %eq3A_273 : vector<16xi1>
        %all_reduce_population_count3A_275 = tpu.all_reduce %and3A_274 {dim = 0 : i64, kind = #tpu.reduction_kind<sum>} : vector<16xi1> -> vector<16xi32>
        %sub3A_276 = arith.subi %while3A_192#3, %all_reduce_population_count3A : vector<16xi32>
        %eq3A_277 = arith.cmpi eq, %sub3A_276, %all_reduce_population_count3A_275 : vector<16xi32>
        %select_n3A_278 = arith.select %eq3A_277, %broadcast_in_dim3A_3, %broadcast_in_dim3A_5 : vector<16xi1>, vector<16xi32>
        scf.yield %gather3A_272, %sub3A_276, %select_n3A_278 : vector<16xi32>, vector<16xi32>, vector<16xi32>
      } else {
        %mul3A_243 = arith.constant 8192 : i32
        %mul3A_244 = arith.muli %while3A_192#1, %mul3A_243 : i32
        %get3A = arith.index_cast %mul3A_244 : i32 to index
        %get3A_245 = tpu.vector_load %arg5[%get3A] {strides = array<i32>} : memref<24576xf32, #tpu.memory_space<vmem>>, vector<16xf32>,
        %bitcast_convert_type3A_246 = tpu.bitcast %get3A_245 : vector<16xf32> -> vector<16xi32>
        %shift_right_arithmetic3A_247 = arith.constant 31 : i32
        %shift_right_arithmetic3A_248 = vector.broadcast %shift_right_arithmetic3A_247 : i32 to vector<16xi32>
        %shift_right_arithmetic3A_249 = arith.shrsi %bitcast_convert_type3A_246, %shift_right_arithmetic3A_248 : vector<16xi32>
        %shift_right_logical3A_250 = arith.constant 1 : i32
        %shift_right_logical3A_251 = vector.broadcast %shift_right_logical3A_250 : i32 to vector<16xi32>
        %shift_right_logical3A_252 = arith.shrui %shift_right_arithmetic3A_249, %shift_right_logical3A_251 : vector<16xi32>
        %xor3A_253 = arith.xori %bitcast_convert_type3A_246, %shift_right_logical3A_252 : vector<16xi32>
        %lt3A_254 = arith.constant 0 : i32
        %lt3A_255 = vector.broadcast %lt3A_254 : i32 to vector<16xi32>
        %lt3A_256 = arith.cmpi slt, %broadcast_in_dim3A_5, %lt3A_255 : vector<16xi32>
        %add3A_257 = arith.constant 16 : i32
        %add3A_258 = vector.broadcast %add3A_257 : i32 to vector<16xi32>
        %add3A_259 = arith.addi %broadcast_in_dim3A_5, %add3A_258 : vector<16xi32>
        %select_n3A = arith.select %lt3A_256, %add3A_259, %broadcast_in_dim3A_5 : vector<16xi1>, vector<16xi32>
        %broadcast_in_dim3A_260 = vector.shape_cast %select_n3A : vector<16xi32> to vector<16x1xi32>
        %gather3A = vector.shape_cast %broadcast_in_dim3A_260 : vector<16x1xi32> to vector<16xi32>
        %gather3A_261 = tpu.dynamic_gather %xor3A_253[%gather3A] in [0] : vector<16xi32>, vector<16xi32> -> vector<16xi32>
        %eq3A_262 = vector.broadcast %while3A_192#2 : i32 to vector<16xi32>
        %eq3A_263 = arith.cmpi eq, %while3A_192#3, %eq3A_262 : vector<16xi32>
        %select_n3A_264 = arith.select %eq3A_263, %broadcast_in_dim3A_3, %broadcast_in_dim3A_5 : vector<16xi1>, vector<16xi32>
        scf.yield %gather3A_261, %while3A_192#3, %select_n3A_264 : vector<16xi32>, vector<16xi32>, vector<16xi32>
      }
      %reduce_max3A_200 = arith.constant true
      %reduce_max3A_201 = vector.broadcast %reduce_max3A_200 : i1 to vector<16xi1>
      %reduce_max3A_202 = arith.constant -2147483648 : i32
      %reduce_max3A_203 = vector.broadcast %reduce_max3A_202 : i32 to vector<16xi32>
      %reduce_max3A_204 = arith.xori %cond3A_199#2, %reduce_max3A_203 : vector<16xi32>
      %reduce_max3A_205 = tpu.scan <max>, %reduce_max3A_204 masked %reduce_max3A_201 : vector<16xi32>, vector<16xi1> -> vector<16xi32>
      %reduce_max3A_206 = arith.xori %reduce_max3A_205, %reduce_max3A_203 : vector<16xi32>
      %reduce_max3A_207 = vector.extract %reduce_max3A_206[15] : i32 from vector<16xi32>
      %ge3A_208 = arith.constant 2 : i32
      %ge3A_209 = arith.cmpi sge, %add3A_148, %ge3A_208 : i32
      %convert_element_type3A_210 = arith.extui %ge3A_209 : i1 to i32
      %cond3A_211 = arith.constant 0 : i32
      %cond3A_212 = arith.cmpi ne, %convert_element_type3A_210, %cond3A_211 : i32
      scf.if %cond3A_212 {
        %sub3A_243 = arith.constant 2 : i32
        %sub3A_244 = arith.subi %add3A_149, %sub3A_243 : i32
        %dma_wait3A_245 = arith.constant 128 : i32
        %dma_wait3A_246 = tpu.memref_slice %arg6[%dma_wait3A_245] : memref<256xf32, #tpu.memory_space<vmem>> -> memref<128xf32, #tpu.memory_space<vmem>>
        %dma_wait3A_247 = arith.constant 0 : i32
        %dma_wait3A_248 = tpu.memref_slice %arg3[%sub3A_244, %dma_wait3A_247] : memref<4096x128xf32, #tpu.memory_space<hbm>> -> memref<1x128xf32, #tpu.memory_space<hbm>>
        %dma_wait3A_249 = tpu.memref_squeeze %dma_wait3A_248 : memref<1x128xf32, #tpu.memory_space<hbm>> -> memref<128xf32, #tpu.memory_space<hbm>>
        %dma_wait3A_250 = arith.constant 0 : i32
        %dma_wait3A_251 = tpu.memref_slice %arg3[%sub3A_244, %dma_wait3A_250] : memref<4096x128xf32, #tpu.memory_space<hbm>> -> memref<1x128xf32, #tpu.memory_space<hbm>>
        %dma_wait3A_252 = tpu.memref_squeeze %dma_wait3A_251 : memref<1x128xf32, #tpu.memory_space<hbm>> -> memref<128xf32, #tpu.memory_space<hbm>>
        %dma_wait3A_253 = arith.constant 128 : i32
        %dma_wait3A_254 = tpu.memref_slice %arg6[%dma_wait3A_253] : memref<256xf32, #tpu.memory_space<vmem>> -> memref<128xf32, #tpu.memory_space<vmem>>
        tpu.wait_dma2 semaphore(%arg12 : memref<!tpu.dma_semaphore, #tpu.memory_space<semaphore_mem>>) src(%dma_wait3A_254 : memref<128xf32, #tpu.memory_space<vmem>>) dst(%dma_wait3A_252 : memref<128xf32, #tpu.memory_space<hbm>>)
      } else {
      }
      %shift_right_arithmetic3A_213 = arith.constant 31 : i32
      %shift_right_arithmetic3A_214 = vector.broadcast %shift_right_arithmetic3A_213 : i32 to vector<16xi32>
      %shift_right_arithmetic3A_215 = arith.shrsi %cond3A_199#0, %shift_right_arithmetic3A_214 : vector<16xi32>
      %shift_right_logical3A_216 = arith.constant 1 : i32
      %shift_right_logical3A_217 = vector.broadcast %shift_right_logical3A_216 : i32 to vector<16xi32>
      %shift_right_logical3A_218 = arith.shrui %shift_right_arithmetic3A_215, %shift_right_logical3A_217 : vector<16xi32>
      %xor3A_219 = arith.xori %cond3A_199#0, %shift_right_logical3A_218 : vector<16xi32>
      %bitcast_convert_type3A_220 = tpu.bitcast %xor3A_219 : vector<16xi32> -> vector<16xf32>
      %add3A_221 = arith.constant 15 : i32
      %add3A_222 = arith.addi %cond3A_182#0, %add3A_221 : i32
      %shift_right_arithmetic3A_223 = arith.constant 4 : i32
      %shift_right_arithmetic3A_224 = arith.shrsi %add3A_222, %shift_right_arithmetic3A_223 : i32
      %eq3A_225 = arith.constant 1 : i32
      %eq3A_226 = arith.cmpi eq, %reduce_max3A_207, %eq3A_225 : i32
      %convert_element_type3A_227 = arith.extui %eq3A_226 : i1 to i32
      %cond3A_228 = arith.constant 0 : i32
      %cond3A_229 = arith.constant 0 : i32
      %cond3A_230 = arith.cmpi ne, %convert_element_type3A_227, %cond3A_229 : i32
      %cond3A_231 = scf.if %cond3A_230 -> (i32) {
        %broadcast_in_dim3A_243 = arith.constant -1 : i32
        %broadcast_in_dim3A_244 = vector.broadcast %broadcast_in_dim3A_243 : i32 to vector<16xi32>
        %parallel_loop3A_245 = arith.constant 0 : i32
        %parallel_loop3A_246 = arith.constant 1 : i32
        %parallel_loop3A_247 = scf.for %parallel_loop3A_249 = %parallel_loop3A_245 to %shift_right_arithmetic3A_224 step %parallel_loop3A_246 iter_args(%parallel_loop3A_250 = %broadcast_in_dim3A_244) -> (vector<16xi32>)  : i32 {
          %parallel_loop3A_251 = arith.constant 16 : i32
          %parallel_loop3A_252 = arith.muli %parallel_loop3A_249, %parallel_loop3A_251 : i32
          %parallel_loop3A_253 = arith.subi %cond3A_182#0, %parallel_loop3A_252 : i32
          %parallel_loop3A_254 = vector.broadcast %parallel_loop3A_253 : i32 to vector<16xi32>
          %parallel_loop3A_255 = arith.cmpi slt, %iota3A, %parallel_loop3A_254 : vector<16xi32>
          %parallel_loop3A_256 = arith.constant 16 : i32
          %parallel_loop3A_257 = arith.muli %parallel_loop3A_249, %parallel_loop3A_256 : i32
          %parallel_loop3A_258 = arith.index_cast %parallel_loop3A_257 : i32 to index
          %parallel_loop3A_259 = tpu.vector_load %arg5[%parallel_loop3A_258] {strides = array<i32>} : memref<24576xf32, #tpu.memory_space<vmem>>, vector<16xf32>,
          %parallel_loop3A_260 = arith.cmpf oge, %parallel_loop3A_259, %bitcast_convert_type3A_220 : vector<16xf32>
          %parallel_loop3A_261 = arith.andi %parallel_loop3A_255, %parallel_loop3A_260 : vector<16xi1>
          %parallel_loop3A_262 = tpu.scan <sum>, %broadcast_in_dim3A_3 masked %parallel_loop3A_261 : vector<16xi32>, vector<16xi1> -> vector<16xi32>
          %parallel_loop3A_263 = arith.addi %parallel_loop3A_250, %parallel_loop3A_262 : vector<16xi32>
          %parallel_loop3A_264 = arith.constant 128 : i32
          %parallel_loop3A_265 = vector.broadcast %parallel_loop3A_264 : i32 to vector<16xi32>
          %parallel_loop3A_266 = arith.addi %parallel_loop3A_265, %parallel_loop3A_263 : vector<16xi32>
          tpu.vector_store_idx %arg6[%parallel_loop3A_266], %parallel_loop3A_259 masked %parallel_loop3A_261 : memref<256xf32, #tpu.memory_space<vmem>>[vector<16xi32>], vector<16xf32>, vector<16xi1>
          %parallel_loop3A_267 = tpu.all_reduce %parallel_loop3A_261 {dim = 0 : i64, kind = #tpu.reduction_kind<sum>} : vector<16xi1> -> vector<16xi32>
          %parallel_loop3A_268 = arith.addi %parallel_loop3A_250, %parallel_loop3A_267 : vector<16xi32>
          scf.yield %parallel_loop3A_268 : vector<16xi32>
        } {sc.loop_unroll_factor = 2 : i64, sc.parallel_access}
        %cond3A_248 = arith.constant 0 : i32
        scf.yield %cond3A_248 : i32
      } else {
        %while3A_243 = arith.constant 0 : i32
        %while3A_244 = arith.subi %shift_right_arithmetic3A_224, %while3A_243 : i32
        %while3A_245 = arith.addi %while3A_243, %while3A_244 : i32
        %while3A_246 = arith.constant 1 : i32
        %while3A_247 = arith.divsi %while3A_244, %while3A_246 : i32
        %while3A_248 = arith.muli %while3A_247, %while3A_246 : i32
        %while3A_249 = arith.addi %while3A_243, %while3A_248 : i32
        %while3A_250 = arith.constant 1 : i32
        %while3A_251:2 = scf.for %while3A_255 = %while3A_243 to %while3A_249 step %while3A_250 iter_args(%while3A_256 = %broadcast_in_dim3A_5, %while3A_257 = %broadcast_in_dim3A_5) -> (vector<16xi32>, vector<16xi32>)  : i32 {
          %mul3A_258 = arith.constant 16 : i32
          %mul3A_259 = arith.muli %while3A_255, %mul3A_258 : i32
          %sub3A_260 = arith.subi %cond3A_182#0, %mul3A_259 : i32
          %lt3A_261 = vector.broadcast %sub3A_260 : i32 to vector<16xi32>
          %lt3A_262 = arith.cmpi slt, %iota3A, %lt3A_261 : vector<16xi32>
          %mul3A_263 = arith.constant 16 : i32
          %mul3A_264 = arith.muli %while3A_255, %mul3A_263 : i32
          %get3A = arith.index_cast %mul3A_264 : i32 to index
          %get3A_265 = tpu.vector_load %arg5[%get3A] {strides = array<i32>} : memref<24576xf32, #tpu.memory_space<vmem>>, vector<16xf32>,
          %gt3A = arith.cmpf ogt, %get3A_265, %bitcast_convert_type3A_220 : vector<16xf32>
          %and3A = arith.andi %lt3A_262, %gt3A : vector<16xi1>
          %eq3A_266 = arith.cmpf oeq, %get3A_265, %bitcast_convert_type3A_220 : vector<16xf32>
          %and3A_267 = arith.andi %lt3A_262, %eq3A_266 : vector<16xi1>
          %masked_cumsum3A = tpu.scan <sum>, %broadcast_in_dim3A_3 masked %and3A_267 : vector<16xi32>, vector<16xi1> -> vector<16xi32>
          %add3A_268 = arith.addi %while3A_257, %masked_cumsum3A : vector<16xi32>
          %sub3A_269 = arith.constant 1 : i32
          %sub3A_270 = vector.broadcast %sub3A_269 : i32 to vector<16xi32>
          %sub3A_271 = arith.subi %add3A_268, %sub3A_270 : vector<16xi32>
          %lt3A_272 = arith.cmpi slt, %sub3A_271, %cond3A_199#1 : vector<16xi32>
          %and3A_273 = arith.andi %and3A_267, %lt3A_272 : vector<16xi1>
          %or3A = arith.ori %and3A, %and3A_273 : vector<16xi1>
          %masked_cumsum3A_274 = tpu.scan <sum>, %broadcast_in_dim3A_3 masked %or3A : vector<16xi32>, vector<16xi1> -> vector<16xi32>
          %add3A_275 = arith.addi %while3A_256, %masked_cumsum3A_274 : vector<16xi32>
          %sub3A_276 = arith.constant 1 : i32
          %sub3A_277 = vector.broadcast %sub3A_276 : i32 to vector<16xi32>
          %sub3A_278 = arith.subi %add3A_275, %sub3A_277 : vector<16xi32>
          %add3A_279 = arith.constant 128 : i32
          %add3A_280 = vector.broadcast %add3A_279 : i32 to vector<16xi32>
          %add3A_281 = arith.addi %add3A_280, %sub3A_278 : vector<16xi32>
          tpu.vector_store_idx %arg6[%add3A_281], %get3A_265 masked %or3A : memref<256xf32, #tpu.memory_space<vmem>>[vector<16xi32>], vector<16xf32>, vector<16xi1>
          %all_reduce_population_count3A = tpu.all_reduce %or3A {dim = 0 : i64, kind = #tpu.reduction_kind<sum>} : vector<16xi1> -> vector<16xi32>
          %add3A_282 = arith.addi %while3A_256, %all_reduce_population_count3A : vector<16xi32>
          %all_reduce_population_count3A_283 = tpu.all_reduce %and3A_267 {dim = 0 : i64, kind = #tpu.reduction_kind<sum>} : vector<16xi1> -> vector<16xi32>
          %add3A_284 = arith.addi %while3A_257, %all_reduce_population_count3A_283 : vector<16xi32>
          scf.yield %add3A_282, %add3A_284 : vector<16xi32>, vector<16xi32>
        }
        %while3A_252 = arith.constant 1 : i32
        %while3A_253:2 = scf.for %while3A_255 = %while3A_249 to %while3A_245 step %while3A_252 iter_args(%while3A_256 = %while3A_251#0, %while3A_257 = %while3A_251#1) -> (vector<16xi32>, vector<16xi32>)  : i32 {
          %mul3A_258 = arith.constant 16 : i32
          %mul3A_259 = arith.muli %while3A_255, %mul3A_258 : i32
          %sub3A_260 = arith.subi %cond3A_182#0, %mul3A_259 : i32
          %lt3A_261 = vector.broadcast %sub3A_260 : i32 to vector<16xi32>
          %lt3A_262 = arith.cmpi slt, %iota3A, %lt3A_261 : vector<16xi32>
          %mul3A_263 = arith.constant 16 : i32
          %mul3A_264 = arith.muli %while3A_255, %mul3A_263 : i32
          %get3A = arith.index_cast %mul3A_264 : i32 to index
          %get3A_265 = tpu.vector_load %arg5[%get3A] {strides = array<i32>} : memref<24576xf32, #tpu.memory_space<vmem>>, vector<16xf32>,
          %gt3A = arith.cmpf ogt, %get3A_265, %bitcast_convert_type3A_220 : vector<16xf32>
          %and3A = arith.andi %lt3A_262, %gt3A : vector<16xi1>
          %eq3A_266 = arith.cmpf oeq, %get3A_265, %bitcast_convert_type3A_220 : vector<16xf32>
          %and3A_267 = arith.andi %lt3A_262, %eq3A_266 : vector<16xi1>
          %masked_cumsum3A = tpu.scan <sum>, %broadcast_in_dim3A_3 masked %and3A_267 : vector<16xi32>, vector<16xi1> -> vector<16xi32>
          %add3A_268 = arith.addi %while3A_257, %masked_cumsum3A : vector<16xi32>
          %sub3A_269 = arith.constant 1 : i32
          %sub3A_270 = vector.broadcast %sub3A_269 : i32 to vector<16xi32>
          %sub3A_271 = arith.subi %add3A_268, %sub3A_270 : vector<16xi32>
          %lt3A_272 = arith.cmpi slt, %sub3A_271, %cond3A_199#1 : vector<16xi32>
          %and3A_273 = arith.andi %and3A_267, %lt3A_272 : vector<16xi1>
          %or3A = arith.ori %and3A, %and3A_273 : vector<16xi1>
          %masked_cumsum3A_274 = tpu.scan <sum>, %broadcast_in_dim3A_3 masked %or3A : vector<16xi32>, vector<16xi1> -> vector<16xi32>
          %add3A_275 = arith.addi %while3A_256, %masked_cumsum3A_274 : vector<16xi32>
          %sub3A_276 = arith.constant 1 : i32
          %sub3A_277 = vector.broadcast %sub3A_276 : i32 to vector<16xi32>
          %sub3A_278 = arith.subi %add3A_275, %sub3A_277 : vector<16xi32>
          %add3A_279 = arith.constant 128 : i32
          %add3A_280 = vector.broadcast %add3A_279 : i32 to vector<16xi32>
          %add3A_281 = arith.addi %add3A_280, %sub3A_278 : vector<16xi32>
          tpu.vector_store_idx %arg6[%add3A_281], %get3A_265 masked %or3A : memref<256xf32, #tpu.memory_space<vmem>>[vector<16xi32>], vector<16xf32>, vector<16xi1>
          %all_reduce_population_count3A = tpu.all_reduce %or3A {dim = 0 : i64, kind = #tpu.reduction_kind<sum>} : vector<16xi1> -> vector<16xi32>
          %add3A_282 = arith.addi %while3A_256, %all_reduce_population_count3A : vector<16xi32>
          %all_reduce_population_count3A_283 = tpu.all_reduce %and3A_267 {dim = 0 : i64, kind = #tpu.reduction_kind<sum>} : vector<16xi1> -> vector<16xi32>
          %add3A_284 = arith.addi %while3A_257, %all_reduce_population_count3A_283 : vector<16xi32>
          scf.yield %add3A_282, %add3A_284 : vector<16xi32>, vector<16xi32>
        }
        %cond3A_254 = arith.constant 0 : i32
        scf.yield %cond3A_254 : i32
      }
      %dma_start3A_232 = arith.constant 128 : i32
      %dma_start3A_233 = tpu.memref_slice %arg6[%dma_start3A_232] : memref<256xf32, #tpu.memory_space<vmem>> -> memref<128xf32, #tpu.memory_space<vmem>>
      %dma_start3A_234 = arith.constant 0 : i32
      %dma_start3A_235 = tpu.memref_slice %arg3[%add3A_149, %dma_start3A_234] : memref<4096x128xf32, #tpu.memory_space<hbm>> -> memref<1x128xf32, #tpu.memory_space<hbm>>
      %dma_start3A_236 = tpu.memref_squeeze %dma_start3A_235 : memref<1x128xf32, #tpu.memory_space<hbm>> -> memref<128xf32, #tpu.memory_space<hbm>>
      %dma_start3A_237 = arith.constant 0 : i32
      %dma_start3A_238 = tpu.memref_slice %arg3[%add3A_149, %dma_start3A_237] : memref<4096x128xf32, #tpu.memory_space<hbm>> -> memref<1x128xf32, #tpu.memory_space<hbm>>
      %dma_start3A_239 = tpu.memref_squeeze %dma_start3A_238 : memref<1x128xf32, #tpu.memory_space<hbm>> -> memref<128xf32, #tpu.memory_space<hbm>>
      %dma_start3A_240 = arith.constant 128 : i32
      %dma_start3A_241 = tpu.memref_slice %arg6[%dma_start3A_240] : memref<256xf32, #tpu.memory_space<vmem>> -> memref<128xf32, #tpu.memory_space<vmem>>
      tpu.enqueue_dma source(%dma_start3A_241 : memref<128xf32, #tpu.memory_space<vmem>>) target(%dma_start3A_239 : memref<128xf32, #tpu.memory_space<hbm>>) target_semaphore(%arg12 : memref<!tpu.dma_semaphore, #tpu.memory_space<semaphore_mem>>)
      %scan3A_242 = arith.constant 0 : i32
      scf.yield %scan3A_242 : i32
    }
    %scan3A_34 = arith.constant 64 : i32
    %add3A_35 = arith.constant 128 : i32
    %add3A_36 = arith.addi %mul3A_2, %add3A_35 : i32
    %sub3A = arith.constant 2 : i32
    %sub3A_37 = arith.subi %add3A_36, %sub3A : i32
    %dma_wait3A = arith.constant 0 : i32
    %dma_wait3A_38 = tpu.memref_slice %arg6[%dma_wait3A] : memref<256xf32, #tpu.memory_space<vmem>> -> memref<128xf32, #tpu.memory_space<vmem>>
    %dma_wait3A_39 = arith.constant 0 : i32
    %dma_wait3A_40 = tpu.memref_slice %arg3[%sub3A_37, %dma_wait3A_39] : memref<4096x128xf32, #tpu.memory_space<hbm>> -> memref<1x128xf32, #tpu.memory_space<hbm>>
    %dma_wait3A_41 = tpu.memref_squeeze %dma_wait3A_40 : memref<1x128xf32, #tpu.memory_space<hbm>> -> memref<128xf32, #tpu.memory_space<hbm>>
    %dma_wait3A_42 = arith.constant 0 : i32
    %dma_wait3A_43 = tpu.memref_slice %arg3[%sub3A_37, %dma_wait3A_42] : memref<4096x128xf32, #tpu.memory_space<hbm>> -> memref<1x128xf32, #tpu.memory_space<hbm>>
    %dma_wait3A_44 = tpu.memref_squeeze %dma_wait3A_43 : memref<1x128xf32, #tpu.memory_space<hbm>> -> memref<128xf32, #tpu.memory_space<hbm>>
    %dma_wait3A_45 = arith.constant 0 : i32
    %dma_wait3A_46 = tpu.memref_slice %arg6[%dma_wait3A_45] : memref<256xf32, #tpu.memory_space<vmem>> -> memref<128xf32, #tpu.memory_space<vmem>>
    tpu.wait_dma2 semaphore(%arg11 : memref<!tpu.dma_semaphore, #tpu.memory_space<semaphore_mem>>) src(%dma_wait3A_46 : memref<128xf32, #tpu.memory_space<vmem>>) dst(%dma_wait3A_44 : memref<128xf32, #tpu.memory_space<hbm>>)
    %add3A_47 = arith.constant 128 : i32
    %add3A_48 = arith.addi %mul3A_2, %add3A_47 : i32
    %sub3A_49 = arith.constant 1 : i32
    %sub3A_50 = arith.subi %add3A_48, %sub3A_49 : i32
    %dma_wait3A_51 = arith.constant 128 : i32
    %dma_wait3A_52 = tpu.memref_slice %arg6[%dma_wait3A_51] : memref<256xf32, #tpu.memory_space<vmem>> -> memref<128xf32, #tpu.memory_space<vmem>>
    %dma_wait3A_53 = arith.constant 0 : i32
    %dma_wait3A_54 = tpu.memref_slice %arg3[%sub3A_50, %dma_wait3A_53] : memref<4096x128xf32, #tpu.memory_space<hbm>> -> memref<1x128xf32, #tpu.memory_space<hbm>>
    %dma_wait3A_55 = tpu.memref_squeeze %dma_wait3A_54 : memref<1x128xf32, #tpu.memory_space<hbm>> -> memref<128xf32, #tpu.memory_space<hbm>>
    %dma_wait3A_56 = arith.constant 0 : i32
    %dma_wait3A_57 = tpu.memref_slice %arg3[%sub3A_50, %dma_wait3A_56] : memref<4096x128xf32, #tpu.memory_space<hbm>> -> memref<1x128xf32, #tpu.memory_space<hbm>>
    %dma_wait3A_58 = tpu.memref_squeeze %dma_wait3A_57 : memref<1x128xf32, #tpu.memory_space<hbm>> -> memref<128xf32, #tpu.memory_space<hbm>>
    %dma_wait3A_59 = arith.constant 128 : i32
    %dma_wait3A_60 = tpu.memref_slice %arg6[%dma_wait3A_59] : memref<256xf32, #tpu.memory_space<vmem>> -> memref<128xf32, #tpu.memory_space<vmem>>
    tpu.wait_dma2 semaphore(%arg12 : memref<!tpu.dma_semaphore, #tpu.memory_space<semaphore_mem>>) src(%dma_wait3A_60 : memref<128xf32, #tpu.memory_space<vmem>>) dst(%dma_wait3A_58 : memref<128xf32, #tpu.memory_space<hbm>>)
    return
  }
}

</mosaic_0001>

<sc_bundles>
// kernel: _kmax.3.cloned.1.call-start
scs
__scs_entry_jumppad:
0x0: {  	(pc) =	sbr.rel $0x88, $3  }
0x1: {  	(tag) =	ssettag $0x0;
	lr =	simm.s32 $0x1  }
0x2: {  	[smem:$0x3FA0] =	sst lr;
	_ =	strace $0xD0000000  }
0x3: {  	_ = 	snop  }
0x4: {  	_ = 	snop  }
0x5: {  	_ = 	snop  }
0x6: {  	_ = 	snop  }
0x7: {  	_ = 	snop  }
__scs_overlays_trampoline_lowered:
0x8: {  	[smem:$0x3FAF] =	sst s0  }
0x9: {  	[smem:$0x3FB0] =	sst s1  }
0xa: {  	[smem:$0x3FB1] =	sst s2  }
0xb: {  	[smem:$0x3FB2] =	sst s3  }
0xc: {  	[smem:$0x3FB3] =	sst s4  }
0xd: {  	[smem:$0x3FB4] =	sst s5  }
0xe: {  	[smem:$0x3FB5] =	sst s6  }
0xf: {  	[smem:$0x3FB6] =	sst s7  }
0x10: {  	[smem:$0x3FB7] =	sst s8  }
0x11: {  	[smem:$0x3FB8] =	sst s9;
	s0 =	simm.s32 @!p0 $0x0  }
0x12: {  	s1 =	sld [smem:$0x3F9E];
	s0 =	simm.s32 @p0 $0x1  }
0x13: {  	[smem:$0x3FB9] =	sst s0;
	s0 =	simm.s32 @!p1 $0x0  }
0x14: {  	s2 =	sld [smem:$0x3F9D];
	s0 =	simm.s32 @p1 $0x1  }
0x15: {  	[smem:$0x3FBA] =	sst s0;
	s0 =	simm.s32 @!p2 $0x0  }
0x16: {  	s3 =	sld [smem:$0x3FDB];
	s0 =	simm.s32 @p2 $0x1  }
0x17: {  	s4 =	simm.s32 $0x1BF5;
	[smem:$0x3FBC] =	sst s0  }
0x18: {  	s0 =	sld [smem:$0x3F9F];
	_ =	swait.ge [sflag:s4], $0x0  }
0x19: {  	s7 =	sld [smem:$0x3FA0]  }
0x1a: {  	s8 =	sadd.s32 $0xFFFFE003, lr  }
0x1b: {  	s9 =	sadd.s32 $0xFFFFFEF7, lr;
	s5 =	simm.s32 $0xFFFFFFFF;
	p2 =	slt.u32 s8, $0xFFFFF086  }
0x1c: {  	p1 =	slt.u32 s9, $0xF7A;
	s5 =	simm.s32 @!p2 $0x0  }
0x1d: {  	s5 =	simm.s32 @p1 $0x1;
	p0 =	seq.s32 s7, s2  }
0x1e: {  	s7 =	smul.u32 @!p0 $0xF7A, s2;
	p2 =	seq.s32 @!p0 s5, $0x0  }
0x1f: {  	s9 =	smul.u32 $0xF7A, s1;
	s8 =	simm.s32 @!p0 $0x1BF5;
	p2 =	por !p2, p0  }
0x20: {  	[sflag:s8] =	ssyncset.s32 @!p0 $0xFFFFF086;
	s6 =	sadd.s32 @!p0 s3, s7;
	s7 =	simm.s32 @!p0 $0x108  }
0x21: {  	s3 =	sadd.s32 s3, s9;
	s6 =	sadd.s32 @!p0 $0x88, s6;
	s7 =	simm.s32 @p2 $0x1082  }
0x22: {  	[simem:s7], [sflag:s8] =	dma.local @!p0 [hbm:s6], $0xF7A  }
0x23: {  	s9 =	sor.u32 $0xD0000000, s2;
	s6 =	simm.s32 $0x108;
	_ =	swait.ge @!p0 [sflag:s8], $0x0  }
0x24: {  	s3 =	sadd.s32 $0x88, s3;
	s6 =	simm.s32 @!p1 $0x1082;
	[sflag:s4] =	ssyncset.s32 $0xFFFFF086  }
0x25: {  	[simem:s6], [sflag:s4] =	dma.local [hbm:s3], $0xF7A  }
0x26: {  	[smem:$0x3FA0] =	sst s1;
	(tag) =	ssettag s2;
	_ =	strace s9  }
0x27: {  	s1 =	sld [smem:$0x3FB0]  }
0x28: {  	s2 =	sld [smem:$0x3FB1]  }
0x29: {  	s4 =	sld [smem:$0x3FB3]  }
0x2a: {  	p0 =	seq.s32 s5, $0x0;
	s5 =	sld [smem:$0x3FB4]  }
0x2b: {  	s6 =	sld [smem:$0x3FB5]  }
0x2c: {  	s7 =	sld [smem:$0x3FB6]  }
0x2d: {  	s3 =	simm.s32 $0x108;
	s8 =	sld [smem:$0x3FB7]  }
0x2e: {  	s3 =	simm.s32 @!p0 $0x1082;
	s9 =	sld [smem:$0x3FB8]  }
0x2f: {  	lr =	sadd.s32 s0, s3;
	s0 =	sld [smem:$0x3FAF]  }
0x30: {  	s3 =	sld [smem:$0x3FB2]  }
0x31: {  	[smem:$0x3FBB] =	sst s10  }
0x32: {  	s10 =	sld [smem:$0x3FB9];
	_ =	sdelay $0x3  }
0x33: {  	p0 =	seq.s32 s10, $0x1;
	s10 =	sld [smem:$0x3FBB];
	_ =	sdelay $0x3  }
0x34: {  	[smem:$0x3FBB] =	sst s10  }
0x35: {  	s10 =	sld [smem:$0x3FBA];
	_ =	sdelay $0x3  }
0x36: {  	p1 =	seq.s32 s10, $0x1;
	s10 =	sld [smem:$0x3FBB];
	_ =	sdelay $0x3  }
0x37: {  	[smem:$0x3FBB] =	sst s10  }
0x38: {  	s10 =	sld [smem:$0x3FBC]  }
0x39: {  	_ = 	snop;
	(pc) =	sbr.ind lr, $3  }
0x3a: {  	_ = 	snop  }
0x3b: {  	_ = 	snop  }
0x3c: {  	p2 =	seq.s32 s10, $0x1;
	s10 =	sld [smem:$0x3FBB]  }
0x3d: {  	_ =	shalt  }
0x3e: {  	_ =	shalt  }
0x3f: {  	_ =	shalt  }
0x40: {  	_ =	shalt  }
0x41: {  	_ =	shalt  }
0x42: {  	_ =	shalt  }
0x43: {  	_ =	shalt  }
0x44: {  	_ =	shalt  }
0x45: {  	_ =	shalt  }
0x46: {  	_ =	shalt  }
0x47: {  	_ =	shalt  }
0x48: {  	_ =	shalt  }
0x49: {  	_ =	shalt  }
0x4a: {  	_ =	shalt  }
0x4b: {  	_ =	shalt  }
0x4c: {  	_ =	shalt  }
0x4d: {  	_ =	shalt  }
0x4e: {  	_ =	shalt  }
0x4f: {  	_ =	shalt  }
0x50: {  	_ =	shalt  }
0x51: {  	_ =	shalt  }
0x52: {  	_ =	shalt  }
0x53: {  	_ =	shalt  }
0x54: {  	_ =	shalt  }
0x55: {  	_ =	shalt  }
0x56: {  	_ =	shalt  }
0x57: {  	_ =	shalt  }
0x58: {  	_ =	shalt  }
0x59: {  	_ =	shalt  }
0x5a: {  	_ =	shalt  }
0x5b: {  	_ =	shalt  }
0x5c: {  	_ =	shalt  }
0x5d: {  	_ =	shalt  }
0x5e: {  	_ =	shalt  }
0x5f: {  	_ =	shalt  }
0x60: {  	_ =	shalt  }
0x61: {  	_ =	shalt  }
0x62: {  	_ =	shalt  }
0x63: {  	_ =	shalt  }
0x64: {  	_ =	shalt  }
0x65: {  	_ =	shalt  }
0x66: {  	_ =	shalt  }
0x67: {  	_ =	shalt  }
0x68: {  	_ =	shalt  }
0x69: {  	_ =	shalt  }
0x6a: {  	_ =	shalt  }
0x6b: {  	_ =	shalt  }
0x6c: {  	_ =	shalt  }
0x6d: {  	_ =	shalt  }
0x6e: {  	_ =	shalt  }
0x6f: {  	_ =	shalt  }
0x70: {  	_ =	shalt  }
0x71: {  	_ =	shalt  }
0x72: {  	_ =	shalt  }
0x73: {  	_ =	shalt  }
0x74: {  	_ =	shalt  }
0x75: {  	_ =	shalt  }
0x76: {  	_ =	shalt  }
0x77: {  	_ =	shalt  }
0x78: {  	_ =	shalt  }
0x79: {  	_ =	shalt  }
0x7a: {  	_ =	shalt  }
0x7b: {  	_ =	shalt  }
0x7c: {  	_ =	shalt  }
0x7d: {  	_ =	shalt  }
0x7e: {  	_ =	shalt  }
0x7f: {  	_ =	shalt  }
0x80: {  	_ =	shalt  }
0x81: {  	_ =	shalt  }
0x82: {  	_ =	shalt  }
0x83: {  	_ =	shalt  }
0x84: {  	_ =	shalt  }
0x85: {  	_ =	shalt  }
0x86: {  	_ =	shalt  }
0x87: {  	_ =	shalt  }
.Lfunc_end0:
.L_simem_size_0:
called_computation_lowered:
.L_overlay_start_0:
0x88: {  	s2 =	sld [smem:$0x3FD9]  }
0x89: {  	s3 =	sld [smem:$0x3FFE];
	_ =	sdelay $0x1  }
0x8a: {  	s1 =	srdreg.scid  }
0x8b: {  	s0 =	sand.u32 $0x1, s1  }
0x8c: {  	s18 =	sshll.u32 s0, $0xA;
	s2 =	sadd.s32 s3, s2  }
0x8d: {  	s2 =	sadd.s32 s2, s18  }
0x8e: {  	[smem:$0x3FC7] =	sst s2  }
0x8f: {  	_ = 	snop  }
0x90: {  	s2 =	sld [smem:$0x3FC9]  }
0x91: {  	s19 =	sld [smem:$0x3FD0];
	(tm) =	ssettm $0x1  }
0x92: {  	s4 =	sld [smem:$0x3FFB];
	_ =	sdelay $0x3  }
0x93: {  	_ =	strace s4  }
0x94: {  	s4 =	sld [smem:$0x3FFC];
	_ =	sdelay $0x3  }
0x95: {  	_ =	strace s4  }
0x96: {  	s4 =	sld [smem:$0x3FFD];
	_ =	sdelay $0x3  }
0x97: {  	_ =	strace s4  }
0x98: {  	_ =	strace $0x8FFFFFFF  }
0x99: {  	s20 =	sld [smem:$0x3FDB];
	_ =	sdelay $0x1  }
0x9a: {  	s5 =	simm.s32 $_scs_section_size  }
0x9b: {  	s6 =	simm.s32 $_size__tile_overlayer_lowered;
	s7 =	simm.s32 $_tile_overlayer_lowered  }
0x9c: {  	s23 =	simm.s32 $0x1BFF;
	s22 =	sshll.u32 s7, $0x1;
	s4 =	sadd.s32 s5, s20  }
0x9d: {  	s8 =	simm.s32 $0x0;
	s21 =	sshll.u32 s6, $0x1;
	s6 =	sadd.s32 s22, s4  }
0x9e: {  	[timem:s8], [sflag:s23] =	dma.local [hbm:s6], s21  }
0x9f: {  	_ =	swait.ge [sflag:s23], s21  }
0xa0: {  	s5 =	ssub.s32 $0x0, s21;
	[sflag:s23] =	ssyncset.done $0x0  }
0xa1: {  	[sflag:s23] =	ssyncadd.s32 s5;
	_ =	sdelay $0x1  }
0xa2: {  	s24 =	simm.s32 $0x1B8B  }
0xa3: {  	_ =	swait.ge [sflag:s24], $0x1  }
0xa4: {  	[sflag:s24] =	ssyncset.done $0x0  }
0xa5: {  	s25 =	simm.s32 $0x1B8E;
	[sflag:s24] =	ssyncadd.s32 $0xFFFFFFFF  }
0xa6: {  	s26 =	simm.s32 $execute0_lowered;
	[smem:$0x3FD2] =	sst s25  }
0xa7: {  	s5 =	sshll.u32 s26, $0x1;
	_ =	strace $0x80000046;
	[dreg:$0x1] =	wrdreg $0xFFFFFFFF  }
0xa8: {  	s28 =	simm.s32 $_size_execute0_lowered;
	s4 =	sadd.s32 s4, s5;
	[dreg:$0x0] =	wrdreg $0x0  }
0xa9: {  	s5 =	sshll.u32 s28, $0x1;
	[dreg:$0x2] =	wrdreg s4  }
0xaa: {  	[dreg:$0x3] =	wrdreg s5  }
0xab: {  	[dreg:$0x4] =	wrdreg $0xC0  }
0xac: {  	_ =	task [dreg:s8], $0x5FFFF  }
0xad: {  	[dreg:$0x1] =	wrdreg $0xFFFFFFFF  }
0xae: {  	[dreg:$0x0] =	wrdreg $0x60  }
0xaf: {  	[dreg:$0x2] =	wrdreg s2  }
0xb0: {  	[dreg:$0x3] =	wrdreg s19  }
0xb1: {  	[dreg:$0x4] =	wrdreg $0x9  }
0xb2: {  	_ =	task.clear_ibuf [dreg:s8], $0x5FFFF;
	_ =	strace $0x90000046  }
0xb3: {  	s29 =	simm.s32 $0x9;
	_ =	strace $0x80000048  }
0xb4: {  	_ =	swait.ge [sflag:s29], $0x1  }
0xb5: {  	[sflag:s29] =	ssyncadd.s32 $0xFFFFFFFF  }
0xb6: {  	_ =	strace $0x90000048  }
0xb7: {  	_ =	sfence  }
0xb8: {  	s30 =	sld [smem:$0x0];
	_ =	sdelay $0x2  }
0xb9: {  	s31 =	sshll.u32 s1, $0xD;
	s1 =	sshrl.u32 s1, $0x2  }
0xba: {  	s3 =	sand.u32 $0x4000, s31;
	s1 =	sadd.s32 s1, s30  }
0xbb: {  	s0 =	sor.u32 s3, s0;
	s1 =	sshll.u32 s1, $0x11  }
0xbc: {  	s0 =	sor.u32 s1, s0  }
0xbd: {  	s0 =	sadd.s32 $0x8F2B, s0  }
0xbe: {  	[sflag:s0] =	ssyncadd.remote.s32 $0x1  }
0xbf: {  	_ =	sfence.sel $0xFFFF  }
0xc0: {  	[dreg:$0x0] =	wrdreg $0xFFFFFFFF;
	(pc) =	sbr.abs _section_cstart, $3  }
0xc1: {  	[dreg:$0x1] =	wrdreg $0xFFFFFFFF  }
0xc2: {  	_ =	task.clear_ibuf [dreg:s8], $0x2FFFF;
	_ =	strace $0x9FFFFFFF  }
0xc3: {  	(tm) =	ssettm $0x7FFFFFFF  }
tec
execute0_lowered:
.L_overlay_start_1:
0x0: {  	(tag) =	ssettag $0x1  }
0x1: {  	s2 =	rddreg [dreg:$0x0]  }
0x2: {  	s0 =	srdreg.scid;
	s3 =	rddreg [dreg:$0x1]  }
0x3: {  	s1 =	stileid.u32;
	s4 =	simm.s32 $0x0;
	s12 =	simm.s32 $0x1  }
0x4: {  	s13 =	simm.s32 $0x4000;
	s14 =	simm.s32 $0xA180;
	s0 =	sand.u32 $0x1, s0  }
0x5: {  	s15 =	simm.s32 $0xA100;
	s1 =	sshll.u32 s1, $0x8;
	s5 =	sshll.u32 s0, $0x7  }
0x6: {  	s16 =	simm.s32 $0x2;
	s0 =	ssub.s32 $0x2, s0;
	s5 =	sor.u32 s5, s1  }
.Ltmp0:
0x7: {  	s30 =	sshrl.u32 s0, $0x1;
	s6 =	sshll.u32 s5, $0xA;
	(pc) =	sbr.rel .LBB2_1-.Ltmp0, $4  }
0x8: {  	v0 =	vlaneseq.u32;
	[smem:$0x7FF] =	sst s4;
	s0 =	ssub.s32 s0, s30;
	s31 =	sadd.s32 s2, s6  }
0x9: {  	v3 =	vmul.u32 $0xFFFFFFFF, v0;
	_ =	strace $0x80000047;
	s0 =	smax.u32 s0, $0x1;
	[dreg:$0x3] =	wrdreg s31  }
0xa: {  	v1 =	vimm.s32 $0x1;
	s17 =	simm.s32 $0xA000;
	s1 =	sadd.s32 $0x10, s31;
	[dreg:$0x5] =	wrdreg s0  }
0xb: {  	s18 =	simm.s32 $0xA080;
	v2 =	vimm.s32 $0x0;
	v4 =	vor.u32 $0xF0, v0;
	v3 =	vadd.s32 $0xF, v3;
	s6 =	simm.s32 $0x0;
	[dreg:$0x4] =	wrdreg s1  }
.LBB2_96:
0xc: {  	s0 =	simm.s32 $0x3  }
0xd: {  	_ =	swait.ge [sflag:s0], $0x80  }
0xe: {  	[sflag:s0] =	ssyncset.done $0x0  }
0xf: {  	s1 =	simm.s32 $0x4;
	[sflag:s0] =	ssyncadd.s32 $0xFFFFFF80  }
0x10: {  	_ =	swait.ge [sflag:s1], $0x80  }
0x11: {  	s6 =	rddreg [dreg:$0x6]  }
0x12: {  	s31 =	rddreg [dreg:$0x5];
	s6 =	sadd.s32 $0x1, s6  }
0x13: {  	p0 =	sne.s32 s6, s31  }
.Ltmp1:
0x14: {  	_ = 	snop;
	(pc) =	sbr.rel @!p0 .LBB2_97-.Ltmp1, $3  }
0x15: {  	_ =	sdelay $0x1  }
0x16: {  	[sflag:s1] =	ssyncset.done $0x0  }
0x17: {  	[sflag:s1] =	ssyncadd.s32 $0xFFFFFF80  }
.LBB2_1:
.Ltmp2:
0x18: {  	[dreg:$0x6] =	wrdreg s6;
	(pc) =	sbr.rel .LBB2_2-.Ltmp2, $4  }
0x19: {  	s0 =	rddreg [dreg:$0x3];
	s1 =	simm.s32 $0x80;
	s30 =	simm.s32 $0x400  }
0x1a: {  	[tilespmem:s4], [sflag:$0x1] =	stream.strided.gather [hbm4b:s0+s1], $0x2000, s30, s1, $0x38;
	[tilespmem:$0xA280] =	vst v63  }
0x1b: {  	s31 =	rddreg [dreg:$0x4];
	s7 =	simm.s32 $0x2000;
	s22 =	simm.s32 $0x0  }
0x1c: {  	[tilespmem:s7], [sflag:$0x2] =	stream.strided.gather [hbm4b:s31+s1], $0x2000, s30, s1, $0x38;
	[tilespmem:$0xA280] =	vst v63  }
.LBB2_93:
0x1d: {  	v6 =	vimm.s32 $0xFFFFFFFF  }
.LBB2_94:
0x1e: {  	s0 =	ssub.s32 s0, s1  }
0x1f: {  	p0 =	slt.s32 s0, $0x1  }
0x20: {  	s0 =	sshll.u32 @!p0 s1, $0x4  }
0x21: {  	v7 =	vld @!p0 [tilespmem:s0+$0x4000];
	_ =	sdelay $0x2  }
0x22: {  	s0 =	ssub.s32 @!p0 s25, s0  }
0x23: {  	v9 =	vlaneseq.u32 @!p0;
	v8 =	vmov @!p0 s0  }
0x24: {  	vm0 =	vgt.s32 @!p0 v8, v9;
	vm1 =	vge.f32 @!p0 v7, v5  }
0x25: {  	v5 =	vimm.s32 @!p0 $0x1;
	vm0 =	vmand @!p0 vm0, vm1  }
0x26: {  	(xrf0) =	vadd.scan.msk.s32 @!p0 vm0, v5;
	_ =	sdelay $0x5  }
0x27: {  	v5, _, _ =	vpop @!p0 (xrf0)  }
0x28: {  	v5 =	vadd.s32 @!p0 v6, v5  }
0x29: {  	v5 =	vadd.s32 @!p0 $0x80, v5;
	_ =	sdelay $0x3  }
0x2a: {  	s0 =	simm.s32 @!p0 $0xA000  }
0x2b: {  	[tilespmem:v5+s0+$0x0] =	vst.idx.msk @!p0 vm0, v7  }
.LBB2_95:
0x2c: {  	s22 =	sadd.s32 $0x1, s22  }
0x2d: {  	p0 =	sne.s32 s22, $0x40  }
.Ltmp3:
0x2e: {  	s0 =	sshll.u32 s24, $0x4;
	(pc) =	sbr.rel @!p0 .LBB2_96-.Ltmp3, $4  }
0x2f: {  	s1 =	sshll.u32 s23, $0x4;
	s0 =	sand.u32 $0x70, s0  }
0x30: {  	s1 =	sand.u32 $0xFF80, s1;
	s0 =	sadd.s32 s3, s0  }
0x31: {  	s0 =	sadd.s32 s1, s0  }
0x32: {  	[hbm4b:s0+s4] =	stream.linear.scatter [tilespmem:s18], [sflag:$0x4], $0x80, $0x38;
	[tilespmem:$0xA280] =	vst v63  }
.LBB2_2:
0x33: {  	_ =	swait.ge [sflag:s12], $0x2000  }
0x34: {  	[sflag:s12] =	ssyncset.done $0x0  }
0x35: {  	s0 =	simm.s32 $0x40;
	[sflag:s12] =	ssyncadd.s32 $0xFFFFE000  }
0x36: {  	v12 =	vld [tilespmem:s0+$0xFFFFFFC0]  }
0x37: {  	v14 =	vld [tilespmem:s0+$0xFFFFFFD0]  }
0x38: {  	v17 =	vld [tilespmem:s0+$0xFFFFFFE0]  }
0x39: {  	v19 =	vld [tilespmem:s0+$0xFFFFFFF0]  }
0x3a: {  	v20 =	vld [tilespmem:s0+$0x0]  }
0x3b: {  	v5 =	vld [tilespmem:s0+$0x10];
	vm2 =	vge.f32 v12, $2.031250000e+00  }
0x3c: {  	v6 =	vld [tilespmem:s0+$0x20];
	vm1 =	vge.f32 v14, $2.031250000e+00;
	(xrf0) =	vadd.scan.msk.s32 vm2, v1  }
0x3d: {  	v7 =	vld [tilespmem:s0+$0x30];
	vm3 =	vge.f32 v17, $2.031250000e+00;
	(xrf0) =	vadd.scan.msk.s32 vm1, v1  }
0x3e: {  	vm4 =	vge.f32 v19, $2.031250000e+00;
	(xrf0) =	vadd.scan.msk.s32 vm3, v1  }
0x3f: {  	vm5 =	vge.f32 v20, $2.031250000e+00;
	v8 =	vmpcnt.ones.xlane vm2;
	(xrf0) =	vadd.scan.msk.s32 vm4, v1  }
0x40: {  	v9 =	vimm.s32 $0xFFFFFFFF;
	vm0 =	vge.f32 v5, $2.031250000e+00;
	v10 =	vmpcnt.ones.xlane vm1;
	(xrf0) =	vadd.scan.msk.s32 vm5, v1  }
0x41: {  	vm6 =	vge.f32 v6, $2.031250000e+00;
	v11 =	vmpcnt.ones.xlane vm3;
	v8 =	vadd.s32 v9, v8;
	(xrf0) =	vadd.scan.msk.s32 vm0, v1  }
0x42: {  	vm7 =	vge.f32 v7, $2.031250000e+00;
	v13 =	vmpcnt.ones.xlane vm4;
	v10 =	vadd.s32 v8, v10;
	v15, _, _ =	vpop (xrf0);
	(xrf0) =	vadd.scan.msk.s32 vm6, v1  }
0x43: {  	v16 =	vmpcnt.ones.xlane vm5;
	v11 =	vadd.s32 v10, v11;
	v18 =	vadd.s32 v9, v15;
	v9, _, _ =	vpop (xrf0);
	(xrf0) =	vadd.scan.msk.s32 vm7, v1  }
0x44: {  	s0 =	simm.s32 $0xC0;
	v13 =	vadd.s32 v11, v13;
	v15 =	vmpcnt.ones.xlane vm0;
	v21 =	vadd.s32 v8, v9;
	v9, _, _ =	vpop (xrf0)  }
0x45: {  	v22 =	vmpcnt.ones.xlane vm6;
	v16 =	vadd.s32 v13, v16;
	v8 =	vld [tilespmem:s0+$0xFFFFFFC0];
	v23 =	vadd.s32 v10, v9;
	v10, _, _ =	vpop (xrf0)  }
0x46: {  	v24 =	vadd.s32 v16, v15;
	v15 =	vmpcnt.ones.xlane vm7;
	v9 =	vld [tilespmem:s0+$0xFFFFFFD0];
	v25 =	vadd.s32 v11, v10;
	v11, _, _ =	vpop (xrf0)  }
0x47: {  	v22 =	vadd.s32 v24, v22;
	v10 =	vld [tilespmem:s0+$0xFFFFFFE0];
	v26 =	vadd.s32 v13, v11;
	v13, _, _ =	vpop (xrf0)  }
0x48: {  	vm0 =	vmmov vm0;
	v15 =	vadd.s32 v22, v15;
	v11 =	vld [tilespmem:s0+$0xFFFFFFF0];
	[tilespmem:v18+s13+$0x0] =	vst.idx.msk vm2, v12;
	v18, _, _ =	vpop (xrf0)  }
0x49: {  	vm2 =	vmmov vm6;
	vm6 =	vmmov vm7;
	v13 =	vadd.s32 v16, v13;
	v12 =	vld [tilespmem:s0+$0x0];
	[tilespmem:v21+s13+$0x0] =	vst.idx.msk vm1, v14;
	v14, _, _ =	vpop (xrf0)  }
0x4a: {  	v16 =	vadd.s32 v24, v18;
	vm1 =	vge.f32 v8, $2.031250000e+00;
	[tilespmem:v23+s13+$0x0] =	vst.idx.msk vm3, v17;
	v18 =	vadd.s32 v22, v14;
	v14 =	vld [tilespmem:s0+$0x10]  }
0x4b: {  	v21 =	vmpcnt.ones.xlane vm1;
	vm3 =	vge.f32 v9, $2.031250000e+00;
	(xrf0) =	vadd.scan.msk.s32 vm1, v1;
	v17 =	vld [tilespmem:s0+$0x20];
	[tilespmem:v25+s13+$0x0] =	vst.idx.msk vm4, v19  }
0x4c: {  	v23 =	vmpcnt.ones.xlane vm3;
	vm4 =	vge.f32 v10, $2.031250000e+00;
	(xrf0) =	vadd.scan.msk.s32 vm3, v1;
	v19 =	vld [tilespmem:s0+$0x30];
	[tilespmem:v26+s13+$0x0] =	vst.idx.msk vm5, v20  }
0x4d: {  	v20 =	vadd.s32 v15, v21;
	v22 =	vmpcnt.ones.xlane vm4;
	vm5 =	vge.f32 v11, $2.031250000e+00;
	(xrf0) =	vadd.scan.msk.s32 vm4, v1  }
0x4e: {  	s1 =	simm.s32 $0x8;
	v21 =	vadd.s32 v20, v23;
	v23 =	vmpcnt.ones.xlane vm5;
	vm7 =	vge.f32 v12, $2.031250000e+00;
	(xrf0) =	vadd.scan.msk.s32 vm5, v1  }
.LBB2_3:
0x4f: {  	s1 =	sadd.s32 $0x8, s1;
	v22 =	vadd.s32 v21, v22;
	v24 =	vmpcnt.ones.xlane vm7;
	vm8 =	vge.f32 v14, $2.031250000e+00;
	(xrf0) =	vadd.scan.msk.s32 vm7, v1  }
0x50: {  	p0 =	slt.u32 s1, $0x1F8;
	v23 =	vadd.s32 v22, v23;
	v25 =	vmpcnt.ones.xlane vm8;
	vm9 =	vge.f32 v17, $2.031250000e+00;
	(xrf0) =	vadd.scan.msk.s32 vm8, v1  }
0x51: {  	v24 =	vadd.s32 v23, v24;
	v26 =	vmpcnt.ones.xlane vm9;
	vm10 =	vge.f32 v19, $2.031250000e+00;
	v27, _, _ =	vpop (xrf0);
	(xrf0) =	vadd.scan.msk.s32 vm9, v1  }
0x52: {  	v27 =	vadd.s32 v15, v27;
	v25 =	vadd.s32 v24, v25;
	v15 =	vmpcnt.ones.xlane vm10;
	v28, _, _ =	vpop (xrf0);
	(xrf0) =	vadd.scan.msk.s32 vm10, v1  }
0x53: {  	s0 =	sadd.s32 $0x80, s0;
	v20 =	vadd.s32 v20, v28;
	v26 =	vadd.s32 v25, v26;
	v28, _, _ =	vpop (xrf0);
	[tilespmem:v18+s13+$0x0] =	vst.idx.msk vm6, v7;
	v7 =	vmov v19  }
0x54: {  	v19 =	vld [tilespmem:s0+$0xFFFFFFC0];
	v18 =	vadd.s32 v21, v28;
	v15 =	vadd.s32 v26, v15;
	v21, _, _ =	vpop (xrf0);
	[tilespmem:v16+s13+$0x0] =	vst.idx.msk vm2, v6;
	v6 =	vmov v17  }
0x55: {  	v28 =	vld [tilespmem:s0+$0xFFFFFFD0];
	v21 =	vadd.s32 v22, v21;
	v16, _, _ =	vpop (xrf0);
	[tilespmem:v13+s13+$0x0] =	vst.idx.msk vm0, v5;
	v5 =	vmov v14;
	vm0 =	vmmov vm8  }
0x56: {  	vm6 =	vmmov vm10;
	vm2 =	vmmov vm9;
	v22 =	vld [tilespmem:s0+$0xFFFFFFE0];
	v23 =	vadd.s32 v23, v16;
	v13, _, _ =	vpop (xrf0)  }
0x57: {  	v29 =	vld [tilespmem:s0+$0xFFFFFFF0];
	[tilespmem:v27+s13+$0x0] =	vst.idx.msk vm1, v8;
	v13 =	vadd.s32 v24, v13;
	v8, _, _ =	vpop (xrf0)  }
0x58: {  	v24 =	vld [tilespmem:s0+$0x0];
	[tilespmem:v20+s13+$0x0] =	vst.idx.msk vm3, v9;
	v16 =	vadd.s32 v25, v8;
	v8, _, _ =	vpop (xrf0)  }
.Ltmp4:
0x59: {  	vm1 =	vge.f32 v19, $2.031250000e+00;
	v14 =	vld [tilespmem:s0+$0x10];
	[tilespmem:v18+s13+$0x0] =	vst.idx.msk vm4, v10;
	v18 =	vadd.s32 v26, v8;
	v8 =	vmov v19;
	(pc) =	sbr.rel @p0 .LBB2_3-.Ltmp4, $4  }
0x5a: {  	v20 =	vmpcnt.ones.xlane vm1;
	vm3 =	vge.f32 v28, $2.031250000e+00;
	v17 =	vld [tilespmem:s0+$0x20];
	(xrf0) =	vadd.scan.msk.s32 vm1, v1;
	[tilespmem:v21+s13+$0x0] =	vst.idx.msk vm5, v11;
	v9 =	vmovc v28  }
0x5b: {  	v21 =	vmpcnt.ones.xlane vm3;
	vm4 =	vge.f32 v22, $2.031250000e+00;
	v19 =	vld [tilespmem:s0+$0x30];
	(xrf0) =	vadd.scan.msk.s32 vm3, v1;
	[tilespmem:v23+s13+$0x0] =	vst.idx.msk vm7, v12;
	v10 =	vmovc v22  }
0x5c: {  	v20 =	vadd.s32 v15, v20;
	v22 =	vmpcnt.ones.xlane vm4;
	vm5 =	vge.f32 v29, $2.031250000e+00;
	(xrf0) =	vadd.scan.msk.s32 vm4, v1;
	v11 =	vmovc v29  }
0x5d: {  	v21 =	vadd.s32 v20, v21;
	v23 =	vmpcnt.ones.xlane vm5;
	vm7 =	vge.f32 v24, $2.031250000e+00;
	(xrf0) =	vadd.scan.msk.s32 vm5, v1;
	v12 =	vmovc v24  }
0x5e: {  	v22 =	vadd.s32 v21, v22;
	v24 =	vmpcnt.ones.xlane vm7;
	vm8 =	vge.f32 v14, $2.031250000e+00  }
0x5f: {  	v23 =	vadd.s32 v22, v23;
	v25 =	vmpcnt.ones.xlane vm8;
	vm9 =	vge.f32 v17, $2.031250000e+00  }
0x60: {  	v24 =	vadd.s32 v23, v24;
	v26 =	vmpcnt.ones.xlane vm9;
	vm10 =	vge.f32 v19, $2.031250000e+00  }
0x61: {  	(xrf0) =	vadd.scan.msk.s32 vm7, v1;
	v25 =	vadd.s32 v24, v25;
	v27 =	vmpcnt.ones.xlane vm10  }
0x62: {  	(xrf0) =	vadd.scan.msk.s32 vm8, v1;
	v26 =	vadd.s32 v25, v26  }
0x63: {  	v28, _, _ =	vpop (xrf0);
	(xrf0) =	vadd.scan.msk.s32 vm9, v1;
	v27 =	vadd.s32 v26, v27  }
0x64: {  	v29, _, _ =	vpop (xrf0);
	(xrf0) =	vadd.scan.msk.s32 vm10, v1;
	v27 =	vxor.u32 $0x80000000, v27  }
0x65: {  	v30, _, _ =	vpop (xrf0);
	(xrf0) =	vmax.scan.msk.u32 $0xffff, v27  }
0x66: {  	v60, _, _ =	vpop (xrf0)  }
0x67: {  	v31, _, _ =	vpop (xrf0)  }
0x68: {  	v32, _, _ =	vpop (xrf0)  }
0x69: {  	v33, _, _ =	vpop (xrf0)  }
0x6a: {  	v34, _, _ =	vpop (xrf0)  }
0x6b: {  	v35, _, _ =	vpop (xrf0)  }
0x6c: {  	(v2sf) =	vpush v35, $0xF;
	_ =	sdelay $0x9  }
0x6d: {  	v15 =	vadd.s32 v15, v28  }
0x6e: {  	v20 =	vadd.s32 v20, v29  }
0x6f: {  	[tilespmem:v18+s13+$0x0] =	vst.idx.msk vm6, v7;
	v7 =	vadd.s32 v21, v30  }
0x70: {  	[tilespmem:v16+s13+$0x0] =	vst.idx.msk vm2, v6;
	v6 =	vadd.s32 v22, v60  }
0x71: {  	[tilespmem:v13+s13+$0x0] =	vst.idx.msk vm0, v5;
	v5 =	vadd.s32 v23, v31  }
0x72: {  	[tilespmem:v15+s13+$0x0] =	vst.idx.msk vm1, v8;
	v63 =	vadd.s32 v24, v32;
	s0 =	spop (v2sf)  }
0x73: {  	[tilespmem:v20+s13+$0x0] =	vst.idx.msk vm3, v9;
	v62 =	vadd.s32 v25, v33;
	s25 =	sadd.s32 $0x80000001, s0  }
0x74: {  	v61 =	vadd.s32 v26, v34;
	[tilespmem:v7+s13+$0x0] =	vst.idx.msk vm4, v10;
	p0 =	sgt.s32 s25, $0x7F  }
.Ltmp5:
0x75: {  	[tilespmem:v6+s13+$0x0] =	vst.idx.msk vm5, v11;
	(pc) =	sbr.rel @p0 .LBB2_10-.Ltmp5, $4  }
0x76: {  	[tilespmem:v5+s13+$0x0] =	vst.idx.msk vm7, v12  }
0x77: {  	[tilespmem:v63+s13+$0x0] =	vst.idx.msk vm8, v14  }
0x78: {  	[tilespmem:v62+s13+$0x0] =	vst.idx.msk vm9, v17  }
0x79: {  	vm15 =	vmmov vm8;
	vm14 =	vmmov vm9;
	vm13 =	vmmov vm10;
	[tilespmem:v61+s13+$0x0] =	vst.idx.msk vm10, v19  }
0x7a: {  	[tilespmem:$0xA100] =	vst v2;
	s1 =	simm.s32 $0x0;
	s0 =	simm.s32 $0x40  }
.LBB2_6:
0x7b: {  	p0 =	sne.s32 s0, $0x7FC0;
	v5 =	vld [tilespmem:s1+$0x0];
	_ =	sdelay $0x4  }
0x7c: {  	v6 =	vshra.s32 v5, $0x1F  }
0x7d: {  	v5 =	vshrl.u32 v5, $0x1C;
	v6 =	vshrl.u32 v6, $0x1D  }
0x7e: {  	v5 =	vxor.u32 v6, v5  }
0x7f: {  	v5 =	vxor.u32 $0x8, v5  }
.Ltmp6:
0x80: {  	(pc) =	sbr.rel @p0 .LBB2_6-.Ltmp6, $2  }
0x81: {  	_ =	sdelay $0x2  }
0x82: {  	s1 =	sshra.s32 s0, $0x2;
	s0 =	sadd.s32 $0x40, s0;
	[tilespmem:v5+s15+$0x0] =	vst.idx.add.s32.msk $0xffff, v1  }
0x83: {  	v5 =	vld [tilespmem:s1+$0x0];
	_ =	sdelay $0x4  }
0x84: {  	v6 =	vshra.s32 v5, $0x1F  }
0x85: {  	v5 =	vshrl.u32 v5, $0x1C;
	v6 =	vshrl.u32 v6, $0x1D  }
0x86: {  	v5 =	vxor.u32 v6, v5  }
0x87: {  	v5 =	vxor.u32 $0x8, v5;
	_ =	sdelay $0x4  }
0x88: {  	[tilespmem:v5+s15+$0x0] =	vst.idx.add.s32.msk $0xffff, v1  }
0x89: {  	v5 =	vld [tilespmem:$0xA100];
	_ =	sdelay $0x4  }
0x8a: {  	v5 =	vperm.xlane v5, v3;
	_ =	sdelay $0x1  }
0x8b: {  	(xrf0) =	vadd.scan.msk.s32 $0xffff, v5;
	_ =	sdelay $0x5  }
0x8c: {  	v5, _, _ =	vpop (xrf0)  }
0x8d: {  	vm0 =	vgt.s32 v5, $0x7F  }
0x8e: {  	v5 =	vmctz.xlane vm0;
	_ =	sdelay $0x1  }
0x8f: {  	s0 =	simm.s32 $0xFFFFFFFE;
	s1 =	simm.s32 $0x10;
	v6 =	vimm.s32 $0x0;
	v5 =	vsub.s32 $0xF, v5  }
.LBB2_8:
0x90: {  	v7 =	vld [tilespmem:s1+$0xFFFFFFF0];
	_ =	sdelay $0x4  }
0x91: {  	v8 =	vshra.s32 v7, $0x1F  }
0x92: {  	v9 =	vshrl.u32 v7, $0x1C;
	v8 =	vshrl.u32 v8, $0x1D  }
0x93: {  	v8 =	vxor.u32 v8, v9  }
0x94: {  	v8 =	vxor.u32 $0x8, v8  }
0x95: {  	vm0 =	vge.s32 v8, v5  }
0x96: {  	(xrf0) =	vadd.scan.msk.s32 vm0, v1;
	_ =	sdelay $0x5  }
0x97: {  	v8, _, _ =	vpop (xrf0)  }
0x98: {  	v8 =	vadd.s32 v8, v6  }
0x99: {  	v8 =	vadd.s32 $0xFFFFFFFF, v8;
	_ =	sdelay $0x4  }
0x9a: {  	[tilespmem:v8+s13+$0x0] =	vst.idx.msk vm0, v7  }
0x9b: {  	v7 =	vld [tilespmem:s1+$0x0];
	_ =	sdelay $0x4  }
0x9c: {  	v8 =	vshra.s32 v7, $0x1F  }
0x9d: {  	v62 =	vshrl.u32 v7, $0x1C;
	v8 =	vshrl.u32 v8, $0x1D  }
0x9e: {  	v8 =	vxor.u32 v8, v62  }
0x9f: {  	v8 =	vxor.u32 $0x8, v8  }
0xa0: {  	vm1 =	vge.s32 v8, v5  }
0xa1: {  	(xrf0) =	vadd.scan.msk.s32 vm1, v1;
	_ =	sdelay $0x1  }
0xa2: {  	v8 =	vmpcnt.ones.xlane vm0;
	_ =	sdelay $0x3  }
0xa3: {  	v6 =	vadd.s32 v6, v8;
	v8, _, _ =	vpop (xrf0)  }
0xa4: {  	s0 =	sadd.s32 $0x2, s0;
	v8 =	vadd.s32 v8, v6  }
0xa5: {  	p0 =	slt.u32 s0, $0x1FE;
	v8 =	vadd.s32 $0xFFFFFFFF, v8  }
.Ltmp7:
0xa6: {  	_ = 	snop;
	(pc) =	sbr.rel @p0 .LBB2_8-.Ltmp7, $3  }
0xa7: {  	_ = 	snop  }
0xa8: {  	v63 =	vmpcnt.ones.xlane vm1;
	_ =	sdelay $0x1  }
0xa9: {  	s1 =	sadd.s32 $0x20, s1;
	v6 =	vadd.s32 v6, v63;
	[tilespmem:v8+s13+$0x0] =	vst.idx.msk vm1, v7  }
0xaa: {  	v5 =	vxor.u32 $0x80000000, v6  }
0xab: {  	(xrf0) =	vmax.scan.msk.u32 $0xffff, v5;
	_ =	sdelay $0x5  }
0xac: {  	v5, _, _ =	vpop (xrf0)  }
0xad: {  	(v2sf) =	vpush v5, $0xF;
	_ =	sdelay $0xe  }
0xae: {  	s0 =	spop (v2sf)  }
0xaf: {  	s25 =	sxor.u32 $0x80000000, s0  }
.LBB2_10:
0xb0: {  	s23 =	sshll.u32 s22, $0x1  }
0xb1: {  	p0 =	seq.s32 s22, $0x3F;
	p1 =	slt.s32 s25, $0x11;
	s24 =	sor.u32 s5, s23  }
0xb2: {  	s28 =	simm.s32 $0x18;
	s26 =	simm.s32 $0x0;
	s0 =	sadd.s32 @!p0 $0x2, s24  }
.Ltmp8:
0xb3: {  	s29 =	smov.u32 s25;
	s1 =	sshll.u32 @!p0 s0, $0x4;
	(pc) =	sbr.rel @p1 .LBB2_25-.Ltmp8, $4  }
.Ltmp9:
0xb4: {  	s0 =	sshll.u32 @!p0 s0, $0xA;
	s1 =	sand.u32 @!p0 $0x60, s1;
	(pc) =	sbr.rel @!p1 .LBB2_11-.Ltmp9, $4  }
0xb5: {  	s6 =	simm.s32 @!p0 $0x400;
	s0 =	sand.u32 @!p0 $0xFFFE000, s0;
	s1 =	sadd.s32 @!p0 s2, s1  }
0xb6: {  	s7 =	simm.s32 @!p0 $0x0;
	s0 =	sadd.s32 @!p0 s0, s1;
	s1 =	simm.s32 @!p0 $0x80  }
0xb7: {  	v7 =	vimm.s32 $0x80;
	[tilespmem:s7], [sflag:$0x1] =	stream.strided.gather @!p0 [hbm4b:s0+s1], $0x2000, s6, s1, $0x38;
	[tilespmem:$0xA280] =	vst v63  }
0xb8: {  	_ = 	snop  }
.LBB2_22:
0xb9: {  	v5 =	vimm.s32 $0xFFFFFFFF  }
.LBB2_23:
0xba: {  	v6 =	vld @!p1 [tilespmem:s1+$0x4000];
	_ =	sdelay $0x4  }
0xbb: {  	v12 =	vshra.s32 @!p1 v6, $0x1F  }
0xbc: {  	v12 =	vshrl.u32 @!p1 v12, $0x1  }
0xbd: {  	v12 =	vxor.u32 @!p1 v6, v12  }
0xbe: {  	v13 =	vlaneseq.u32 @!p1;
	v12 =	vshrl.u32 @!p1 v12, s28  }
0xbf: {  	v13 =	vor.u32 @!p1 s0, v13;
	v12 =	vand.u32 @!p1 $0xFF, v12  }
0xc0: {  	vm0 =	vlt.s32 @!p1 v13, s29;
	vm1 =	veq.s32 @!p1 v12, v11  }
0xc1: {  	v11 =	vimm.s32 @!p1 $0x1;
	vm0 =	vmand @!p1 vm0, vm1  }
0xc2: {  	(xrf0) =	vadd.scan.msk.s32 @!p1 vm0, v11  }
0xc3: {  	v8 =	vsub.s32 v9, v8;
	v9 =	vmpcnt.ones.xlane @!p1 vm0;
	_ =	sdelay $0x1  }
0xc4: {  	v9 =	vadd.s32 @!p1 v5, v9  }
0xc5: {  	v12 =	vadd.s32 @!p1 s11, v5;
	v5 =	vpsel p1, v5, v9  }
0xc6: {  	v5 =	vxor.u32 $0x80000000, v5  }
0xc7: {  	v11, _, _ =	vpop @!p1 (xrf0);
	(xrf0) =	vmax.scan.msk.u32 $0xffff, v5;
	_ =	sdelay $0x5  }
0xc8: {  	v5, _, _ =	vpop (xrf0)  }
0xc9: {  	(v2sf) =	vpush v5, $0xF;
	_ =	sdelay $0xa  }
0xca: {  	v11 =	vadd.s32 @!p1 v11, v12;
	_ =	sdelay $0x3  }
0xcb: {  	s0 =	simm.s32 @!p1 $0x4000;
	s31 =	spop (v2sf)  }
0xcc: {  	[tilespmem:v11+s0+$0x0] =	vst.idx.msk @!p1 vm0, v6;
	p1 =	seq.s32 s28, $0x0;
	s29 =	sadd.s32 $0x80000001, s31  }
0xcd: {  	p2 =	sgt.s32 @!p1 s29, $0x10  }
0xce: {  	p1 =	por p1, !p2  }
.Ltmp10:
0xcf: {  	_ = 	snop;
	(pc) =	sbr.rel @p1 .LBB2_24-.Ltmp10, $3  }
0xd0: {  	_ = 	snop  }
0xd1: {  	v8 =	vperm.xlane v8, v10;
	_ =	sdelay $0x1  }
0xd2: {  	v7 =	vsub.s32 v7, v8;
	s28 =	sadd.s32 $0xFFFFFFF8, s28  }
.LBB2_11:
0xd3: {  	[tilespmem:$0xA100] =	vst v2  }
0xd4: {  	[tilespmem:$0xA180] =	vst v2  }
0xd5: {  	[tilespmem:$0xA190] =	vst v2  }
0xd6: {  	[tilespmem:$0xA1A0] =	vst v2  }
0xd7: {  	[tilespmem:$0xA1B0] =	vst v2  }
0xd8: {  	[tilespmem:$0xA1C0] =	vst v2  }
0xd9: {  	[tilespmem:$0xA1D0] =	vst v2  }
0xda: {  	[tilespmem:$0xA1E0] =	vst v2;
	s1 =	sadd.s32 $0xF, s29  }
0xdb: {  	[tilespmem:$0xA1F0] =	vst v2;
	s0 =	sshra.s32 s1, $0x4;
	s1 =	sshrl.u32 s1, $0x1F  }
0xdc: {  	[tilespmem:$0xA200] =	vst v2;
	s1 =	sadd.s32 s1, s0  }
0xdd: {  	[tilespmem:$0xA210] =	vst v2;
	s30 =	sand.u32 $0xFFFFFFFE, s1  }
0xde: {  	[tilespmem:$0xA220] =	vst v2;
	p2 =	slt.s32 s30, $0x1  }
.Ltmp11:
0xdf: {  	[tilespmem:$0xA230] =	vst v2;
	(pc) =	sbr.rel @p2 .LBB2_21-.Ltmp11, $4  }
0xe0: {  	[tilespmem:$0xA240] =	vst v2  }
0xe1: {  	[tilespmem:$0xA250] =	vst v2;
	p1 =	seq.s32 s28, $0x18;
	s6 =	simm.s32 $0x80  }
0xe2: {  	[tilespmem:$0xA260] =	vst v2;
	s6 =	simm.s32 @!p1 $0x0  }
0xe3: {  	s31 =	sshll.u32 s26, $0xD;
	[tilespmem:$0xA270] =	vst v2;
	v6 =	vmov s29;
	v5 =	vmov s28;
	v11 =	vmov s6  }
0xe4: {  	s1 =	sadd.s32 $0x0, s31;
	p4 =	sgt.s32 s30, $0x2  }
.Ltmp12:
0xe5: {  	s7 =	sand.u32 $0xFFFFFF80, s1;
	s1 =	simm.s32 $0x10;
	(pc) =	sbr.rel @!p4 .LBB2_13-.Ltmp12, $4  }
0xe6: {  	s6 =	simm.s32 $0x0;
	s7 =	sadd.s32 $0x4000, s7;
	s8 =	sand.u32 $0x70, s1  }
0xe7: {  	s9 =	sand.u32 $0x60, s6;
	s8 =	sor.u32 s8, s7  }
0xe8: {  	v8 =	vor.u32 s6, v0;
	s21 =	sor.u32 s9, s7;
	v10 =	vld [tilespmem:s8+$0x0]  }
0xe9: {  	p1 =	por $0x0, $0x0;
	p3 =	por $0x0, $0x0;
	vm0 =	vlt.s32 v8, v6;
	s7 =	simm.s32 $0x20;
	v8 =	vld [tilespmem:s21+$0x0]  }
0xea: {  	_ =	sdelay $0x2  }
0xeb: {  	v9 =	vshra.s32 v10, $0x1F  }
0xec: {  	s6 =	sadd.s32 $0x20, s31;
	p4 =	sgt.s32 s30, $0x4;
	v12 =	vshra.s32 v8, $0x1F;
	v9 =	vshrl.u32 v9, $0x1  }
.Ltmp13:
0xed: {  	vm1 =	vmmov vm0;
	s8 =	sand.u32 $0xFFFFFF80, s6;
	s6 =	simm.s32 $0x30;
	v12 =	vshrl.u32 v12, $0x1;
	v9 =	vxor.u32 v10, v9;
	(pc) =	sbr.rel @!p4 .LBB2_15-.Ltmp13, $4  }
0xee: {  	v15 =	vor.u32 s1, v0;
	s8 =	sadd.s32 $0x4000, s8;
	s9 =	sand.u32 $0x70, s6;
	v8 =	vxor.u32 v8, v12;
	v9 =	vshrl.u32 v9, v5  }
0xef: {  	s21 =	sand.u32 $0x60, s7;
	s9 =	sor.u32 s9, s8;
	v10 =	vor.u32 s7, v0;
	v12 =	vshrl.u32 v8, v5;
	v8 =	vand.u32 $0xFF, v9  }
0xf0: {  	vm3 =	vlt.s32 v15, v6;
	s7 =	sor.u32 s21, s8;
	vm0 =	vlt.s32 v10, v6;
	v10 =	vld [tilespmem:s9+$0x0];
	v13 =	vxor.u32 v11, v8  }
0xf1: {  	p1 =	por $0x1, $0x1;
	v16 =	vand.u32 $0x7F, v9;
	v14 =	vand.u32 $0xFF, v12;
	v8 =	vld [tilespmem:s7+$0x0];
	s7 =	simm.s32 $0x40;
	v15 =	vand.u32 $0x80, v13  }
0xf2: {  	_ = 	snop  }
0xf3: {  	s1 =	sadd.s32 $0x40, s31;
	v9 =	vxor.u32 v11, v14;
	v14 =	vor.u32 v16, v15  }
0xf4: {  	v12 =	vand.u32 $0x7F, v12;
	vm2 =	vmmov vm1;
	v13 =	vshrl.u32 v13, $0x4;
	s8 =	sand.u32 $0xFFFFFF80, s1;
	s1 =	simm.s32 $0x50  }
0xf5: {  	vm1 =	vmmov vm0;
	v15 =	vand.u32 $0x80, v9;
	s8 =	sadd.s32 $0x4000, s8;
	s9 =	sand.u32 $0x70, s1;
	v16 =	vshra.s32 v10, $0x1F  }
0xf6: {  	p4 =	sgt.s32 s30, $0x6;
	v9 =	vshrl.u32 v9, $0x4;
	v17 =	vor.u32 v12, v15;
	s9 =	sor.u32 s9, s8;
	v15 =	vshrl.u32 v16, $0x1  }
.Ltmp14:
0xf7: {  	v12 =	vshra.s32 v8, $0x1F;
	v16 =	vor.u32 s7, v0;
	v15 =	vxor.u32 v10, v15;
	v10 =	vld [tilespmem:s9+$0x0];
	(pc) =	sbr.rel @!p4 .LBB2_17-.Ltmp14, $4  }
0xf8: {  	s21 =	sand.u32 $0x60, s7;
	v12 =	vshrl.u32 v12, $0x1;
	[tilespmem:v14+s14+$0x0] =	vst.idx.add.s32.msk vm3, v1;
	vm0 =	vlt.s32 v16, v6;
	v18 =	vshrl.u32 v15, v5  }
0xf9: {  	s7 =	sor.u32 s21, s8;
	v16 =	vor.u32 s6, v0;
	v8 =	vxor.u32 v8, v12;
	[tilespmem:v13+s15+$0x0] =	vst.idx.add.s32.msk vm3, v1;
	v15 =	vand.u32 $0xFF, v18  }
0xfa: {  	vm3 =	vlt.s32 v16, v6;
	v12 =	vshrl.u32 v8, v5;
	v8 =	vld [tilespmem:s7+$0x0];
	v13 =	vxor.u32 v11, v15  }
0xfb: {  	p3 =	por $0x1, $0x1;
	s6 =	simm.s32 $0x6;
	s7 =	simm.s32 $0x60;
	v16 =	vand.u32 $0x7F, v18;
	[tilespmem:v17+s14+$0x0] =	vst.idx.add.s32.msk vm2, v1;
	v14 =	vand.u32 $0xFF, v12;
	v15 =	vand.u32 $0x80, v13  }
.LBB2_18:
0xfc: {  	v14 =	vxor.u32 v11, v14;
	v12 =	vand.u32 $0x7F, v12  }
0xfd: {  	s8 =	sadd.s32 s7, s31;
	s9 =	sand.u32 $0x60, s7;
	v15 =	vor.u32 v16, v15;
	[tilespmem:v9+s15+$0x0] =	vst.idx.add.s32.msk vm2, v1;
	vm2 =	vmmov vm1;
	vm1 =	vmmov vm0  }
0xfe: {  	v16 =	vor.u32 s7, v0;
	s10 =	sadd.s32 $0x10, s7;
	v13 =	vshrl.u32 v13, $0x4;
	s8 =	sand.u32 $0xFFFFFF80, s8;
	v9 =	vand.u32 $0x80, v14  }
0xff: {  	v17 =	vshra.s32 v10, $0x1F;
	s6 =	sadd.s32 $0x2, s6;
	s11 =	sand.u32 $0x70, s10;
	s8 =	sadd.s32 $0x4000, s8;
	v18 =	vor.u32 v12, v9;
	v9 =	vshrl.u32 v14, $0x4  }
0x100: {  	vm0 =	vlt.s32 v16, v6;
	p4 =	slt.s32 s6, s30;
	v14 =	vshrl.u32 v17, $0x1;
	s9 =	sor.u32 s9, s8;
	s8 =	sor.u32 s11, s8;
	v12 =	vshra.s32 v8, $0x1F  }
.Ltmp15:
0x101: {  	v14 =	vxor.u32 v10, v14;
	v12 =	vshrl.u32 v12, $0x1;
	v10 =	vld [tilespmem:s8+$0x0];
	(pc) =	sbr.rel @p4 .LBB2_18-.Ltmp15, $4  }
0x102: {  	v16 =	vshrl.u32 v14, v5;
	v8 =	vxor.u32 v8, v12;
	[tilespmem:v15+s14+$0x0] =	vst.idx.add.s32.msk vm3, v1  }
0x103: {  	v15 =	vand.u32 $0xFF, v16;
	v12 =	vshrl.u32 v8, v5;
	[tilespmem:v13+s15+$0x0] =	vst.idx.add.s32.msk vm3, v1  }
0x104: {  	v17 =	vor.u32 s1, v0;
	s1 =	smov.u32 s10;
	v13 =	vxor.u32 v11, v15;
	v8 =	vld [tilespmem:s9+$0x0];
	v14 =	vand.u32 $0xFF, v12  }
0x105: {  	s7 =	sadd.s32 $0x20, s7;
	v16 =	vand.u32 $0x7F, v16;
	vm3 =	vlt.s32 v17, v6;
	v15 =	vand.u32 $0x80, v13;
	[tilespmem:v18+s14+$0x0] =	vst.idx.add.s32.msk vm2, v1  }
0x106: {  	s6 =	smov.u32 s1  }
.LBB2_20:
0x107: {  	v14 =	vxor.u32 @p1 v11, v14;
	v12 =	vand.u32 @p1 $0x7F, v12  }
0x108: {  	v15 =	vor.u32 @p1 v16, v15;
	vm1 =	vmmov @p1 vm1;
	v56 =	vshra.s32 v10, $0x1F  }
0x109: {  	v13 =	vshrl.u32 @p1 v13, $0x4;
	v60 =	vor.u32 s6, v0;
	vm0 =	vmmov vm0  }
0x10a: {  	v17 =	vand.u32 @p1 $0x80, v14;
	v16 =	vshrl.u32 v56, $0x1;
	v14 =	vshrl.u32 @p1 v14, $0x4  }
0x10b: {  	vm4 =	vlt.s32 v60, v6;
	v57 =	vshra.s32 v8, $0x1F;
	v10 =	vxor.u32 v10, v16  }
0x10c: {  	vm5 =	vmmov @p1 vm1;
	v58 =	vshrl.u32 v57, $0x1;
	v10 =	vshrl.u32 v10, v5  }
0x10d: {  	v12 =	vor.u32 @p1 v12, v17;
	v8 =	vxor.u32 v8, v58;
	v59 =	vand.u32 $0xFF, v10  }
0x10e: {  	v14 =	vpsel p1, v14, v0;
	v8 =	vshrl.u32 v8, v5;
	v16 =	vxor.u32 v11, v59  }
0x10f: {  	v10 =	vand.u32 $0x7F, v10;
	v61 =	vand.u32 $0x80, v16;
	v62 =	vand.u32 $0xFF, v8  }
0x110: {  	[tilespmem:v9+s15+$0x0] =	vst.idx.add.s32.msk @p3 vm2, v1;
	vm0 =	vmmov vm0;
	v10 =	vor.u32 v10, v61;
	v9 =	vxor.u32 v11, v62  }
0x111: {  	[tilespmem:v15+s14+$0x0] =	vst.idx.add.s32.msk @p1 vm3, v1;
	v8 =	vand.u32 $0x7F, v8;
	v16 =	vshrl.u32 v16, $0x4;
	v63 =	vand.u32 $0x80, v9  }
0x112: {  	[tilespmem:v13+s15+$0x0] =	vst.idx.add.s32.msk @p1 vm3, v1;
	v8 =	vor.u32 v8, v63  }
0x113: {  	[tilespmem:v12+s14+$0x0] =	vst.idx.add.s32.msk @p1 vm1, v1;
	v9 =	vshrl.u32 v9, $0x4  }
0x114: {  	[tilespmem:v14+s15+$0x0] =	vst.idx.add.s32.msk @p1 vm5, v1  }
0x115: {  	[tilespmem:v10+s14+$0x0] =	vst.idx.add.s32.msk vm4, v1  }
0x116: {  	[tilespmem:v16+s15+$0x0] =	vst.idx.add.s32.msk vm4, v1  }
0x117: {  	[tilespmem:v8+s14+$0x0] =	vst.idx.add.s32.msk vm0, v1  }
0x118: {  	[tilespmem:v9+s15+$0x0] =	vst.idx.add.s32.msk vm0, v1  }
.LBB2_21:
0x119: {  	s0 =	ssub.s32 s0, s30  }
0x11a: {  	p1 =	slt.s32 s0, $0x1  }
0x11b: {  	s0 =	sshll.u32 @!p1 s30, $0x4  }
0x11c: {  	s1 =	sadd.s32 @!p1 s31, s0  }
0x11d: {  	s6 =	sand.u32 @!p1 $0x70, s0;
	s1 =	sand.u32 @!p1 $0xFFFFFF80, s1  }
0x11e: {  	s1 =	sor.u32 @!p1 s6, s1  }
0x11f: {  	v8 =	vld @!p1 [tilespmem:s1+$0x4000];
	_ =	sdelay $0x4  }
0x120: {  	v9 =	vshra.s32 @!p1 v8, $0x1F  }
0x121: {  	v9 =	vshrl.u32 @!p1 v9, $0x1  }
0x122: {  	v8 =	vxor.u32 @!p1 v8, v9  }
0x123: {  	v8 =	vshrl.u32 @!p1 v8, s28  }
0x124: {  	v9 =	vlaneseq.u32 @!p1;
	v10 =	vand.u32 @!p1 $0xFF, v8  }
0x125: {  	v9 =	vor.u32 @!p1 s0, v9;
	v10 =	vxor.u32 @!p1 v11, v10  }
0x126: {  	vm0 =	vlt.s32 @!p1 v9, s29;
	v8 =	vand.u32 @!p1 $0x7F, v8;
	v9 =	vand.u32 @!p1 $0x80, v10  }
0x127: {  	v8 =	vor.u32 @!p1 v8, v9  }
0x128: {  	v9 =	vshrl.u32 @!p1 v10, $0x4;
	_ =	sdelay $0x2  }
0x129: {  	s6 =	simm.s32 @!p1 $0xA180;
	v10 =	vimm.s32 @!p1 $0x1  }
0x12a: {  	[tilespmem:v8+s6+$0x0] =	vst.idx.add.s32.msk @!p1 vm0, v10;
	s6 =	simm.s32 @!p1 $0xA100  }
0x12b: {  	[tilespmem:v9+s6+$0x0] =	vst.idx.add.s32.msk @!p1 vm0, v10  }
0x12c: {  	v8 =	vld [tilespmem:$0xA100];
	_ =	sdelay $0x4  }
0x12d: {  	v9 =	vperm.xlane v8, v3;
	_ =	sdelay $0x1  }
0x12e: {  	(xrf0) =	vadd.scan.msk.s32 $0xffff, v9;
	_ =	sdelay $0x5  }
0x12f: {  	v10, _, _ =	vpop (xrf0)  }
0x130: {  	vm14 =	vge.s32 v10, v7  }
0x131: {  	v12 =	vmctz.xlane vm14;
	_ =	sdelay $0x1  }
0x132: {  	v13 =	vshll.u32 v12, $0x4  }
0x133: {  	v8 =	vsub.s32 v4, v13;
	_ =	sdelay $0x4  }
0x134: {  	v8 =	vld.idx.msk [tilespmem:v8+s14+$0x0], $0xffff;
	_ =	sdelay $0x4  }
0x135: {  	v8 =	vperm.xlane v8, v3;
	_ =	sdelay $0x1  }
0x136: {  	(xrf0) =	vadd.scan.msk.s32 $0xffff, v8  }
0x137: {  	v9 =	vsub.s32 v10, v9  }
0x138: {  	v9 =	vperm.xlane v9, v12;
	_ =	sdelay $0x3  }
0x139: {  	v7 =	vsub.s32 v7, v9;
	v9, _, _ =	vpop (xrf0)  }
0x13a: {  	vm15 =	vge.s32 v9, v7  }
.Ltmp16:
0x13b: {  	v10 =	vmctz.xlane vm15;
	(pc) =	sbr.rel @p2 .LBB2_22-.Ltmp16, $4  }
0x13c: {  	_ = 	snop  }
0x13d: {  	p3 =	seq.s32 s26, $0x1;
	s26 =	simm.s32 $0x2;
	v63 =	vadd.s32 v10, v13  }
0x13e: {  	s26 =	simm.s32 @!p3 $0x1;
	v12 =	vsub.s32 $0xFF, v63  }
0x13f: {  	s11 =	sshll.u32 s26, $0xD;
	v11 =	vxor.u32 v11, v12  }
0x140: {  	p4 =	sgt.s32 s30, $0x2  }
.Ltmp17:
0x141: {  	_ = 	snop;
	(pc) =	sbr.rel @!p4 .LBB2_27-.Ltmp17, $3  }
0x142: {  	_ =	sdelay $0x1  }
0x143: {  	s9 =	simm.s32 $0x0;
	s6 =	sadd.s32 $0x0, s31;
	p2 =	por $0x0, $0x0  }
0x144: {  	v12 =	vmov s11;
	v13 =	vimm.s32 $0xFFFFFFFF;
	p3 =	por $0x0, $0x0;
	s19 =	sand.u32 $0xFFFFFF80, s6;
	s8 =	sand.u32 $0x60, s9  }
0x145: {  	s7 =	sadd.s32 $0x4000, s19;
	s6 =	simm.s32 $0x10  }
0x146: {  	s8 =	sor.u32 s8, s7;
	s10 =	sand.u32 $0x70, s6  }
0x147: {  	v14 =	vld [tilespmem:s8+$0x0];
	s7 =	sor.u32 s10, s7  }
0x148: {  	v15 =	vld [tilespmem:s7+$0x0];
	_ =	sdelay $0x1  }
0x149: {  	p4 =	sgt.s32 s30, $0x4  }
.Ltmp18:
0x14a: {  	_ = 	snop;
	(pc) =	sbr.rel @!p4 .LBB2_29-.Ltmp18, $4  }
0x14b: {  	v16 =	vshra.s32 v14, $0x1F  }
0x14c: {  	v17 =	vshrl.u32 v16, $0x1;
	v18 =	vshra.s32 v15, $0x1F  }
0x14d: {  	s21 =	sadd.s32 $0x20, s31;
	v26 =	vor.u32 s9, v0;
	s10 =	simm.s32 $0x20;
	v17 =	vxor.u32 v14, v17;
	v18 =	vshrl.u32 v18, $0x1  }
0x14e: {  	p2 =	por $0x1, $0x1;
	s19 =	sand.u32 $0xFFFFFF80, s21;
	s8 =	sand.u32 $0x60, s10;
	v16 =	vadd.s32 v12, v13;
	v27 =	vshrl.u32 v17, v5;
	v24 =	vxor.u32 v15, v18  }
0x14f: {  	s9 =	sadd.s32 $0x4000, s19;
	s7 =	simm.s32 $0x30  }
0x150: {  	vm0 =	vlt.s32 v26, v6;
	v17 =	vand.u32 $0xFF, v27;
	v18 =	vshrl.u32 v24, v5;
	s8 =	sor.u32 s8, s9;
	s21 =	sand.u32 $0x70, s7  }
0x151: {  	vm1 =	veq.s32 v17, v11;
	v17 =	vor.u32 s6, v0;
	v18 =	vand.u32 $0xFF, v18;
	v22 =	vld [tilespmem:s8+$0x0];
	s20 =	sor.u32 s21, s9  }
0x152: {  	vm0 =	vmand vm0, vm1;
	vm1 =	vlt.s32 v17, v6;
	vm2 =	veq.s32 v18, v11;
	v17 =	vld [tilespmem:s20+$0x0]  }
0x153: {  	vm1 =	vmand vm1, vm2;
	v18 =	vmpcnt.ones.xlane vm0  }
0x154: {  	(xrf0) =	vadd.scan.msk.s32 vm0, v1;
	v19 =	vmpcnt.ones.xlane vm1  }
0x155: {  	(xrf0) =	vadd.scan.msk.s32 vm1, v1;
	v20 =	vadd.s32 v13, v18  }
0x156: {  	p4 =	sgt.s32 s30, $0x6;
	v18 =	vadd.s32 v12, v20;
	v19 =	vadd.s32 v20, v19;
	v20 =	vshra.s32 v22, $0x1F  }
.Ltmp19:
0x157: {  	v20 =	vshrl.u32 v20, $0x1;
	v21 =	vshra.s32 v17, $0x1F;
	(pc) =	sbr.rel @!p4 .LBB2_31-.Ltmp19, $4  }
0x158: {  	v21 =	vshrl.u32 v21, $0x1  }
0x159: {  	p3 =	por $0x1, $0x1  }
0x15a: {  	v26 =	vor.u32 s10, v0;
	s10 =	simm.s32 $0x40;
	s21 =	sadd.s32 $0x40, s31;
	s9 =	simm.s32 $0x40;
	vm0 =	vmmov vm0;
	v23 =	vxor.u32 v22, v20;
	v20, _, _ =	vpop (xrf0)  }
0x15b: {  	s6 =	simm.s32 $0x6;
	s19 =	sand.u32 $0xFFFFFF80, s21;
	s8 =	sand.u32 $0x60, s9;
	v25 =	vadd.s32 v12, v19;
	v27 =	vshrl.u32 v23, v5;
	v24 =	vxor.u32 v17, v21;
	v21, _, _ =	vpop (xrf0)  }
.LBB2_32:
0x15c: {  	vm3 =	vlt.s32 v26, v6  }
0x15d: {  	s6 =	sadd.s32 $0x2, s6;
	s19 =	sadd.s32 $0x4000, s19;
	s20 =	sadd.s32 $0x10, s9;
	v23 =	vand.u32 $0xFF, v27;
	v24 =	vshrl.u32 v24, v5;
	v26 =	vmovc v17;
	vm2 =	vmmov vm1  }
0x15e: {  	v17 =	vor.u32 s7, v0;
	p4 =	slt.s32 s6, s30;
	s8 =	sor.u32 s8, s19;
	s21 =	sand.u32 $0x70, s20;
	vm1 =	veq.s32 v23, v11;
	v23 =	vand.u32 $0xFF, v24  }
0x15f: {  	s7 =	smov.u32 s20;
	v24 =	vld [tilespmem:s8+$0x0];
	s8 =	sor.u32 s21, s19;
	vm3 =	vmand vm3, vm1;
	vm1 =	vlt.s32 v17, v6;
	vm4 =	veq.s32 v23, v11  }
0x160: {  	v20 =	vadd.s32 v20, v16;
	v16 =	vmovc v25;
	v17 =	vld [tilespmem:s8+$0x0];
	v23 =	vmpcnt.ones.xlane vm3;
	vm1 =	vmand vm1, vm4;
	(xrf0) =	vadd.scan.msk.s32 vm3, v1  }
0x161: {  	v21 =	vadd.s32 v21, v18;
	v25 =	vmpcnt.ones.xlane vm1;
	(xrf0) =	vadd.scan.msk.s32 vm1, v1  }
0x162: {  	v19 =	vadd.s32 v19, v23  }
.Ltmp20:
0x163: {  	v18 =	vadd.s32 v12, v19;
	v19 =	vadd.s32 v19, v25;
	(pc) =	sbr.rel @p4 .LBB2_32-.Ltmp20, $4  }
0x164: {  	v23 =	vshra.s32 v24, $0x1F;
	v25 =	vadd.s32 v12, v19  }
0x165: {  	s9 =	sadd.s32 $0x20, s9;
	v23 =	vshrl.u32 v23, $0x1;
	v27 =	vshra.s32 v17, $0x1F;
	[tilespmem:v20+s13+$0x0] =	vst.idx.msk vm0, v14;
	v14 =	vmovc v22;
	v22 =	vmovc v24;
	vm0 =	vmmov vm3  }
0x166: {  	s8 =	sadd.s32 s9, s31;
	v23 =	vxor.u32 v22, v23;
	v24 =	vshrl.u32 v27, $0x1;
	v20, _, _ =	vpop (xrf0);
	[tilespmem:v21+s13+$0x0] =	vst.idx.msk vm2, v15;
	v15 =	vmov v26  }
0x167: {  	s19 =	sand.u32 $0xFFFFFF80, s8;
	s8 =	sand.u32 $0x60, s9;
	v26 =	vor.u32 s10, v0;
	s10 =	smov.u32 s9;
	v27 =	vshrl.u32 v23, v5;
	v24 =	vxor.u32 v17, v24;
	v21, _, _ =	vpop (xrf0)  }
0x168: {  	v28 =	vmovc v16;
	v23 =	vmov v14;
	s6 =	smov.u32 s7;
	v16 =	vmov v25;
	v14 =	vmov v22  }
.LBB2_34:
0x169: {  	s7 =	sadd.s32 $0x4000, s19;
	s9 =	sadd.s32 $0x10, s9  }
0x16a: {  	s8 =	sor.u32 s8, s7;
	s31 =	sand.u32 $0x70, s9  }
0x16b: {  	v22 =	vld [tilespmem:s8+$0x0];
	s7 =	sor.u32 s31, s7  }
0x16c: {  	v25 =	vld [tilespmem:s7+$0x0]  }
0x16d: {  	vm2 =	vlt.s32 @p2 v26, v6;
	v26 =	vand.u32 @p2 $0xFF, v27;
	v27 =	vor.u32 @p2 s6, v0  }
0x16e: {  	v55 =	vor.u32 s10, v0;
	v24 =	vshrl.u32 @p2 v24, v5;
	vm3 =	veq.s32 @p2 v26, v11  }
0x16f: {  	vm4 =	vlt.s32 @p2 v27, v6;
	vm11 =	vlt.s32 v55, v6;
	v56 =	vor.u32 s9, v0  }
0x170: {  	v24 =	vand.u32 @p2 $0xFF, v24;
	vm5 =	vlt.s32 v56, v6;
	v6 =	vshra.s32 v22, $0x1F  }
0x171: {  	vm2 =	vmand @p2 vm2, vm3;
	v57 =	vshra.s32 v25, $0x1F;
	v6 =	vshrl.u32 v6, $0x1  }
0x172: {  	vm6 =	veq.s32 @p2 v24, v11;
	(xrf0) =	vadd.scan.msk.s32 @p2 vm2, v1;
	v26 =	vshrl.u32 v57, $0x1;
	v6 =	vxor.u32 v22, v6  }
0x173: {  	v24 =	vmpcnt.ones.xlane @p2 vm2;
	v26 =	vxor.u32 v25, v26;
	v6 =	vshrl.u32 v6, v5  }
0x174: {  	vm4 =	vmand @p2 vm4, vm6;
	v5 =	vshrl.u32 v26, v5;
	v6 =	vand.u32 $0xFF, v6  }
0x175: {  	(xrf0) =	vadd.scan.msk.s32 @p2 vm4, v1;
	vm12 =	veq.s32 v6, v11;
	v6 =	vmpcnt.ones.xlane @p2 vm4;
	v5 =	vand.u32 $0xFF, v5  }
0x176: {  	v19 =	vadd.s32 @p2 v19, v24;
	vm6 =	vmand vm11, vm12;
	vm7 =	veq.s32 v5, v11  }
0x177: {  	v18 =	vadd.s32 @p3 v21, v18;
	v5 =	vadd.s32 @p2 v19, v6;
	vm13 =	vmand vm5, vm7;
	(xrf0) =	vadd.scan.msk.s32 vm6, v1  }
0x178: {  	v16 =	vpsel p2, v16, v0;
	vm2 =	vmmov @p2 vm2;
	v5 =	vpsel p2, v5, v13;
	v13, _, _ =	vpop @p2 (xrf0);
	(xrf0) =	vadd.scan.msk.s32 vm13, v1  }
0x179: {  	vm3 =	vmmov @p3 vm1;
	vm2 =	vmmov @p2 vm2;
	vm4 =	vmmov @p2 vm4  }
0x17a: {  	vm4 =	vmmov @p2 vm4;
	v6 =	vadd.s32 @p3 v20, v28;
	v19 =	vadd.s32 @p2 v12, v19  }
0x17b: {  	v59 =	vmpcnt.ones.xlane vm6;
	vm14 =	vmmov vm6;
	v13 =	vpsel p2, v13, v0;
	v21, _, _ =	vpop @p2 (xrf0)  }
0x17c: {  	v19 =	vpsel p2, v19, v0;
	v21 =	vpsel p2, v21, v0;
	v13 =	vadd.s32 @p2 v13, v16  }
0x17d: {  	v58 =	vadd.s32 v12, v5;
	v5 =	vadd.s32 v5, v59;
	v16 =	vadd.s32 @p2 v21, v19;
	v60, _, _ =	vpop (xrf0)  }
0x17e: {  	v61 =	vadd.s32 v12, v5;
	v62, _, _ =	vpop (xrf0);
	v19 =	vadd.s32 v60, v58  }
0x17f: {  	[tilespmem:v18+s13+$0x0] =	vst.idx.msk @p3 vm3, v15;
	v12 =	vadd.s32 v62, v61  }
.Ltmp21:
0x180: {  	v14 =	vpsel p2, v14, v0;
	[tilespmem:v6+s13+$0x0] =	vst.idx.msk @p3 vm0, v23;
	v6 =	vmov @p2 v17;
	(pc) =	sbr.rel .LBB2_23-.Ltmp21, $4  }
0x181: {  	v6 =	vpsel p2, v6, v0;
	[tilespmem:v13+s13+$0x0] =	vst.idx.msk @p2 vm2, v14  }
0x182: {  	v63 =	vmpcnt.ones.xlane vm13;
	[tilespmem:v16+s13+$0x0] =	vst.idx.msk @p2 vm4, v6  }
0x183: {  	[tilespmem:v19+s13+$0x0] =	vst.idx.msk vm14, v22  }
0x184: {  	vm15 =	vmmov vm13;
	v5 =	vadd.s32 v5, v63;
	[tilespmem:v12+s13+$0x0] =	vst.idx.msk vm13, v25  }
.LBB2_13:
.Ltmp22:
0x185: {  	(pc) =	sbr.rel .LBB2_20-.Ltmp22, $2  }
0x186: {  	_ =	sdelay $0x2  }
0x187: {  	s6 =	simm.s32 $0x10  }
.LBB2_27:
.Ltmp23:
0x188: {  	(pc) =	sbr.rel .LBB2_34-.Ltmp23, $2  }
0x189: {  	_ =	sdelay $0x2  }
0x18a: {  	v19 =	vimm.s32 $0xFFFFFFFF;
	s10 =	simm.s32 $0x0  }
.LBB2_15:
.Ltmp24:
0x18b: {  	(pc) =	sbr.rel .LBB2_20-.Ltmp24, $2  }
0x18c: {  	_ =	sdelay $0x2  }
0x18d: {  	_ = 	snop  }
.LBB2_29:
.Ltmp25:
0x18e: {  	(pc) =	sbr.rel .LBB2_34-.Ltmp25, $2  }
0x18f: {  	_ =	sdelay $0x2  }
0x190: {  	v17 =	vmov v15;
	s9 =	simm.s32 $0x20;
	v19 =	vimm.s32 $0xFFFFFFFF  }
.LBB2_17:
.Ltmp26:
0x191: {  	(pc) =	sbr.rel .LBB2_20-.Ltmp26, $2  }
0x192: {  	_ =	sdelay $0x2  }
0x193: {  	s6 =	simm.s32 $0x50  }
.LBB2_31:
.Ltmp27:
0x194: {  	(pc) =	sbr.rel .LBB2_34-.Ltmp27, $2  }
0x195: {  	_ =	sdelay $0x2  }
0x196: {  	v28 =	vmovc v16;
	v23 =	vmov v14;
	s6 =	simm.s32 $0x30;
	v16 =	vmov v25;
	v14 =	vmov v22;
	s10 =	simm.s32 $0x40  }
.LBB2_24:
0x197: {  	p1 =	sgt.s32 s29, $0x10  }
.Ltmp28:
0x198: {  	_ = 	snop;
	(pc) =	sbr.rel @p1 .LBB2_35-.Ltmp28, $2  }
0x199: {  	_ =	sdelay $0x2  }
0x19a: {  	s26 =	sshll.u32 s26, $0xF  }
.LBB2_25:
0x19b: {  	s0 =	sshrl.u32 s26, $0x2  }
0x19c: {  	v5 =	vld [tilespmem:s0+$0x4000];
	_ =	sdelay $0x4  }
0x19d: {  	v6 =	vshra.s32 v5, $0x1F  }
0x19e: {  	v6 =	vshrl.u32 v6, $0x1  }
0x19f: {  	v8 =	vmov s29;
	v6 =	vxor.u32 v5, v6  }
0x1a0: {  	vm0 =	vgt.s32 v8, v0;
	v5 =	vxor.u32 $0x80000000, v6  }
0x1a1: {  	(xrf1) =	vsort.dscd.msk.u32 vm0, v5, v6;
	_ =	sdelay $0xd  }
0x1a2: {  	v5, _, _ =	vpop (xrf1)  }
0x1a3: {  	v8 =	vadd.s32 $0xFFFFFFFF, v7;
	v5 =	vxor.u32 $0x80000000, v5  }
0x1a4: {  	v5 =	vperm.xlane v5, v8;
	_ =	sdelay $0x1  }
0x1a5: {  	vm1 =	vgt.s32 v6, v5  }
.Ltmp29:
0x1a6: {  	vm2 =	veq.s32 v6, v5;
	vm1 =	vmand vm0, vm1;
	(pc) =	sbr.rel .LBB2_36-.Ltmp29, $4  }
0x1a7: {  	vm0 =	vmand vm0, vm2;
	v6 =	vmpcnt.ones.xlane vm1  }
0x1a8: {  	v8 =	vmpcnt.ones.xlane vm0  }
0x1a9: {  	v7 =	vsub.s32 v7, v6  }
0x1aa: {  	vm0 =	veq.s32 v7, v8  }
.LBB2_35:
0x1ab: {  	s0 =	sshrl.u32 s26, $0x2  }
0x1ac: {  	v5 =	vld [tilespmem:s0+$0x4000];
	_ =	sdelay $0x4  }
0x1ad: {  	v6 =	vshra.s32 v5, $0x1F  }
0x1ae: {  	v6 =	vshrl.u32 v6, $0x1  }
0x1af: {  	v5 =	vxor.u32 v5, v6  }
0x1b0: {  	vm0 =	veq.s32 v7, s29;
	v5 =	vperm.xlane v5, v2  }
.LBB2_36:
0x1b1: {  	v6 =	vsel vm0, $0x1, v2  }
0x1b2: {  	v6 =	vor.u32 $0x80000000, v6  }
0x1b3: {  	(xrf0) =	vmax.scan.msk.u32 $0xffff, v6;
	_ =	sdelay $0x5  }
0x1b4: {  	v6, _, _ =	vpop (xrf0)  }
0x1b5: {  	(v2sf) =	vpush v6, $0xF;
	_ =	sdelay $0xe  }
0x1b6: {  	s0 =	spop (v2sf)  }
0x1b7: {  	p2 =	seq.s32 s0, $0x80000001  }
.Ltmp30:
0x1b8: {  	p1 =	seq.s32 s22, $0x0;
	(pc) =	sbr.rel @!p2 .LBB2_37-.Ltmp30, $4  }
0x1b9: {  	s1 =	simm.s32 @!p1 $0x3  }
0x1ba: {  	v6 =	vshra.s32 v5, $0x1F;
	_ =	swait.ge @!p1 [sflag:s1], $0x80  }
0x1bb: {  	s31 =	sadd.s32 $0xF, s25;
	v6 =	vshrl.u32 v6, $0x1;
	[sflag:s1] =	ssyncset.done @!p1 $0x0  }
0x1bc: {  	v5 =	vxor.u32 v5, v6;
	s0 =	sshra.s32 s31, $0x4;
	[sflag:s1] =	ssyncadd.s32 @!p1 $0xFFFFFF80  }
0x1bd: {  	s1 =	sshrl.u32 s0, $0x1F  }
0x1be: {  	s1 =	sadd.s32 s1, s0  }
0x1bf: {  	s1 =	sand.u32 $0xFFFFFFFE, s1  }
0x1c0: {  	p2 =	slt.s32 s1, $0x1  }
.Ltmp31:
0x1c1: {  	_ = 	snop;
	(pc) =	sbr.rel @p2 .LBB2_42-.Ltmp31, $1  }
0x1c2: {  	_ =	sdelay $0x3  }
0x1c3: {  	p4 =	sgt.s32 s1, $0x2  }
.Ltmp32:
0x1c4: {  	_ = 	snop;
	(pc) =	sbr.rel @!p4 .LBB2_57-.Ltmp32, $3  }
0x1c5: {  	_ =	sdelay $0x1  }
0x1c6: {  	s11 =	sadd.s32 $0xFFFFFFF0, s25  }
0x1c7: {  	v6 =	vimm.s32 $0xFFFFFFFF;
	s10 =	simm.s32 $0x4010;
	p2 =	por $0x0, $0x0;
	p3 =	por $0x0, $0x0  }
0x1c8: {  	v7 =	vld [tilespmem:s10+$0xFFFFFFF0]  }
0x1c9: {  	v8 =	vld [tilespmem:s10+$0x0];
	_ =	sdelay $0x1  }
0x1ca: {  	s6 =	sadd.s32 $0x10, s11;
	p4 =	sgt.s32 s1, $0x4  }
.Ltmp33:
0x1cb: {  	v9 =	vmov s6;
	(pc) =	sbr.rel @!p4 .LBB2_59-.Ltmp33, $4  }
0x1cc: {  	vm0 =	vgt.s32 v9, v0;
	v9 =	vmov s11;
	vm1 =	vge.f32 v7, v5  }
0x1cd: {  	vm2 =	vmand vm0, vm1;
	vm0 =	vgt.s32 v9, v0;
	vm1 =	vge.f32 v8, v5  }
0x1ce: {  	vm3 =	vmand vm0, vm1;
	(xrf0) =	vadd.scan.msk.s32 vm2, v1  }
0x1cf: {  	s10 =	simm.s32 $0x4030;
	p2 =	por $0x1, $0x1;
	v11 =	vmpcnt.ones.xlane vm2;
	v10 =	vmpcnt.ones.xlane vm3;
	(xrf0) =	vadd.scan.msk.s32 vm3, v1  }
0x1d0: {  	v17 =	vld [tilespmem:s10+$0xFFFFFFF0]  }
0x1d1: {  	v15 =	vld [tilespmem:s10+$0x0]  }
0x1d2: {  	s9 =	sadd.s32 $0xFFFFFFE0, s11  }
0x1d3: {  	s6 =	sadd.s32 $0x10, s9  }
0x1d4: {  	vm0 =	vmmov vm2;
	p4 =	sgt.s32 s1, $0x6;
	v9 =	vmov s6  }
.Ltmp34:
0x1d5: {  	vm1 =	vmmov vm3;
	v13 =	vadd.s32 v6, v11;
	vm2 =	vgt.s32 v9, v0;
	(pc) =	sbr.rel @!p4 .LBB2_61-.Ltmp34, $4  }
0x1d6: {  	v9 =	vmov s9;
	v12, _, _ =	vpop (xrf0);
	vm3 =	vge.f32 v17, v5;
	vm4 =	vge.f32 v15, v5  }
0x1d7: {  	v12 =	vadd.s32 v6, v12;
	vm2 =	vmand vm2, vm3;
	vm3 =	vgt.s32 v9, v0  }
0x1d8: {  	v14, _, _ =	vpop (xrf0);
	v9 =	vadd.s32 v13, v10;
	v11 =	vmpcnt.ones.xlane vm2;
	vm3 =	vmand vm3, vm4;
	(xrf0) =	vadd.scan.msk.s32 vm2, v1  }
0x1d9: {  	s10 =	simm.s32 $0x4050;
	p3 =	por $0x1, $0x1;
	s6 =	simm.s32 $0x6;
	v13 =	vadd.s32 v13, v14;
	v14 =	vmovc v9;
	v10 =	vmpcnt.ones.xlane vm3;
	(xrf0) =	vadd.scan.msk.s32 vm3, v1  }
.LBB2_62:
0x1da: {  	s6 =	sadd.s32 $0x2, s6;
	v16 =	vld [tilespmem:s10+$0xFFFFFFF0];
	v18 =	vadd.s32 v9, v11  }
0x1db: {  	p4 =	slt.s32 s6, s1;
	v11 =	vld [tilespmem:s10+$0x0];
	v9 =	vadd.s32 v18, v10  }
0x1dc: {  	s9 =	sadd.s32 $0xFFFFFFE0, s9  }
0x1dd: {  	s7 =	sadd.s32 $0x10, s9;
	[tilespmem:v12+s17+$0x0] =	vst.idx.msk vm0, v7;
	v7 =	vmov v17;
	vm0 =	vmmov vm2  }
.Ltmp35:
0x1de: {  	v10 =	vmov s7;
	v12, _, _ =	vpop (xrf0);
	[tilespmem:v13+s17+$0x0] =	vst.idx.msk vm1, v8;
	v8 =	vmov v15;
	vm1 =	vmmov vm3;
	(pc) =	sbr.rel @p4 .LBB2_62-.Ltmp35, $4  }
0x1df: {  	vm2 =	vgt.s32 v10, v0;
	v10 =	vmov s9;
	vm3 =	vge.f32 v16, v5;
	v13, _, _ =	vpop (xrf0)  }
0x1e0: {  	v17 =	vmovc v16;
	vm2 =	vmand vm2, vm3;
	vm3 =	vgt.s32 v10, v0;
	vm4 =	vge.f32 v11, v5;
	v15 =	vmovc v11  }
0x1e1: {  	v12 =	vadd.s32 v14, v12;
	v14 =	vmovc v9;
	v11 =	vmpcnt.ones.xlane vm2;
	vm3 =	vmand vm3, vm4;
	(xrf0) =	vadd.scan.msk.s32 vm2, v1  }
0x1e2: {  	s10 =	sadd.s32 $0x20, s10;
	v13 =	vadd.s32 v18, v13;
	v10 =	vmpcnt.ones.xlane vm3;
	(xrf0) =	vadd.scan.msk.s32 vm3, v1  }
0x1e3: {  	v16 =	vmovc v7;
	v18 =	vmov v8;
	v7 =	vmov v17;
	v8 =	vmov v15  }
.LBB2_64:
0x1e4: {  	v15 =	vld [tilespmem:s10+$0xFFFFFFF0]  }
0x1e5: {  	v17 =	vld [tilespmem:s10+$0x0];
	s6 =	sadd.s32 @p2 $0xFFFFFFE0, s9  }
0x1e6: {  	s11 =	smov.u32 @p2 s6  }
0x1e7: {  	s6 =	sadd.s32 $0x10, s11  }
0x1e8: {  	v19 =	vmov s6  }
0x1e9: {  	v60 =	vmov s11;
	vm4 =	vgt.s32 v19, v0;
	vm5 =	vge.f32 v15, v5  }
0x1ea: {  	vm15 =	vgt.s32 v60, v0;
	vm6 =	vge.f32 v17, v5;
	vm4 =	vmand vm4, vm5  }
0x1eb: {  	vm5 =	vmand vm15, vm6;
	(xrf0) =	vadd.scan.msk.s32 vm4, v1  }
0x1ec: {  	(xrf0) =	vadd.scan.msk.s32 vm5, v1  }
0x1ed: {  	v9 =	vadd.s32 @p2 v9, v11  }
0x1ee: {  	vm2 =	vmmov @p2 vm2;
	vm3 =	vmmov @p2 vm3;
	v10 =	vadd.s32 @p2 v9, v10;
	v19, _, _ =	vpop @p2 (xrf0)  }
0x1ef: {  	vm2 =	vmmov @p2 vm2;
	vm3 =	vmmov @p2 vm3;
	v11, _, _ =	vpop @p2 (xrf0);
	v14 =	vadd.s32 @p2 v14, v19  }
0x1f0: {  	v61 =	vmpcnt.ones.xlane vm4;
	v9 =	vadd.s32 @p2 v9, v11;
	v14 =	vpsel p2, v14, v0  }
0x1f1: {  	v6 =	vpsel p2, v10, v6;
	vm4 =	vmmov vm4;
	v9 =	vpsel p2, v9, v0;
	v62, _, _ =	vpop (xrf0)  }
0x1f2: {  	v11 =	vadd.s32 v6, v61;
	v6 =	vadd.s32 v6, v62;
	v63, _, _ =	vpop (xrf0)  }
0x1f3: {  	[tilespmem:v12+s17+$0x0] =	vst.idx.msk @p3 vm0, v16;
	v10 =	vadd.s32 v11, v63  }
.Ltmp36:
0x1f4: {  	[tilespmem:v13+s17+$0x0] =	vst.idx.msk @p3 vm1, v18;
	v7 =	vpsel p2, v7, v0;
	(pc) =	sbr.rel .LBB2_43-.Ltmp36, $4  }
0x1f5: {  	v8 =	vpsel p2, v8, v0;
	[tilespmem:v14+s17+$0x0] =	vst.idx.msk @p2 vm2, v7  }
0x1f6: {  	v7 =	vmpcnt.ones.xlane vm5;
	[tilespmem:v9+s17+$0x0] =	vst.idx.msk @p2 vm3, v8  }
0x1f7: {  	[tilespmem:v6+s17+$0x0] =	vst.idx.msk vm4, v15  }
0x1f8: {  	vm6 =	vmmov vm5;
	v6 =	vadd.s32 v11, v7;
	[tilespmem:v10+s17+$0x0] =	vst.idx.msk vm5, v17  }
.LBB2_37:
0x1f9: {  	p2 =	sgt.s32 s0, $0x0  }
.Ltmp37:
0x1fa: {  	_ = 	snop;
	(pc) =	sbr.rel @!p2 .LBB2_44-.Ltmp37, $1  }
0x1fb: {  	_ =	sdelay $0x3  }
0x1fc: {  	s1 =	simm.s32 $0x4000  }
0x1fd: {  	v6 =	vld [tilespmem:s1+$0x0];
	_ =	sdelay $0x3  }
0x1fe: {  	v8 =	vmov s25  }
0x1ff: {  	vm0 =	vgt.s32 v8, v0;
	vm1 =	veq.f32 v6, v5  }
0x200: {  	vm1 =	vmand vm0, vm1  }
0x201: {  	(xrf0) =	vadd.scan.msk.s32 vm1, v1;
	_ =	sdelay $0x5  }
0x202: {  	v9 =	vimm.s32 $0x0;
	v8, _, _ =	vpop (xrf0)  }
0x203: {  	v8 =	vadd.s32 v8, v9  }
0x204: {  	v8 =	vadd.s32 $0xFFFFFFFF, v8  }
0x205: {  	vm2 =	vgt.f32 v6, v5;
	vm3 =	vlt.s32 v8, v7  }
0x206: {  	vm0 =	vmand vm0, vm2;
	vm2 =	vmand vm1, vm3  }
0x207: {  	vm0 =	vmor vm0, vm2  }
0x208: {  	(xrf0) =	vadd.scan.msk.s32 vm0, v1;
	_ =	sdelay $0x2  }
0x209: {  	p2 =	sne.s32 s0, $0x1  }
.Ltmp38:
0x20a: {  	_ = 	snop;
	(pc) =	sbr.rel @!p2 .LBB2_40-.Ltmp38, $4  }
0x20b: {  	_ = 	snop  }
0x20c: {  	v8 =	vmpcnt.ones.xlane vm1;
	v10 =	vmpcnt.ones.xlane vm0;
	v11, _, _ =	vpop (xrf0)  }
0x20d: {  	v11 =	vadd.s32 v11, v9  }
0x20e: {  	s0 =	sadd.s32 $0xFFFFFFFF, s0;
	v8 =	vadd.s32 v9, v8;
	v9 =	vadd.s32 v9, v10;
	v10 =	vadd.s32 $0xFFFFFFFF, v11  }
.LBB2_39:
0x20f: {  	_ =	sdelay $0x3  }
0x210: {  	p2 =	sne.s32 s0, $0x1;
	[tilespmem:v10+s17+$0x0] =	vst.idx.msk vm0, v6;
	s1 =	sadd.s32 $0x10, s1;
	s25 =	sadd.s32 $0xFFFFFFF0, s25;
	v10 =	vmov v8;
	v11 =	vmov v9  }
0x211: {  	s0 =	sadd.s32 $0xFFFFFFFF, s0;
	v6 =	vld [tilespmem:s1+$0x0];
	_ =	sdelay $0x3  }
0x212: {  	v12 =	vmov s25  }
0x213: {  	vm0 =	vgt.s32 v12, v0;
	vm1 =	vgt.f32 v6, v5;
	vm2 =	veq.f32 v6, v5  }
0x214: {  	vm1 =	vmand vm0, vm1;
	vm0 =	vmand vm0, vm2  }
0x215: {  	v12 =	vmpcnt.ones.xlane vm0;
	(xrf0) =	vadd.scan.msk.s32 vm0, v1;
	_ =	sdelay $0x1  }
0x216: {  	v8 =	vadd.s32 v8, v12;
	_ =	sdelay $0x3  }
0x217: {  	v12, _, _ =	vpop (xrf0)  }
0x218: {  	v10 =	vadd.s32 v12, v10  }
0x219: {  	v10 =	vadd.s32 $0xFFFFFFFF, v10  }
0x21a: {  	vm2 =	vlt.s32 v10, v7  }
0x21b: {  	vm0 =	vmand vm0, vm2  }
0x21c: {  	vm0 =	vmor vm1, vm0  }
0x21d: {  	v10 =	vmpcnt.ones.xlane vm0;
	(xrf0) =	vadd.scan.msk.s32 vm0, v1;
	_ =	sdelay $0x1  }
0x21e: {  	v9 =	vadd.s32 v9, v10;
	_ =	sdelay $0x1  }
.Ltmp39:
0x21f: {  	(pc) =	sbr.rel @p2 .LBB2_39-.Ltmp39, $4  }
0x220: {  	_ = 	snop  }
0x221: {  	v10, _, _ =	vpop (xrf0)  }
0x222: {  	v10 =	vadd.s32 v10, v11  }
0x223: {  	v10 =	vadd.s32 $0xFFFFFFFF, v10  }
.LBB2_40:
0x224: {  	_ = 	snop  }
.Ltmp40:
0x225: {  	_ = 	snop;
	(pc) =	sbr.rel .LBB2_44-.Ltmp40, $2  }
0x226: {  	_ =	sdelay $0x2  }
0x227: {  	[tilespmem:v10+s17+$0x0] =	vst.idx.msk vm0, v6  }
.LBB2_42:
0x228: {  	v6 =	vimm.s32 $0xFFFFFFFF  }
.LBB2_43:
0x229: {  	s0 =	ssub.s32 s0, s1  }
0x22a: {  	p2 =	slt.s32 s0, $0x1  }
0x22b: {  	s0 =	sshll.u32 @!p2 s1, $0x4  }
0x22c: {  	v7 =	vld @!p2 [tilespmem:s0+$0x4000];
	_ =	sdelay $0x2  }
0x22d: {  	s0 =	ssub.s32 @!p2 s25, s0  }
0x22e: {  	v9 =	vlaneseq.u32 @!p2;
	v8 =	vmov @!p2 s0  }
0x22f: {  	vm0 =	vgt.s32 @!p2 v8, v9;
	vm1 =	vge.f32 @!p2 v7, v5  }
0x230: {  	v5 =	vimm.s32 @!p2 $0x1;
	vm0 =	vmand @!p2 vm0, vm1  }
0x231: {  	(xrf0) =	vadd.scan.msk.s32 @!p2 vm0, v5;
	_ =	sdelay $0x5  }
0x232: {  	v5, _, _ =	vpop @!p2 (xrf0)  }
0x233: {  	v5 =	vadd.s32 @!p2 v6, v5;
	_ =	sdelay $0x3  }
0x234: {  	s0 =	simm.s32 @!p2 $0xA000  }
0x235: {  	[tilespmem:v5+s0+$0x0] =	vst.idx.msk @!p2 vm0, v7  }
.LBB2_44:
0x236: {  	s0 =	sshll.u32 s22, $0x5  }
0x237: {  	s1 =	sshll.u32 s24, $0x4;
	s0 =	sand.u32 $0x60, s0  }
0x238: {  	s1 =	sand.u32 $0xFF80, s1;
	s0 =	sadd.s32 s3, s0  }
0x239: {  	s0 =	sadd.s32 s1, s0  }
0x23a: {  	[hbm4b:s0+s4] =	stream.linear.scatter [tilespmem:s17], [sflag:$0x3], $0x80, $0x38;
	[tilespmem:$0xA280] =	vst v63  }
0x23b: {  	_ =	swait.ge [sflag:s16], $0x2000  }
0x23c: {  	[sflag:s16] =	ssyncset.done $0x0  }
0x23d: {  	s31 =	simm.s32 $0x2070;
	[sflag:s16] =	ssyncadd.s32 $0xFFFFE000  }
0x23e: {  	v12 =	vld [tilespmem:s31+$0xFFFFFF90]  }
0x23f: {  	v14 =	vld [tilespmem:s31+$0xFFFFFFA0]  }
0x240: {  	v17 =	vld [tilespmem:s31+$0xFFFFFFB0]  }
0x241: {  	v19 =	vld [tilespmem:s31+$0xFFFFFFC0]  }
0x242: {  	v20 =	vld [tilespmem:s31+$0xFFFFFFD0]  }
0x243: {  	v5 =	vld [tilespmem:s31+$0xFFFFFFE0];
	vm2 =	vge.f32 v12, $2.031250000e+00  }
0x244: {  	v6 =	vld [tilespmem:s31+$0xFFFFFFF0];
	vm1 =	vge.f32 v14, $2.031250000e+00;
	(xrf0) =	vadd.scan.msk.s32 vm2, v1  }
0x245: {  	v7 =	vld [tilespmem:s31+$0x0];
	vm3 =	vge.f32 v17, $2.031250000e+00;
	(xrf0) =	vadd.scan.msk.s32 vm1, v1  }
0x246: {  	vm4 =	vge.f32 v19, $2.031250000e+00;
	(xrf0) =	vadd.scan.msk.s32 vm3, v1  }
0x247: {  	vm5 =	vge.f32 v20, $2.031250000e+00;
	v8 =	vmpcnt.ones.xlane vm2;
	(xrf0) =	vadd.scan.msk.s32 vm4, v1  }
0x248: {  	v9 =	vimm.s32 $0xFFFFFFFF;
	vm0 =	vge.f32 v5, $2.031250000e+00;
	v10 =	vmpcnt.ones.xlane vm1;
	(xrf0) =	vadd.scan.msk.s32 vm5, v1  }
0x249: {  	vm6 =	vge.f32 v6, $2.031250000e+00;
	v11 =	vmpcnt.ones.xlane vm3;
	v8 =	vadd.s32 v9, v8;
	(xrf0) =	vadd.scan.msk.s32 vm0, v1  }
0x24a: {  	vm7 =	vge.f32 v7, $2.031250000e+00;
	v13 =	vmpcnt.ones.xlane vm4;
	v10 =	vadd.s32 v8, v10;
	v15, _, _ =	vpop (xrf0);
	(xrf0) =	vadd.scan.msk.s32 vm6, v1  }
0x24b: {  	v16 =	vmpcnt.ones.xlane vm5;
	v11 =	vadd.s32 v10, v11;
	v18 =	vadd.s32 v9, v15;
	v9, _, _ =	vpop (xrf0);
	(xrf0) =	vadd.scan.msk.s32 vm7, v1  }
0x24c: {  	s0 =	simm.s32 $0x20F0;
	v13 =	vadd.s32 v11, v13;
	v15 =	vmpcnt.ones.xlane vm0;
	v21 =	vadd.s32 v8, v9;
	v9, _, _ =	vpop (xrf0)  }
0x24d: {  	v22 =	vmpcnt.ones.xlane vm6;
	v16 =	vadd.s32 v13, v16;
	v8 =	vld [tilespmem:s0+$0xFFFFFF90];
	v23 =	vadd.s32 v10, v9;
	v10, _, _ =	vpop (xrf0)  }
0x24e: {  	v24 =	vadd.s32 v16, v15;
	v15 =	vmpcnt.ones.xlane vm7;
	v9 =	vld [tilespmem:s0+$0xFFFFFFA0];
	v25 =	vadd.s32 v11, v10;
	v11, _, _ =	vpop (xrf0)  }
0x24f: {  	v22 =	vadd.s32 v24, v22;
	v10 =	vld [tilespmem:s0+$0xFFFFFFB0];
	v26 =	vadd.s32 v13, v11;
	v13, _, _ =	vpop (xrf0)  }
0x250: {  	vm0 =	vmmov vm0;
	v15 =	vadd.s32 v22, v15;
	v11 =	vld [tilespmem:s0+$0xFFFFFFC0];
	[tilespmem:v18+s13+$0x0] =	vst.idx.msk vm2, v12;
	v18, _, _ =	vpop (xrf0)  }
0x251: {  	vm2 =	vmmov vm6;
	vm6 =	vmmov vm7;
	v13 =	vadd.s32 v16, v13;
	v12 =	vld [tilespmem:s0+$0xFFFFFFD0];
	[tilespmem:v21+s13+$0x0] =	vst.idx.msk vm1, v14;
	v14, _, _ =	vpop (xrf0)  }
0x252: {  	v16 =	vadd.s32 v24, v18;
	vm1 =	vge.f32 v8, $2.031250000e+00;
	[tilespmem:v23+s13+$0x0] =	vst.idx.msk vm3, v17;
	v18 =	vadd.s32 v22, v14;
	v14 =	vld [tilespmem:s0+$0xFFFFFFE0]  }
0x253: {  	v21 =	vmpcnt.ones.xlane vm1;
	vm3 =	vge.f32 v9, $2.031250000e+00;
	(xrf0) =	vadd.scan.msk.s32 vm1, v1;
	v17 =	vld [tilespmem:s0+$0xFFFFFFF0];
	[tilespmem:v25+s13+$0x0] =	vst.idx.msk vm4, v19  }
0x254: {  	v23 =	vmpcnt.ones.xlane vm3;
	vm4 =	vge.f32 v10, $2.031250000e+00;
	(xrf0) =	vadd.scan.msk.s32 vm3, v1;
	v19 =	vld [tilespmem:s0+$0x0];
	[tilespmem:v26+s13+$0x0] =	vst.idx.msk vm5, v20  }
0x255: {  	v20 =	vadd.s32 v15, v21;
	v22 =	vmpcnt.ones.xlane vm4;
	vm5 =	vge.f32 v11, $2.031250000e+00;
	(xrf0) =	vadd.scan.msk.s32 vm4, v1  }
0x256: {  	s1 =	simm.s32 $0x8;
	v21 =	vadd.s32 v20, v23;
	v23 =	vmpcnt.ones.xlane vm5;
	vm7 =	vge.f32 v12, $2.031250000e+00;
	(xrf0) =	vadd.scan.msk.s32 vm5, v1  }
.LBB2_45:
0x257: {  	s1 =	sadd.s32 $0x8, s1;
	v22 =	vadd.s32 v21, v22;
	v24 =	vmpcnt.ones.xlane vm7;
	vm8 =	vge.f32 v14, $2.031250000e+00;
	(xrf0) =	vadd.scan.msk.s32 vm7, v1  }
0x258: {  	p2 =	slt.u32 s1, $0x1F8;
	v23 =	vadd.s32 v22, v23;
	v25 =	vmpcnt.ones.xlane vm8;
	vm9 =	vge.f32 v17, $2.031250000e+00;
	(xrf0) =	vadd.scan.msk.s32 vm8, v1  }
0x259: {  	v24 =	vadd.s32 v23, v24;
	v26 =	vmpcnt.ones.xlane vm9;
	vm10 =	vge.f32 v19, $2.031250000e+00;
	v27, _, _ =	vpop (xrf0);
	(xrf0) =	vadd.scan.msk.s32 vm9, v1  }
0x25a: {  	v27 =	vadd.s32 v15, v27;
	v25 =	vadd.s32 v24, v25;
	v15 =	vmpcnt.ones.xlane vm10;
	v28, _, _ =	vpop (xrf0);
	(xrf0) =	vadd.scan.msk.s32 vm10, v1  }
0x25b: {  	s0 =	sadd.s32 $0x80, s0;
	v20 =	vadd.s32 v20, v28;
	v26 =	vadd.s32 v25, v26;
	v28, _, _ =	vpop (xrf0);
	[tilespmem:v18+s13+$0x0] =	vst.idx.msk vm6, v7;
	v7 =	vmov v19  }
0x25c: {  	v19 =	vld [tilespmem:s0+$0xFFFFFF90];
	v18 =	vadd.s32 v21, v28;
	v15 =	vadd.s32 v26, v15;
	v21, _, _ =	vpop (xrf0);
	[tilespmem:v16+s13+$0x0] =	vst.idx.msk vm2, v6;
	v6 =	vmov v17  }
0x25d: {  	v28 =	vld [tilespmem:s0+$0xFFFFFFA0];
	v21 =	vadd.s32 v22, v21;
	v16, _, _ =	vpop (xrf0);
	[tilespmem:v13+s13+$0x0] =	vst.idx.msk vm0, v5;
	v5 =	vmov v14;
	vm0 =	vmmov vm8  }
0x25e: {  	vm6 =	vmmov vm10;
	vm2 =	vmmov vm9;
	v22 =	vld [tilespmem:s0+$0xFFFFFFB0];
	v23 =	vadd.s32 v23, v16;
	v13, _, _ =	vpop (xrf0)  }
0x25f: {  	v29 =	vld [tilespmem:s0+$0xFFFFFFC0];
	[tilespmem:v27+s13+$0x0] =	vst.idx.msk vm1, v8;
	v13 =	vadd.s32 v24, v13;
	v8, _, _ =	vpop (xrf0)  }
0x260: {  	v24 =	vld [tilespmem:s0+$0xFFFFFFD0];
	[tilespmem:v20+s13+$0x0] =	vst.idx.msk vm3, v9;
	v16 =	vadd.s32 v25, v8;
	v8, _, _ =	vpop (xrf0)  }
.Ltmp41:
0x261: {  	vm1 =	vge.f32 v19, $2.031250000e+00;
	v14 =	vld [tilespmem:s0+$0xFFFFFFE0];
	[tilespmem:v18+s13+$0x0] =	vst.idx.msk vm4, v10;
	v18 =	vadd.s32 v26, v8;
	v8 =	vmov v19;
	(pc) =	sbr.rel @p2 .LBB2_45-.Ltmp41, $4  }
0x262: {  	v20 =	vmpcnt.ones.xlane vm1;
	vm3 =	vge.f32 v28, $2.031250000e+00;
	v17 =	vld [tilespmem:s0+$0xFFFFFFF0];
	(xrf0) =	vadd.scan.msk.s32 vm1, v1;
	[tilespmem:v21+s13+$0x0] =	vst.idx.msk vm5, v11;
	v9 =	vmovc v28  }
0x263: {  	v21 =	vmpcnt.ones.xlane vm3;
	vm4 =	vge.f32 v22, $2.031250000e+00;
	v19 =	vld [tilespmem:s0+$0x0];
	(xrf0) =	vadd.scan.msk.s32 vm3, v1;
	[tilespmem:v23+s13+$0x0] =	vst.idx.msk vm7, v12;
	v10 =	vmovc v22  }
0x264: {  	v20 =	vadd.s32 v15, v20;
	v22 =	vmpcnt.ones.xlane vm4;
	vm5 =	vge.f32 v29, $2.031250000e+00;
	(xrf0) =	vadd.scan.msk.s32 vm4, v1;
	v11 =	vmovc v29  }
0x265: {  	v21 =	vadd.s32 v20, v21;
	v23 =	vmpcnt.ones.xlane vm5;
	vm7 =	vge.f32 v24, $2.031250000e+00;
	(xrf0) =	vadd.scan.msk.s32 vm5, v1;
	v12 =	vmovc v24  }
0x266: {  	v22 =	vadd.s32 v21, v22;
	v24 =	vmpcnt.ones.xlane vm7;
	vm8 =	vge.f32 v14, $2.031250000e+00  }
0x267: {  	v23 =	vadd.s32 v22, v23;
	v25 =	vmpcnt.ones.xlane vm8;
	vm9 =	vge.f32 v17, $2.031250000e+00  }
0x268: {  	v24 =	vadd.s32 v23, v24;
	v26 =	vmpcnt.ones.xlane vm9;
	vm10 =	vge.f32 v19, $2.031250000e+00  }
0x269: {  	(xrf0) =	vadd.scan.msk.s32 vm7, v1;
	v25 =	vadd.s32 v24, v25;
	v27 =	vmpcnt.ones.xlane vm10  }
0x26a: {  	(xrf0) =	vadd.scan.msk.s32 vm8, v1;
	v26 =	vadd.s32 v25, v26  }
0x26b: {  	v28, _, _ =	vpop (xrf0);
	(xrf0) =	vadd.scan.msk.s32 vm9, v1;
	v27 =	vadd.s32 v26, v27  }
0x26c: {  	v29, _, _ =	vpop (xrf0);
	(xrf0) =	vadd.scan.msk.s32 vm10, v1;
	v27 =	vxor.u32 $0x80000000, v27  }
0x26d: {  	v30, _, _ =	vpop (xrf0);
	(xrf0) =	vmax.scan.msk.u32 $0xffff, v27  }
0x26e: {  	v60, _, _ =	vpop (xrf0)  }
0x26f: {  	v31, _, _ =	vpop (xrf0)  }
0x270: {  	v32, _, _ =	vpop (xrf0)  }
0x271: {  	v33, _, _ =	vpop (xrf0)  }
0x272: {  	v34, _, _ =	vpop (xrf0)  }
0x273: {  	v35, _, _ =	vpop (xrf0)  }
0x274: {  	(v2sf) =	vpush v35, $0xF;
	_ =	sdelay $0x9  }
0x275: {  	v15 =	vadd.s32 v15, v28  }
0x276: {  	v20 =	vadd.s32 v20, v29  }
0x277: {  	[tilespmem:v18+s13+$0x0] =	vst.idx.msk vm6, v7;
	v7 =	vadd.s32 v21, v30  }
0x278: {  	[tilespmem:v16+s13+$0x0] =	vst.idx.msk vm2, v6;
	v6 =	vadd.s32 v22, v60  }
0x279: {  	[tilespmem:v13+s13+$0x0] =	vst.idx.msk vm0, v5;
	v5 =	vadd.s32 v23, v31  }
0x27a: {  	[tilespmem:v15+s13+$0x0] =	vst.idx.msk vm1, v8;
	v63 =	vadd.s32 v24, v32;
	s0 =	spop (v2sf)  }
0x27b: {  	[tilespmem:v20+s13+$0x0] =	vst.idx.msk vm3, v9;
	v62 =	vadd.s32 v25, v33;
	s25 =	sadd.s32 $0x80000001, s0  }
0x27c: {  	v61 =	vadd.s32 v26, v34;
	[tilespmem:v7+s13+$0x0] =	vst.idx.msk vm4, v10;
	p2 =	sgt.s32 s25, $0x7F  }
.Ltmp42:
0x27d: {  	[tilespmem:v6+s13+$0x0] =	vst.idx.msk vm5, v11;
	(pc) =	sbr.rel @p2 .LBB2_52-.Ltmp42, $4  }
0x27e: {  	[tilespmem:v5+s13+$0x0] =	vst.idx.msk vm7, v12  }
0x27f: {  	[tilespmem:v63+s13+$0x0] =	vst.idx.msk vm8, v14  }
0x280: {  	[tilespmem:v62+s13+$0x0] =	vst.idx.msk vm9, v17  }
0x281: {  	vm15 =	vmmov vm8;
	vm14 =	vmmov vm9;
	vm13 =	vmmov vm10;
	[tilespmem:v61+s13+$0x0] =	vst.idx.msk vm10, v19  }
0x282: {  	s0 =	simm.s32 $0x0  }
0x283: {  	[tilespmem:$0xA100] =	vst v2;
	s1 =	sand.u32 $0x1FF0, s0;
	s0 =	simm.s32 $0x10  }
.LBB2_48:
0x284: {  	p2 =	sne.s32 s0, $0x1FF0;
	v5 =	vld [tilespmem:s1+$0x2000];
	_ =	sdelay $0x4  }
0x285: {  	v6 =	vshra.s32 v5, $0x1F  }
0x286: {  	v5 =	vshrl.u32 v5, $0x1C;
	v6 =	vshrl.u32 v6, $0x1D  }
0x287: {  	v5 =	vxor.u32 v6, v5  }
0x288: {  	v5 =	vxor.u32 $0x8, v5  }
.Ltmp43:
0x289: {  	(pc) =	sbr.rel @p2 .LBB2_48-.Ltmp43, $2  }
0x28a: {  	_ =	sdelay $0x2  }
0x28b: {  	s1 =	sand.u32 $0x1FF0, s0;
	s0 =	sadd.s32 $0x10, s0;
	[tilespmem:v5+s15+$0x0] =	vst.idx.add.s32.msk $0xffff, v1  }
0x28c: {  	v5 =	vld [tilespmem:s1+$0x2000];
	_ =	sdelay $0x4  }
0x28d: {  	v6 =	vshra.s32 v5, $0x1F  }
0x28e: {  	v5 =	vshrl.u32 v5, $0x1C;
	v6 =	vshrl.u32 v6, $0x1D  }
0x28f: {  	v5 =	vxor.u32 v6, v5  }
0x290: {  	v5 =	vxor.u32 $0x8, v5;
	_ =	sdelay $0x4  }
0x291: {  	[tilespmem:v5+s15+$0x0] =	vst.idx.add.s32.msk $0xffff, v1  }
0x292: {  	v5 =	vld [tilespmem:$0xA100];
	_ =	sdelay $0x4  }
0x293: {  	v5 =	vperm.xlane v5, v3;
	_ =	sdelay $0x1  }
0x294: {  	(xrf0) =	vadd.scan.msk.s32 $0xffff, v5;
	_ =	sdelay $0x5  }
0x295: {  	v5, _, _ =	vpop (xrf0)  }
0x296: {  	vm0 =	vgt.s32 v5, $0x7F  }
0x297: {  	v5 =	vmctz.xlane vm0;
	_ =	sdelay $0x1  }
0x298: {  	s0 =	simm.s32 $0xFFFFFFFE;
	s1 =	simm.s32 $0x2010;
	s6 =	simm.s32 $0x0;
	v6 =	vimm.s32 $0x0;
	v5 =	vsub.s32 $0xF, v5  }
.LBB2_50:
0x299: {  	s7 =	sand.u32 $0x1FE0, s6  }
0x29a: {  	v7 =	vld [tilespmem:s7+$0x2000];
	_ =	sdelay $0x4  }
0x29b: {  	v8 =	vshra.s32 v7, $0x1F  }
0x29c: {  	v9 =	vshrl.u32 v7, $0x1C;
	v8 =	vshrl.u32 v8, $0x1D  }
0x29d: {  	v8 =	vxor.u32 v8, v9  }
0x29e: {  	v8 =	vxor.u32 $0x8, v8  }
0x29f: {  	vm0 =	vge.s32 v8, v5  }
0x2a0: {  	(xrf0) =	vadd.scan.msk.s32 vm0, v1;
	_ =	sdelay $0x5  }
0x2a1: {  	v8, _, _ =	vpop (xrf0)  }
0x2a2: {  	v8 =	vadd.s32 v8, v6  }
0x2a3: {  	v8 =	vadd.s32 $0xFFFFFFFF, v8;
	_ =	sdelay $0x4  }
0x2a4: {  	[tilespmem:v8+s13+$0x0] =	vst.idx.msk vm0, v7  }
0x2a5: {  	v7 =	vld [tilespmem:s1+$0x0];
	_ =	sdelay $0x4  }
0x2a6: {  	v8 =	vshra.s32 v7, $0x1F  }
0x2a7: {  	v62 =	vshrl.u32 v7, $0x1C;
	v8 =	vshrl.u32 v8, $0x1D  }
0x2a8: {  	v8 =	vxor.u32 v8, v62  }
0x2a9: {  	v8 =	vxor.u32 $0x8, v8  }
0x2aa: {  	vm1 =	vge.s32 v8, v5  }
0x2ab: {  	(xrf0) =	vadd.scan.msk.s32 vm1, v1;
	_ =	sdelay $0x1  }
0x2ac: {  	v8 =	vmpcnt.ones.xlane vm0;
	_ =	sdelay $0x3  }
0x2ad: {  	v6 =	vadd.s32 v6, v8;
	v8, _, _ =	vpop (xrf0)  }
0x2ae: {  	s0 =	sadd.s32 $0x2, s0;
	v8 =	vadd.s32 v8, v6  }
0x2af: {  	p2 =	slt.u32 s0, $0x1FE;
	v8 =	vadd.s32 $0xFFFFFFFF, v8  }
.Ltmp44:
0x2b0: {  	_ = 	snop;
	(pc) =	sbr.rel @p2 .LBB2_50-.Ltmp44, $3  }
0x2b1: {  	_ = 	snop  }
0x2b2: {  	v63 =	vmpcnt.ones.xlane vm1;
	_ =	sdelay $0x1  }
0x2b3: {  	s6 =	sadd.s32 $0x20, s6;
	s1 =	sadd.s32 $0x20, s1;
	v6 =	vadd.s32 v6, v63;
	[tilespmem:v8+s13+$0x0] =	vst.idx.msk vm1, v7  }
0x2b4: {  	v5 =	vxor.u32 $0x80000000, v6  }
0x2b5: {  	(xrf0) =	vmax.scan.msk.u32 $0xffff, v5;
	_ =	sdelay $0x5  }
0x2b6: {  	v5, _, _ =	vpop (xrf0)  }
0x2b7: {  	(v2sf) =	vpush v5, $0xF;
	_ =	sdelay $0xe  }
0x2b8: {  	s0 =	spop (v2sf)  }
0x2b9: {  	s25 =	sxor.u32 $0x80000000, s0  }
.LBB2_52:
0x2ba: {  	s24 =	sor.u32 $0x1, s23  }
0x2bb: {  	s23 =	sor.u32 s5, s24  }
0x2bc: {  	s0 =	sadd.s32 @!p0 $0x2, s23  }
0x2bd: {  	s1 =	sshll.u32 @!p0 s0, $0x4  }
0x2be: {  	s0 =	sshll.u32 @!p0 s0, $0xA;
	s1 =	sand.u32 @!p0 $0x70, s1  }
0x2bf: {  	s6 =	simm.s32 @!p0 $0x400;
	s0 =	sand.u32 @!p0 $0xFFFE000, s0;
	s1 =	sadd.s32 @!p0 s2, s1  }
0x2c0: {  	s7 =	simm.s32 @!p0 $0x2000;
	s0 =	sadd.s32 @!p0 s0, s1;
	s1 =	simm.s32 @!p0 $0x80  }
0x2c1: {  	[tilespmem:s7], [sflag:$0x2] =	stream.strided.gather @!p0 [hbm4b:s0+s1], $0x2000, s6, s1, $0x38;
	[tilespmem:$0xA280] =	vst v63  }
0x2c2: {  	p0 =	slt.s32 s25, $0x11  }
.Ltmp45:
0x2c3: {  	_ = 	snop;
	(pc) =	sbr.rel @p0 .LBB2_76-.Ltmp45, $4  }
.Ltmp46:
0x2c4: {  	_ = 	snop;
	(pc) =	sbr.rel @!p0 .LBB2_53-.Ltmp46, $4  }
0x2c5: {  	_ = 	snop  }
0x2c6: {  	_ = 	snop  }
0x2c7: {  	s28 =	simm.s32 $0x18;
	s26 =	simm.s32 $0x0;
	v7 =	vimm.s32 $0x80;
	s29 =	smov.u32 s25  }
0x2c8: {  	_ = 	snop  }
.LBB2_73:
0x2c9: {  	v5 =	vimm.s32 $0xFFFFFFFF  }
.LBB2_74:
0x2ca: {  	v6 =	vld @!p0 [tilespmem:s1+$0x4000];
	_ =	sdelay $0x4  }
0x2cb: {  	v12 =	vshra.s32 @!p0 v6, $0x1F  }
0x2cc: {  	v12 =	vshrl.u32 @!p0 v12, $0x1  }
0x2cd: {  	v12 =	vxor.u32 @!p0 v6, v12  }
0x2ce: {  	v13 =	vlaneseq.u32 @!p0;
	v12 =	vshrl.u32 @!p0 v12, s28  }
0x2cf: {  	v13 =	vor.u32 @!p0 s0, v13;
	v12 =	vand.u32 @!p0 $0xFF, v12  }
0x2d0: {  	vm0 =	vlt.s32 @!p0 v13, s29;
	vm1 =	veq.s32 @!p0 v12, v11  }
0x2d1: {  	v11 =	vimm.s32 @!p0 $0x1;
	vm0 =	vmand @!p0 vm0, vm1  }
0x2d2: {  	(xrf0) =	vadd.scan.msk.s32 @!p0 vm0, v11  }
0x2d3: {  	v8 =	vsub.s32 v9, v8;
	v9 =	vmpcnt.ones.xlane @!p0 vm0;
	_ =	sdelay $0x1  }
0x2d4: {  	v9 =	vadd.s32 @!p0 v5, v9  }
0x2d5: {  	v12 =	vadd.s32 @!p0 s11, v5;
	v5 =	vpsel p0, v5, v9  }
0x2d6: {  	v5 =	vxor.u32 $0x80000000, v5  }
0x2d7: {  	v11, _, _ =	vpop @!p0 (xrf0);
	(xrf0) =	vmax.scan.msk.u32 $0xffff, v5;
	_ =	sdelay $0x5  }
0x2d8: {  	v5, _, _ =	vpop (xrf0)  }
0x2d9: {  	(v2sf) =	vpush v5, $0xF;
	_ =	sdelay $0xa  }
0x2da: {  	v11 =	vadd.s32 @!p0 v11, v12;
	_ =	sdelay $0x3  }
0x2db: {  	s0 =	simm.s32 @!p0 $0x4000;
	s31 =	spop (v2sf)  }
0x2dc: {  	[tilespmem:v11+s0+$0x0] =	vst.idx.msk @!p0 vm0, v6;
	p0 =	seq.s32 s28, $0x0;
	s29 =	sadd.s32 $0x80000001, s31  }
0x2dd: {  	p2 =	sgt.s32 @!p0 s29, $0x10  }
0x2de: {  	p0 =	por p0, !p2  }
.Ltmp47:
0x2df: {  	_ = 	snop;
	(pc) =	sbr.rel @p0 .LBB2_75-.Ltmp47, $3  }
0x2e0: {  	_ = 	snop  }
0x2e1: {  	v8 =	vperm.xlane v8, v10;
	_ =	sdelay $0x1  }
0x2e2: {  	v7 =	vsub.s32 v7, v8;
	s28 =	sadd.s32 $0xFFFFFFF8, s28  }
.LBB2_53:
0x2e3: {  	[tilespmem:$0xA100] =	vst v2  }
0x2e4: {  	[tilespmem:$0xA180] =	vst v2  }
0x2e5: {  	[tilespmem:$0xA190] =	vst v2  }
0x2e6: {  	[tilespmem:$0xA1A0] =	vst v2  }
0x2e7: {  	[tilespmem:$0xA1B0] =	vst v2  }
0x2e8: {  	[tilespmem:$0xA1C0] =	vst v2  }
0x2e9: {  	[tilespmem:$0xA1D0] =	vst v2  }
0x2ea: {  	[tilespmem:$0xA1E0] =	vst v2;
	s1 =	sadd.s32 $0xF, s29  }
0x2eb: {  	[tilespmem:$0xA1F0] =	vst v2;
	s0 =	sshra.s32 s1, $0x4;
	s1 =	sshrl.u32 s1, $0x1F  }
0x2ec: {  	[tilespmem:$0xA200] =	vst v2;
	s1 =	sadd.s32 s1, s0  }
0x2ed: {  	[tilespmem:$0xA210] =	vst v2;
	s30 =	sand.u32 $0xFFFFFFFE, s1  }
0x2ee: {  	[tilespmem:$0xA220] =	vst v2;
	p2 =	slt.s32 s30, $0x1  }
.Ltmp48:
0x2ef: {  	[tilespmem:$0xA230] =	vst v2;
	(pc) =	sbr.rel @p2 .LBB2_72-.Ltmp48, $4  }
0x2f0: {  	[tilespmem:$0xA240] =	vst v2  }
0x2f1: {  	[tilespmem:$0xA250] =	vst v2;
	p0 =	seq.s32 s28, $0x18;
	s6 =	simm.s32 $0x80  }
0x2f2: {  	[tilespmem:$0xA260] =	vst v2;
	s6 =	simm.s32 @!p0 $0x0  }
0x2f3: {  	s31 =	sshll.u32 s26, $0xD;
	[tilespmem:$0xA270] =	vst v2;
	v6 =	vmov s29;
	v5 =	vmov s28;
	v11 =	vmov s6  }
0x2f4: {  	s1 =	sadd.s32 $0x0, s31;
	p4 =	sgt.s32 s30, $0x2  }
.Ltmp49:
0x2f5: {  	s7 =	sand.u32 $0xFFFFFF80, s1;
	s1 =	simm.s32 $0x10;
	(pc) =	sbr.rel @!p4 .LBB2_55-.Ltmp49, $4  }
0x2f6: {  	s6 =	simm.s32 $0x0;
	s7 =	sadd.s32 $0x4000, s7;
	s8 =	sand.u32 $0x70, s1  }
0x2f7: {  	s9 =	sand.u32 $0x60, s6;
	s8 =	sor.u32 s8, s7  }
0x2f8: {  	v8 =	vor.u32 s6, v0;
	s21 =	sor.u32 s9, s7;
	v10 =	vld [tilespmem:s8+$0x0]  }
0x2f9: {  	p0 =	por $0x0, $0x0;
	p3 =	por $0x0, $0x0;
	vm0 =	vlt.s32 v8, v6;
	s7 =	simm.s32 $0x20;
	v8 =	vld [tilespmem:s21+$0x0]  }
0x2fa: {  	_ =	sdelay $0x2  }
0x2fb: {  	v9 =	vshra.s32 v10, $0x1F  }
0x2fc: {  	s6 =	sadd.s32 $0x20, s31;
	p4 =	sgt.s32 s30, $0x4;
	v12 =	vshra.s32 v8, $0x1F;
	v9 =	vshrl.u32 v9, $0x1  }
.Ltmp50:
0x2fd: {  	vm1 =	vmmov vm0;
	s8 =	sand.u32 $0xFFFFFF80, s6;
	s6 =	simm.s32 $0x30;
	v12 =	vshrl.u32 v12, $0x1;
	v9 =	vxor.u32 v10, v9;
	(pc) =	sbr.rel @!p4 .LBB2_66-.Ltmp50, $4  }
0x2fe: {  	v15 =	vor.u32 s1, v0;
	s8 =	sadd.s32 $0x4000, s8;
	s9 =	sand.u32 $0x70, s6;
	v8 =	vxor.u32 v8, v12;
	v9 =	vshrl.u32 v9, v5  }
0x2ff: {  	s21 =	sand.u32 $0x60, s7;
	s9 =	sor.u32 s9, s8;
	v10 =	vor.u32 s7, v0;
	v12 =	vshrl.u32 v8, v5;
	v8 =	vand.u32 $0xFF, v9  }
0x300: {  	vm3 =	vlt.s32 v15, v6;
	s7 =	sor.u32 s21, s8;
	vm0 =	vlt.s32 v10, v6;
	v10 =	vld [tilespmem:s9+$0x0];
	v13 =	vxor.u32 v11, v8  }
0x301: {  	p0 =	por $0x1, $0x1;
	v16 =	vand.u32 $0x7F, v9;
	v14 =	vand.u32 $0xFF, v12;
	v8 =	vld [tilespmem:s7+$0x0];
	s7 =	simm.s32 $0x40;
	v15 =	vand.u32 $0x80, v13  }
0x302: {  	_ = 	snop  }
0x303: {  	s1 =	sadd.s32 $0x40, s31;
	v9 =	vxor.u32 v11, v14;
	v14 =	vor.u32 v16, v15  }
0x304: {  	v12 =	vand.u32 $0x7F, v12;
	vm2 =	vmmov vm1;
	v13 =	vshrl.u32 v13, $0x4;
	s8 =	sand.u32 $0xFFFFFF80, s1;
	s1 =	simm.s32 $0x50  }
0x305: {  	vm1 =	vmmov vm0;
	v15 =	vand.u32 $0x80, v9;
	s8 =	sadd.s32 $0x4000, s8;
	s9 =	sand.u32 $0x70, s1;
	v16 =	vshra.s32 v10, $0x1F  }
0x306: {  	p4 =	sgt.s32 s30, $0x6;
	v9 =	vshrl.u32 v9, $0x4;
	v17 =	vor.u32 v12, v15;
	s9 =	sor.u32 s9, s8;
	v15 =	vshrl.u32 v16, $0x1  }
.Ltmp51:
0x307: {  	v12 =	vshra.s32 v8, $0x1F;
	v16 =	vor.u32 s7, v0;
	v15 =	vxor.u32 v10, v15;
	v10 =	vld [tilespmem:s9+$0x0];
	(pc) =	sbr.rel @!p4 .LBB2_68-.Ltmp51, $4  }
0x308: {  	s21 =	sand.u32 $0x60, s7;
	v12 =	vshrl.u32 v12, $0x1;
	[tilespmem:v14+s14+$0x0] =	vst.idx.add.s32.msk vm3, v1;
	vm0 =	vlt.s32 v16, v6;
	v18 =	vshrl.u32 v15, v5  }
0x309: {  	s7 =	sor.u32 s21, s8;
	v16 =	vor.u32 s6, v0;
	v8 =	vxor.u32 v8, v12;
	[tilespmem:v13+s15+$0x0] =	vst.idx.add.s32.msk vm3, v1;
	v15 =	vand.u32 $0xFF, v18  }
0x30a: {  	vm3 =	vlt.s32 v16, v6;
	v12 =	vshrl.u32 v8, v5;
	v8 =	vld [tilespmem:s7+$0x0];
	v13 =	vxor.u32 v11, v15  }
0x30b: {  	p3 =	por $0x1, $0x1;
	s6 =	simm.s32 $0x6;
	s7 =	simm.s32 $0x60;
	v16 =	vand.u32 $0x7F, v18;
	[tilespmem:v17+s14+$0x0] =	vst.idx.add.s32.msk vm2, v1;
	v14 =	vand.u32 $0xFF, v12;
	v15 =	vand.u32 $0x80, v13  }
.LBB2_69:
0x30c: {  	v14 =	vxor.u32 v11, v14;
	v12 =	vand.u32 $0x7F, v12  }
0x30d: {  	s8 =	sadd.s32 s7, s31;
	s9 =	sand.u32 $0x60, s7;
	v15 =	vor.u32 v16, v15;
	[tilespmem:v9+s15+$0x0] =	vst.idx.add.s32.msk vm2, v1;
	vm2 =	vmmov vm1;
	vm1 =	vmmov vm0  }
0x30e: {  	v16 =	vor.u32 s7, v0;
	s10 =	sadd.s32 $0x10, s7;
	v13 =	vshrl.u32 v13, $0x4;
	s8 =	sand.u32 $0xFFFFFF80, s8;
	v9 =	vand.u32 $0x80, v14  }
0x30f: {  	v17 =	vshra.s32 v10, $0x1F;
	s6 =	sadd.s32 $0x2, s6;
	s11 =	sand.u32 $0x70, s10;
	s8 =	sadd.s32 $0x4000, s8;
	v18 =	vor.u32 v12, v9;
	v9 =	vshrl.u32 v14, $0x4  }
0x310: {  	vm0 =	vlt.s32 v16, v6;
	p4 =	slt.s32 s6, s30;
	v14 =	vshrl.u32 v17, $0x1;
	s9 =	sor.u32 s9, s8;
	s8 =	sor.u32 s11, s8;
	v12 =	vshra.s32 v8, $0x1F  }
.Ltmp52:
0x311: {  	v14 =	vxor.u32 v10, v14;
	v12 =	vshrl.u32 v12, $0x1;
	v10 =	vld [tilespmem:s8+$0x0];
	(pc) =	sbr.rel @p4 .LBB2_69-.Ltmp52, $4  }
0x312: {  	v16 =	vshrl.u32 v14, v5;
	v8 =	vxor.u32 v8, v12;
	[tilespmem:v15+s14+$0x0] =	vst.idx.add.s32.msk vm3, v1  }
0x313: {  	v15 =	vand.u32 $0xFF, v16;
	v12 =	vshrl.u32 v8, v5;
	[tilespmem:v13+s15+$0x0] =	vst.idx.add.s32.msk vm3, v1  }
0x314: {  	v17 =	vor.u32 s1, v0;
	s1 =	smov.u32 s10;
	v13 =	vxor.u32 v11, v15;
	v8 =	vld [tilespmem:s9+$0x0];
	v14 =	vand.u32 $0xFF, v12  }
0x315: {  	s7 =	sadd.s32 $0x20, s7;
	v16 =	vand.u32 $0x7F, v16;
	vm3 =	vlt.s32 v17, v6;
	v15 =	vand.u32 $0x80, v13;
	[tilespmem:v18+s14+$0x0] =	vst.idx.add.s32.msk vm2, v1  }
0x316: {  	s6 =	smov.u32 s1  }
.LBB2_71:
0x317: {  	v14 =	vxor.u32 @p0 v11, v14;
	v12 =	vand.u32 @p0 $0x7F, v12  }
0x318: {  	v15 =	vor.u32 @p0 v16, v15;
	vm1 =	vmmov @p0 vm1;
	v56 =	vshra.s32 v10, $0x1F  }
0x319: {  	v13 =	vshrl.u32 @p0 v13, $0x4;
	v60 =	vor.u32 s6, v0;
	vm0 =	vmmov vm0  }
0x31a: {  	v17 =	vand.u32 @p0 $0x80, v14;
	v16 =	vshrl.u32 v56, $0x1;
	v14 =	vshrl.u32 @p0 v14, $0x4  }
0x31b: {  	vm4 =	vlt.s32 v60, v6;
	v57 =	vshra.s32 v8, $0x1F;
	v10 =	vxor.u32 v10, v16  }
0x31c: {  	vm5 =	vmmov @p0 vm1;
	v58 =	vshrl.u32 v57, $0x1;
	v10 =	vshrl.u32 v10, v5  }
0x31d: {  	v12 =	vor.u32 @p0 v12, v17;
	v8 =	vxor.u32 v8, v58;
	v59 =	vand.u32 $0xFF, v10  }
0x31e: {  	v14 =	vpsel p0, v14, v0;
	v8 =	vshrl.u32 v8, v5;
	v16 =	vxor.u32 v11, v59  }
0x31f: {  	v10 =	vand.u32 $0x7F, v10;
	v61 =	vand.u32 $0x80, v16;
	v62 =	vand.u32 $0xFF, v8  }
0x320: {  	[tilespmem:v9+s15+$0x0] =	vst.idx.add.s32.msk @p3 vm2, v1;
	vm0 =	vmmov vm0;
	v10 =	vor.u32 v10, v61;
	v9 =	vxor.u32 v11, v62  }
0x321: {  	[tilespmem:v15+s14+$0x0] =	vst.idx.add.s32.msk @p0 vm3, v1;
	v8 =	vand.u32 $0x7F, v8;
	v16 =	vshrl.u32 v16, $0x4;
	v63 =	vand.u32 $0x80, v9  }
0x322: {  	[tilespmem:v13+s15+$0x0] =	vst.idx.add.s32.msk @p0 vm3, v1;
	v8 =	vor.u32 v8, v63  }
0x323: {  	[tilespmem:v12+s14+$0x0] =	vst.idx.add.s32.msk @p0 vm1, v1;
	v9 =	vshrl.u32 v9, $0x4  }
0x324: {  	[tilespmem:v14+s15+$0x0] =	vst.idx.add.s32.msk @p0 vm5, v1  }
0x325: {  	[tilespmem:v10+s14+$0x0] =	vst.idx.add.s32.msk vm4, v1  }
0x326: {  	[tilespmem:v16+s15+$0x0] =	vst.idx.add.s32.msk vm4, v1  }
0x327: {  	[tilespmem:v8+s14+$0x0] =	vst.idx.add.s32.msk vm0, v1  }
0x328: {  	[tilespmem:v9+s15+$0x0] =	vst.idx.add.s32.msk vm0, v1  }
.LBB2_72:
0x329: {  	s0 =	ssub.s32 s0, s30  }
0x32a: {  	p0 =	slt.s32 s0, $0x1  }
0x32b: {  	s0 =	sshll.u32 @!p0 s30, $0x4  }
0x32c: {  	s1 =	sadd.s32 @!p0 s31, s0  }
0x32d: {  	s6 =	sand.u32 @!p0 $0x70, s0;
	s1 =	sand.u32 @!p0 $0xFFFFFF80, s1  }
0x32e: {  	s1 =	sor.u32 @!p0 s6, s1  }
0x32f: {  	v8 =	vld @!p0 [tilespmem:s1+$0x4000];
	_ =	sdelay $0x4  }
0x330: {  	v9 =	vshra.s32 @!p0 v8, $0x1F  }
0x331: {  	v9 =	vshrl.u32 @!p0 v9, $0x1  }
0x332: {  	v8 =	vxor.u32 @!p0 v8, v9  }
0x333: {  	v8 =	vshrl.u32 @!p0 v8, s28  }
0x334: {  	v9 =	vlaneseq.u32 @!p0;
	v10 =	vand.u32 @!p0 $0xFF, v8  }
0x335: {  	v9 =	vor.u32 @!p0 s0, v9;
	v10 =	vxor.u32 @!p0 v11, v10  }
0x336: {  	vm0 =	vlt.s32 @!p0 v9, s29;
	v8 =	vand.u32 @!p0 $0x7F, v8;
	v9 =	vand.u32 @!p0 $0x80, v10  }
0x337: {  	v8 =	vor.u32 @!p0 v8, v9  }
0x338: {  	v9 =	vshrl.u32 @!p0 v10, $0x4;
	_ =	sdelay $0x2  }
0x339: {  	s6 =	simm.s32 @!p0 $0xA180;
	v10 =	vimm.s32 @!p0 $0x1  }
0x33a: {  	[tilespmem:v8+s6+$0x0] =	vst.idx.add.s32.msk @!p0 vm0, v10;
	s6 =	simm.s32 @!p0 $0xA100  }
0x33b: {  	[tilespmem:v9+s6+$0x0] =	vst.idx.add.s32.msk @!p0 vm0, v10  }
0x33c: {  	v8 =	vld [tilespmem:$0xA100];
	_ =	sdelay $0x4  }
0x33d: {  	v9 =	vperm.xlane v8, v3;
	_ =	sdelay $0x1  }
0x33e: {  	(xrf0) =	vadd.scan.msk.s32 $0xffff, v9;
	_ =	sdelay $0x5  }
0x33f: {  	v10, _, _ =	vpop (xrf0)  }
0x340: {  	vm14 =	vge.s32 v10, v7  }
0x341: {  	v12 =	vmctz.xlane vm14;
	_ =	sdelay $0x1  }
0x342: {  	v13 =	vshll.u32 v12, $0x4  }
0x343: {  	v8 =	vsub.s32 v4, v13;
	_ =	sdelay $0x4  }
0x344: {  	v8 =	vld.idx.msk [tilespmem:v8+s14+$0x0], $0xffff;
	_ =	sdelay $0x4  }
0x345: {  	v8 =	vperm.xlane v8, v3;
	_ =	sdelay $0x1  }
0x346: {  	(xrf0) =	vadd.scan.msk.s32 $0xffff, v8  }
0x347: {  	v9 =	vsub.s32 v10, v9  }
0x348: {  	v9 =	vperm.xlane v9, v12;
	_ =	sdelay $0x3  }
0x349: {  	v7 =	vsub.s32 v7, v9;
	v9, _, _ =	vpop (xrf0)  }
0x34a: {  	vm15 =	vge.s32 v9, v7  }
.Ltmp53:
0x34b: {  	v10 =	vmctz.xlane vm15;
	(pc) =	sbr.rel @p2 .LBB2_73-.Ltmp53, $4  }
0x34c: {  	_ = 	snop  }
0x34d: {  	p3 =	seq.s32 s26, $0x1;
	s26 =	simm.s32 $0x2;
	v63 =	vadd.s32 v10, v13  }
0x34e: {  	s26 =	simm.s32 @!p3 $0x1;
	v12 =	vsub.s32 $0xFF, v63  }
0x34f: {  	s11 =	sshll.u32 s26, $0xD;
	v11 =	vxor.u32 v11, v12  }
0x350: {  	p4 =	sgt.s32 s30, $0x2  }
.Ltmp54:
0x351: {  	_ = 	snop;
	(pc) =	sbr.rel @!p4 .LBB2_78-.Ltmp54, $3  }
0x352: {  	_ =	sdelay $0x1  }
0x353: {  	s9 =	simm.s32 $0x0;
	s6 =	sadd.s32 $0x0, s31;
	p2 =	por $0x0, $0x0  }
0x354: {  	v12 =	vmov s11;
	v13 =	vimm.s32 $0xFFFFFFFF;
	p3 =	por $0x0, $0x0;
	s19 =	sand.u32 $0xFFFFFF80, s6;
	s8 =	sand.u32 $0x60, s9  }
0x355: {  	s7 =	sadd.s32 $0x4000, s19;
	s6 =	simm.s32 $0x10  }
0x356: {  	s8 =	sor.u32 s8, s7;
	s10 =	sand.u32 $0x70, s6  }
0x357: {  	v14 =	vld [tilespmem:s8+$0x0];
	s7 =	sor.u32 s10, s7  }
0x358: {  	v15 =	vld [tilespmem:s7+$0x0];
	_ =	sdelay $0x1  }
0x359: {  	p4 =	sgt.s32 s30, $0x4  }
.Ltmp55:
0x35a: {  	_ = 	snop;
	(pc) =	sbr.rel @!p4 .LBB2_80-.Ltmp55, $4  }
0x35b: {  	v16 =	vshra.s32 v14, $0x1F  }
0x35c: {  	v17 =	vshrl.u32 v16, $0x1;
	v18 =	vshra.s32 v15, $0x1F  }
0x35d: {  	s21 =	sadd.s32 $0x20, s31;
	v26 =	vor.u32 s9, v0;
	s10 =	simm.s32 $0x20;
	v17 =	vxor.u32 v14, v17;
	v18 =	vshrl.u32 v18, $0x1  }
0x35e: {  	p2 =	por $0x1, $0x1;
	s19 =	sand.u32 $0xFFFFFF80, s21;
	s8 =	sand.u32 $0x60, s10;
	v16 =	vadd.s32 v12, v13;
	v27 =	vshrl.u32 v17, v5;
	v24 =	vxor.u32 v15, v18  }
0x35f: {  	s9 =	sadd.s32 $0x4000, s19;
	s7 =	simm.s32 $0x30  }
0x360: {  	vm0 =	vlt.s32 v26, v6;
	v17 =	vand.u32 $0xFF, v27;
	v18 =	vshrl.u32 v24, v5;
	s8 =	sor.u32 s8, s9;
	s21 =	sand.u32 $0x70, s7  }
0x361: {  	vm1 =	veq.s32 v17, v11;
	v17 =	vor.u32 s6, v0;
	v18 =	vand.u32 $0xFF, v18;
	v22 =	vld [tilespmem:s8+$0x0];
	s20 =	sor.u32 s21, s9  }
0x362: {  	vm0 =	vmand vm0, vm1;
	vm1 =	vlt.s32 v17, v6;
	vm2 =	veq.s32 v18, v11;
	v17 =	vld [tilespmem:s20+$0x0]  }
0x363: {  	vm1 =	vmand vm1, vm2;
	v18 =	vmpcnt.ones.xlane vm0  }
0x364: {  	(xrf0) =	vadd.scan.msk.s32 vm0, v1;
	v19 =	vmpcnt.ones.xlane vm1  }
0x365: {  	(xrf0) =	vadd.scan.msk.s32 vm1, v1;
	v20 =	vadd.s32 v13, v18  }
0x366: {  	p4 =	sgt.s32 s30, $0x6;
	v18 =	vadd.s32 v12, v20;
	v19 =	vadd.s32 v20, v19;
	v20 =	vshra.s32 v22, $0x1F  }
.Ltmp56:
0x367: {  	v20 =	vshrl.u32 v20, $0x1;
	v21 =	vshra.s32 v17, $0x1F;
	(pc) =	sbr.rel @!p4 .LBB2_82-.Ltmp56, $4  }
0x368: {  	v21 =	vshrl.u32 v21, $0x1  }
0x369: {  	p3 =	por $0x1, $0x1  }
0x36a: {  	v26 =	vor.u32 s10, v0;
	s10 =	simm.s32 $0x40;
	s21 =	sadd.s32 $0x40, s31;
	s9 =	simm.s32 $0x40;
	vm0 =	vmmov vm0;
	v23 =	vxor.u32 v22, v20;
	v20, _, _ =	vpop (xrf0)  }
0x36b: {  	s6 =	simm.s32 $0x6;
	s19 =	sand.u32 $0xFFFFFF80, s21;
	s8 =	sand.u32 $0x60, s9;
	v25 =	vadd.s32 v12, v19;
	v27 =	vshrl.u32 v23, v5;
	v24 =	vxor.u32 v17, v21;
	v21, _, _ =	vpop (xrf0)  }
.LBB2_83:
0x36c: {  	vm3 =	vlt.s32 v26, v6  }
0x36d: {  	s6 =	sadd.s32 $0x2, s6;
	s19 =	sadd.s32 $0x4000, s19;
	s20 =	sadd.s32 $0x10, s9;
	v23 =	vand.u32 $0xFF, v27;
	v24 =	vshrl.u32 v24, v5;
	v26 =	vmovc v17;
	vm2 =	vmmov vm1  }
0x36e: {  	v17 =	vor.u32 s7, v0;
	p4 =	slt.s32 s6, s30;
	s8 =	sor.u32 s8, s19;
	s21 =	sand.u32 $0x70, s20;
	vm1 =	veq.s32 v23, v11;
	v23 =	vand.u32 $0xFF, v24  }
0x36f: {  	s7 =	smov.u32 s20;
	v24 =	vld [tilespmem:s8+$0x0];
	s8 =	sor.u32 s21, s19;
	vm3 =	vmand vm3, vm1;
	vm1 =	vlt.s32 v17, v6;
	vm4 =	veq.s32 v23, v11  }
0x370: {  	v20 =	vadd.s32 v20, v16;
	v16 =	vmovc v25;
	v17 =	vld [tilespmem:s8+$0x0];
	v23 =	vmpcnt.ones.xlane vm3;
	vm1 =	vmand vm1, vm4;
	(xrf0) =	vadd.scan.msk.s32 vm3, v1  }
0x371: {  	v21 =	vadd.s32 v21, v18;
	v25 =	vmpcnt.ones.xlane vm1;
	(xrf0) =	vadd.scan.msk.s32 vm1, v1  }
0x372: {  	v19 =	vadd.s32 v19, v23  }
.Ltmp57:
0x373: {  	v18 =	vadd.s32 v12, v19;
	v19 =	vadd.s32 v19, v25;
	(pc) =	sbr.rel @p4 .LBB2_83-.Ltmp57, $4  }
0x374: {  	v23 =	vshra.s32 v24, $0x1F;
	v25 =	vadd.s32 v12, v19  }
0x375: {  	s9 =	sadd.s32 $0x20, s9;
	v23 =	vshrl.u32 v23, $0x1;
	v27 =	vshra.s32 v17, $0x1F;
	[tilespmem:v20+s13+$0x0] =	vst.idx.msk vm0, v14;
	v14 =	vmovc v22;
	v22 =	vmovc v24;
	vm0 =	vmmov vm3  }
0x376: {  	s8 =	sadd.s32 s9, s31;
	v23 =	vxor.u32 v22, v23;
	v24 =	vshrl.u32 v27, $0x1;
	v20, _, _ =	vpop (xrf0);
	[tilespmem:v21+s13+$0x0] =	vst.idx.msk vm2, v15;
	v15 =	vmov v26  }
0x377: {  	s19 =	sand.u32 $0xFFFFFF80, s8;
	s8 =	sand.u32 $0x60, s9;
	v26 =	vor.u32 s10, v0;
	s10 =	smov.u32 s9;
	v27 =	vshrl.u32 v23, v5;
	v24 =	vxor.u32 v17, v24;
	v21, _, _ =	vpop (xrf0)  }
0x378: {  	v28 =	vmovc v16;
	v23 =	vmov v14;
	s6 =	smov.u32 s7;
	v16 =	vmov v25;
	v14 =	vmov v22  }
.LBB2_85:
0x379: {  	s7 =	sadd.s32 $0x4000, s19;
	s9 =	sadd.s32 $0x10, s9  }
0x37a: {  	s8 =	sor.u32 s8, s7;
	s31 =	sand.u32 $0x70, s9  }
0x37b: {  	v22 =	vld [tilespmem:s8+$0x0];
	s7 =	sor.u32 s31, s7  }
0x37c: {  	v25 =	vld [tilespmem:s7+$0x0]  }
0x37d: {  	vm2 =	vlt.s32 @p2 v26, v6;
	v26 =	vand.u32 @p2 $0xFF, v27;
	v27 =	vor.u32 @p2 s6, v0  }
0x37e: {  	v55 =	vor.u32 s10, v0;
	v24 =	vshrl.u32 @p2 v24, v5;
	vm3 =	veq.s32 @p2 v26, v11  }
0x37f: {  	vm4 =	vlt.s32 @p2 v27, v6;
	vm11 =	vlt.s32 v55, v6;
	v56 =	vor.u32 s9, v0  }
0x380: {  	v24 =	vand.u32 @p2 $0xFF, v24;
	vm5 =	vlt.s32 v56, v6;
	v6 =	vshra.s32 v22, $0x1F  }
0x381: {  	vm2 =	vmand @p2 vm2, vm3;
	v57 =	vshra.s32 v25, $0x1F;
	v6 =	vshrl.u32 v6, $0x1  }
0x382: {  	vm6 =	veq.s32 @p2 v24, v11;
	(xrf0) =	vadd.scan.msk.s32 @p2 vm2, v1;
	v26 =	vshrl.u32 v57, $0x1;
	v6 =	vxor.u32 v22, v6  }
0x383: {  	v24 =	vmpcnt.ones.xlane @p2 vm2;
	v26 =	vxor.u32 v25, v26;
	v6 =	vshrl.u32 v6, v5  }
0x384: {  	vm4 =	vmand @p2 vm4, vm6;
	v5 =	vshrl.u32 v26, v5;
	v6 =	vand.u32 $0xFF, v6  }
0x385: {  	(xrf0) =	vadd.scan.msk.s32 @p2 vm4, v1;
	vm12 =	veq.s32 v6, v11;
	v6 =	vmpcnt.ones.xlane @p2 vm4;
	v5 =	vand.u32 $0xFF, v5  }
0x386: {  	v19 =	vadd.s32 @p2 v19, v24;
	vm6 =	vmand vm11, vm12;
	vm7 =	veq.s32 v5, v11  }
0x387: {  	v18 =	vadd.s32 @p3 v21, v18;
	v5 =	vadd.s32 @p2 v19, v6;
	vm13 =	vmand vm5, vm7;
	(xrf0) =	vadd.scan.msk.s32 vm6, v1  }
0x388: {  	v16 =	vpsel p2, v16, v0;
	vm2 =	vmmov @p2 vm2;
	v5 =	vpsel p2, v5, v13;
	v13, _, _ =	vpop @p2 (xrf0);
	(xrf0) =	vadd.scan.msk.s32 vm13, v1  }
0x389: {  	vm3 =	vmmov @p3 vm1;
	vm2 =	vmmov @p2 vm2;
	vm4 =	vmmov @p2 vm4  }
0x38a: {  	vm4 =	vmmov @p2 vm4;
	v6 =	vadd.s32 @p3 v20, v28;
	v19 =	vadd.s32 @p2 v12, v19  }
0x38b: {  	v59 =	vmpcnt.ones.xlane vm6;
	vm14 =	vmmov vm6;
	v13 =	vpsel p2, v13, v0;
	v21, _, _ =	vpop @p2 (xrf0)  }
0x38c: {  	v19 =	vpsel p2, v19, v0;
	v21 =	vpsel p2, v21, v0;
	v13 =	vadd.s32 @p2 v13, v16  }
0x38d: {  	v58 =	vadd.s32 v12, v5;
	v5 =	vadd.s32 v5, v59;
	v16 =	vadd.s32 @p2 v21, v19;
	v60, _, _ =	vpop (xrf0)  }
0x38e: {  	v61 =	vadd.s32 v12, v5;
	v62, _, _ =	vpop (xrf0);
	v19 =	vadd.s32 v60, v58  }
0x38f: {  	[tilespmem:v18+s13+$0x0] =	vst.idx.msk @p3 vm3, v15;
	v12 =	vadd.s32 v62, v61  }
.Ltmp58:
0x390: {  	v14 =	vpsel p2, v14, v0;
	[tilespmem:v6+s13+$0x0] =	vst.idx.msk @p3 vm0, v23;
	v6 =	vmov @p2 v17;
	(pc) =	sbr.rel .LBB2_74-.Ltmp58, $4  }
0x391: {  	v6 =	vpsel p2, v6, v0;
	[tilespmem:v13+s13+$0x0] =	vst.idx.msk @p2 vm2, v14  }
0x392: {  	v63 =	vmpcnt.ones.xlane vm13;
	[tilespmem:v16+s13+$0x0] =	vst.idx.msk @p2 vm4, v6  }
0x393: {  	[tilespmem:v19+s13+$0x0] =	vst.idx.msk vm14, v22  }
0x394: {  	vm15 =	vmmov vm13;
	v5 =	vadd.s32 v5, v63;
	[tilespmem:v12+s13+$0x0] =	vst.idx.msk vm13, v25  }
.LBB2_55:
.Ltmp59:
0x395: {  	(pc) =	sbr.rel .LBB2_71-.Ltmp59, $2  }
0x396: {  	_ =	sdelay $0x2  }
0x397: {  	s6 =	simm.s32 $0x10  }
.LBB2_78:
.Ltmp60:
0x398: {  	(pc) =	sbr.rel .LBB2_85-.Ltmp60, $2  }
0x399: {  	_ =	sdelay $0x2  }
0x39a: {  	v19 =	vimm.s32 $0xFFFFFFFF;
	s10 =	simm.s32 $0x0  }
.LBB2_66:
.Ltmp61:
0x39b: {  	(pc) =	sbr.rel .LBB2_71-.Ltmp61, $2  }
0x39c: {  	_ =	sdelay $0x2  }
0x39d: {  	_ = 	snop  }
.LBB2_80:
.Ltmp62:
0x39e: {  	(pc) =	sbr.rel .LBB2_85-.Ltmp62, $2  }
0x39f: {  	_ =	sdelay $0x2  }
0x3a0: {  	v17 =	vmov v15;
	s9 =	simm.s32 $0x20;
	v19 =	vimm.s32 $0xFFFFFFFF  }
.LBB2_68:
.Ltmp63:
0x3a1: {  	(pc) =	sbr.rel .LBB2_71-.Ltmp63, $2  }
0x3a2: {  	_ =	sdelay $0x2  }
0x3a3: {  	s6 =	simm.s32 $0x50  }
.LBB2_82:
.Ltmp64:
0x3a4: {  	(pc) =	sbr.rel .LBB2_85-.Ltmp64, $2  }
0x3a5: {  	_ =	sdelay $0x2  }
0x3a6: {  	v28 =	vmovc v16;
	v23 =	vmov v14;
	s6 =	simm.s32 $0x30;
	v16 =	vmov v25;
	v14 =	vmov v22;
	s10 =	simm.s32 $0x40  }
.LBB2_75:
0x3a7: {  	p0 =	sgt.s32 s29, $0x10  }
.Ltmp65:
0x3a8: {  	_ = 	snop;
	(pc) =	sbr.rel @p0 .LBB2_86-.Ltmp65, $2  }
0x3a9: {  	_ =	sdelay $0x2  }
0x3aa: {  	s26 =	sshll.u32 s26, $0xF  }
.LBB2_76:
0x3ab: {  	s0 =	sshrl.u32 s26, $0x2  }
0x3ac: {  	v5 =	vld [tilespmem:s0+$0x4000];
	_ =	sdelay $0x4  }
0x3ad: {  	v6 =	vshra.s32 v5, $0x1F  }
0x3ae: {  	v6 =	vshrl.u32 v6, $0x1  }
0x3af: {  	v8 =	vmov s29;
	v6 =	vxor.u32 v5, v6  }
0x3b0: {  	vm0 =	vgt.s32 v8, v0;
	v5 =	vxor.u32 $0x80000000, v6  }
0x3b1: {  	(xrf1) =	vsort.dscd.msk.u32 vm0, v5, v6;
	_ =	sdelay $0xd  }
0x3b2: {  	v5, _, _ =	vpop (xrf1)  }
0x3b3: {  	v8 =	vadd.s32 $0xFFFFFFFF, v7;
	v5 =	vxor.u32 $0x80000000, v5  }
0x3b4: {  	v5 =	vperm.xlane v5, v8;
	_ =	sdelay $0x1  }
0x3b5: {  	vm1 =	vgt.s32 v6, v5  }
.Ltmp66:
0x3b6: {  	vm2 =	veq.s32 v6, v5;
	vm1 =	vmand vm0, vm1;
	(pc) =	sbr.rel .LBB2_87-.Ltmp66, $4  }
0x3b7: {  	vm0 =	vmand vm0, vm2;
	v6 =	vmpcnt.ones.xlane vm1  }
0x3b8: {  	v8 =	vmpcnt.ones.xlane vm0  }
0x3b9: {  	v7 =	vsub.s32 v7, v6  }
0x3ba: {  	vm0 =	veq.s32 v7, v8  }
.LBB2_86:
0x3bb: {  	s0 =	sshrl.u32 s26, $0x2  }
0x3bc: {  	v5 =	vld [tilespmem:s0+$0x4000];
	_ =	sdelay $0x4  }
0x3bd: {  	v6 =	vshra.s32 v5, $0x1F  }
0x3be: {  	v6 =	vshrl.u32 v6, $0x1  }
0x3bf: {  	v5 =	vxor.u32 v5, v6  }
0x3c0: {  	vm0 =	veq.s32 v7, s29;
	v5 =	vperm.xlane v5, v2  }
.LBB2_87:
0x3c1: {  	v6 =	vsel vm0, $0x1, v2  }
0x3c2: {  	v6 =	vor.u32 $0x80000000, v6  }
0x3c3: {  	(xrf0) =	vmax.scan.msk.u32 $0xffff, v6;
	_ =	sdelay $0x5  }
0x3c4: {  	v6, _, _ =	vpop (xrf0)  }
0x3c5: {  	(v2sf) =	vpush v6, $0xF;
	_ =	sdelay $0xe  }
0x3c6: {  	s0 =	spop (v2sf)  }
0x3c7: {  	p0 =	seq.s32 s0, $0x80000001  }
.Ltmp67:
0x3c8: {  	_ = 	snop;
	(pc) =	sbr.rel @!p0 .LBB2_88-.Ltmp67, $4  }
0x3c9: {  	s1 =	simm.s32 @!p1 $0x4  }
0x3ca: {  	v6 =	vshra.s32 v5, $0x1F;
	_ =	swait.ge @!p1 [sflag:s1], $0x80  }
0x3cb: {  	s31 =	sadd.s32 $0xF, s25;
	v6 =	vshrl.u32 v6, $0x1;
	[sflag:s1] =	ssyncset.done @!p1 $0x0  }
0x3cc: {  	v5 =	vxor.u32 v5, v6;
	s0 =	sshra.s32 s31, $0x4;
	[sflag:s1] =	ssyncadd.s32 @!p1 $0xFFFFFF80  }
0x3cd: {  	s1 =	sshrl.u32 s0, $0x1F  }
0x3ce: {  	s1 =	sadd.s32 s1, s0  }
0x3cf: {  	s1 =	sand.u32 $0xFFFFFFFE, s1  }
0x3d0: {  	p0 =	slt.s32 s1, $0x1  }
.Ltmp68:
0x3d1: {  	_ = 	snop;
	(pc) =	sbr.rel @p0 .LBB2_93-.Ltmp68, $1  }
0x3d2: {  	_ =	sdelay $0x3  }
0x3d3: {  	p2 =	sgt.s32 s1, $0x2  }
.Ltmp69:
0x3d4: {  	_ = 	snop;
	(pc) =	sbr.rel @!p2 .LBB2_99-.Ltmp69, $3  }
0x3d5: {  	_ =	sdelay $0x1  }
0x3d6: {  	s11 =	sadd.s32 $0xFFFFFFF0, s25  }
0x3d7: {  	v6 =	vimm.s32 $0xFFFFFFFF;
	s9 =	simm.s32 $0x4010;
	p0 =	por $0x0, $0x0;
	p1 =	por $0x0, $0x0  }
0x3d8: {  	v7 =	vld [tilespmem:s9+$0xFFFFFFF0]  }
0x3d9: {  	v8 =	vld [tilespmem:s9+$0x0]  }
0x3da: {  	p2 =	sgt.s32 s1, $0x4  }
.Ltmp70:
0x3db: {  	s6 =	sadd.s32 $0x10, s11;
	(pc) =	sbr.rel @!p2 .LBB2_101-.Ltmp70, $4  }
0x3dc: {  	v9 =	vmov s6  }
0x3dd: {  	vm0 =	vgt.s32 v9, v0;
	v9 =	vmov s11;
	vm1 =	vge.f32 v7, v5  }
0x3de: {  	vm2 =	vge.f32 v8, v5;
	vm1 =	vmand vm0, vm1;
	vm0 =	vgt.s32 v9, v0  }
0x3df: {  	p0 =	por $0x1, $0x1;
	v11 =	vmpcnt.ones.xlane vm1;
	vm3 =	vmand vm0, vm2;
	(xrf0) =	vadd.scan.msk.s32 vm1, v1  }
0x3e0: {  	s10 =	simm.s32 $0x4030  }
0x3e1: {  	v15 =	vld [tilespmem:s10+$0xFFFFFFF0]  }
0x3e2: {  	(xrf0) =	vadd.scan.msk.s32 vm3, v1;
	v13 =	vld [tilespmem:s10+$0x0]  }
0x3e3: {  	v9 =	vmpcnt.ones.xlane vm3;
	s7 =	sadd.s32 $0xFFFFFFE0, s11;
	p2 =	sgt.s32 s1, $0x6  }
.Ltmp71:
0x3e4: {  	vm2 =	vmmov vm3;
	v10 =	vadd.s32 v6, v11;
	s6 =	sadd.s32 $0x10, s7;
	(pc) =	sbr.rel @!p2 .LBB2_103-.Ltmp71, $4  }
0x3e5: {  	vm0 =	vmmov vm1;
	v9 =	vadd.s32 v10, v9;
	v11 =	vmov s6  }
0x3e6: {  	vm1 =	vgt.s32 v11, v0;
	v11 =	vmov s7;
	vm3 =	vge.f32 v15, v5  }
0x3e7: {  	v14, _, _ =	vpop (xrf0);
	vm4 =	vge.f32 v13, v5;
	vm1 =	vmand vm1, vm3;
	vm3 =	vgt.s32 v11, v0  }
0x3e8: {  	p1 =	por $0x1, $0x1;
	s6 =	simm.s32 $0x6;
	v12, _, _ =	vpop (xrf0);
	v17 =	vadd.s32 v6, v14;
	v11 =	vmpcnt.ones.xlane vm1;
	vm3 =	vmand vm3, vm4;
	(xrf0) =	vadd.scan.msk.s32 vm1, v1  }
.LBB2_104:
0x3e9: {  	v14 =	vmpcnt.ones.xlane vm3;
	v16 =	vadd.s32 $0x80, v17  }
0x3ea: {  	s6 =	sadd.s32 $0x2, s6;
	s10 =	sadd.s32 $0x20, s10;
	(xrf0) =	vadd.scan.msk.s32 vm3, v1;
	v12 =	vadd.s32 v10, v12;
	v17 =	vmovc v9;
	vm4 =	vmmov vm2;
	vm2 =	vmmov vm3  }
0x3eb: {  	p2 =	slt.s32 s6, s1;
	v18 =	vld [tilespmem:s10+$0xFFFFFFF0];
	v10 =	vadd.s32 v9, v11;
	v11 =	vadd.s32 $0x80, v12  }
0x3ec: {  	v19 =	vld [tilespmem:s10+$0x0];
	v9 =	vadd.s32 v10, v14  }
0x3ed: {  	s7 =	sadd.s32 $0xFFFFFFE0, s7  }
.Ltmp72:
0x3ee: {  	s8 =	sadd.s32 $0x10, s7;
	(pc) =	sbr.rel @p2 .LBB2_104-.Ltmp72, $4  }
0x3ef: {  	v20 =	vmov s8;
	v14, _, _ =	vpop (xrf0);
	[tilespmem:v16+s17+$0x0] =	vst.idx.msk vm0, v7;
	v7 =	vmov v15;
	vm0 =	vmmov vm1  }
0x3f0: {  	vm1 =	vgt.s32 v20, v0;
	v16 =	vmov s7;
	vm3 =	vge.f32 v18, v5;
	v12, _, _ =	vpop (xrf0);
	[tilespmem:v11+s17+$0x0] =	vst.idx.msk vm4, v8  }
0x3f1: {  	v15 =	vmovc v18;
	v8 =	vmovc v13;
	vm1 =	vmand vm1, vm3;
	vm3 =	vgt.s32 v16, v0;
	vm4 =	vge.f32 v19, v5  }
0x3f2: {  	v17 =	vadd.s32 v17, v14;
	v13 =	vmovc v19;
	v11 =	vmpcnt.ones.xlane vm1;
	vm3 =	vmand vm3, vm4;
	(xrf0) =	vadd.scan.msk.s32 vm1, v1  }
0x3f3: {  	v14 =	vmovc v7;
	v16 =	vmov v8;
	v7 =	vmov v15;
	v8 =	vmov v13  }
.LBB2_106:
0x3f4: {  	s6 =	sadd.s32 @p0 $0x20, s10  }
0x3f5: {  	s9 =	smov.u32 @p0 s6  }
0x3f6: {  	v13 =	vld [tilespmem:s9+$0xFFFFFFF0]  }
0x3f7: {  	s6 =	sadd.s32 @p0 $0xFFFFFFE0, s7;
	v15 =	vld [tilespmem:s9+$0x0]  }
0x3f8: {  	s11 =	smov.u32 @p0 s6  }
0x3f9: {  	s6 =	sadd.s32 $0x10, s11  }
0x3fa: {  	v18 =	vmpcnt.ones.xlane @p0 vm3;
	v17 =	vadd.s32 @p1 $0x80, v17;
	v19 =	vmov s6  }
0x3fb: {  	(xrf0) =	vadd.scan.msk.s32 @p0 vm3, v1;
	v59 =	vmov s11;
	vm4 =	vgt.s32 v19, v0;
	vm5 =	vge.f32 v13, v5  }
0x3fc: {  	vm6 =	vgt.s32 v59, v0;
	vm7 =	vge.f32 v15, v5;
	vm5 =	vmand vm4, vm5  }
0x3fd: {  	v10 =	vadd.s32 @p1 v10, v12;
	v12 =	vmovc @p0 v9;
	vm3 =	vmmov @p0 vm3;
	vm15 =	vmand vm6, vm7;
	(xrf0) =	vadd.scan.msk.s32 vm5, v1  }
0x3fe: {  	v9 =	vadd.s32 @p0 v9, v11;
	vm1 =	vmmov @p0 vm1;
	v10 =	vadd.s32 @p1 $0x80, v10;
	v11, _, _ =	vpop @p0 (xrf0);
	(xrf0) =	vadd.scan.msk.s32 vm15, v1  }
0x3ff: {  	vm3 =	vmmov @p0 vm3;
	vm1 =	vmmov @p0 vm1;
	v11 =	vadd.s32 @p0 v12, v11  }
0x400: {  	v18 =	vadd.s32 @p0 v9, v18;
	v9 =	vpsel p0, v9, v0;
	v11 =	vpsel p0, v11, v0  }
0x401: {  	vm3 =	vmmov @p0 vm3;
	v6 =	vpsel p0, v18, v6;
	v19, _, _ =	vpop @p0 (xrf0);
	v11 =	vadd.s32 @p0 $0x80, v11  }
0x402: {  	vm4 =	vmmov @p1 vm2;
	v19 =	vpsel p0, v19, v0;
	v60 =	vmpcnt.ones.xlane vm5  }
0x403: {  	v9 =	vadd.s32 @p0 v9, v19;
	vm6 =	vmmov vm15;
	vm5 =	vmmov vm5;
	v61, _, _ =	vpop (xrf0)  }
0x404: {  	v9 =	vadd.s32 @p0 $0x80, v9;
	v12 =	vadd.s32 v6, v60;
	v6 =	vadd.s32 v6, v61;
	v62, _, _ =	vpop (xrf0)  }
0x405: {  	vm6 =	vmmov vm6;
	v6 =	vadd.s32 $0x80, v6;
	v18 =	vadd.s32 v12, v62  }
0x406: {  	v7 =	vpsel p0, v7, v0;
	[tilespmem:v17+s17+$0x0] =	vst.idx.msk @p1 vm0, v14;
	v63 =	vadd.s32 $0x80, v18  }
.Ltmp73:
0x407: {  	[tilespmem:v11+s17+$0x0] =	vst.idx.msk @p0 vm1, v7;
	(pc) =	sbr.rel .LBB2_94-.Ltmp73, $4  }
0x408: {  	v8 =	vpsel p0, v8, v0;
	[tilespmem:v10+s17+$0x0] =	vst.idx.msk @p1 vm4, v16  }
0x409: {  	v7 =	vmpcnt.ones.xlane vm15;
	[tilespmem:v9+s17+$0x0] =	vst.idx.msk @p0 vm3, v8  }
0x40a: {  	[tilespmem:v6+s17+$0x0] =	vst.idx.msk vm5, v13  }
0x40b: {  	v6 =	vadd.s32 v12, v7;
	[tilespmem:v63+s17+$0x0] =	vst.idx.msk vm6, v15  }
.LBB2_88:
0x40c: {  	p0 =	sgt.s32 s0, $0x0  }
.Ltmp74:
0x40d: {  	_ = 	snop;
	(pc) =	sbr.rel @!p0 .LBB2_95-.Ltmp74, $1  }
0x40e: {  	_ =	sdelay $0x3  }
0x40f: {  	s1 =	simm.s32 $0x4000  }
0x410: {  	v6 =	vld [tilespmem:s1+$0x0];
	_ =	sdelay $0x3  }
0x411: {  	v8 =	vmov s25  }
0x412: {  	vm0 =	vgt.s32 v8, v0;
	vm1 =	veq.f32 v6, v5  }
0x413: {  	vm1 =	vmand vm0, vm1  }
0x414: {  	(xrf0) =	vadd.scan.msk.s32 vm1, v1;
	_ =	sdelay $0x5  }
0x415: {  	v9 =	vimm.s32 $0x0;
	v8, _, _ =	vpop (xrf0)  }
0x416: {  	v8 =	vadd.s32 v8, v9  }
0x417: {  	v8 =	vadd.s32 $0xFFFFFFFF, v8  }
0x418: {  	vm2 =	vgt.f32 v6, v5;
	vm3 =	vlt.s32 v8, v7  }
0x419: {  	vm0 =	vmand vm0, vm2;
	vm2 =	vmand vm1, vm3  }
0x41a: {  	vm0 =	vmor vm0, vm2  }
0x41b: {  	(xrf0) =	vadd.scan.msk.s32 vm0, v1;
	_ =	sdelay $0x2  }
0x41c: {  	p0 =	sne.s32 s0, $0x1  }
.Ltmp75:
0x41d: {  	_ = 	snop;
	(pc) =	sbr.rel @!p0 .LBB2_91-.Ltmp75, $4  }
0x41e: {  	_ = 	snop  }
0x41f: {  	v8 =	vmpcnt.ones.xlane vm1;
	v10 =	vmpcnt.ones.xlane vm0;
	v11, _, _ =	vpop (xrf0)  }
0x420: {  	v11 =	vadd.s32 v11, v9  }
0x421: {  	s0 =	sadd.s32 $0xFFFFFFFF, s0;
	v8 =	vadd.s32 v9, v8;
	v9 =	vadd.s32 v9, v10;
	v10 =	vadd.s32 $0x7F, v11  }
.LBB2_90:
0x422: {  	_ =	sdelay $0x3  }
0x423: {  	p0 =	sne.s32 s0, $0x1;
	[tilespmem:v10+s17+$0x0] =	vst.idx.msk vm0, v6;
	s1 =	sadd.s32 $0x10, s1;
	s25 =	sadd.s32 $0xFFFFFFF0, s25;
	v10 =	vmov v8;
	v11 =	vmov v9  }
0x424: {  	s0 =	sadd.s32 $0xFFFFFFFF, s0;
	v6 =	vld [tilespmem:s1+$0x0];
	_ =	sdelay $0x3  }
0x425: {  	v12 =	vmov s25  }
0x426: {  	vm0 =	vgt.s32 v12, v0;
	vm1 =	vgt.f32 v6, v5;
	vm2 =	veq.f32 v6, v5  }
0x427: {  	vm1 =	vmand vm0, vm1;
	vm0 =	vmand vm0, vm2  }
0x428: {  	v12 =	vmpcnt.ones.xlane vm0;
	(xrf0) =	vadd.scan.msk.s32 vm0, v1;
	_ =	sdelay $0x1  }
0x429: {  	v8 =	vadd.s32 v8, v12;
	_ =	sdelay $0x3  }
0x42a: {  	v12, _, _ =	vpop (xrf0)  }
0x42b: {  	v10 =	vadd.s32 v12, v10  }
0x42c: {  	v10 =	vadd.s32 $0xFFFFFFFF, v10  }
0x42d: {  	vm2 =	vlt.s32 v10, v7  }
0x42e: {  	vm0 =	vmand vm0, vm2  }
0x42f: {  	vm0 =	vmor vm1, vm0  }
0x430: {  	v10 =	vmpcnt.ones.xlane vm0;
	(xrf0) =	vadd.scan.msk.s32 vm0, v1;
	_ =	sdelay $0x1  }
0x431: {  	v9 =	vadd.s32 v9, v10;
	_ =	sdelay $0x1  }
.Ltmp76:
0x432: {  	(pc) =	sbr.rel @p0 .LBB2_90-.Ltmp76, $4  }
0x433: {  	_ = 	snop  }
0x434: {  	v10, _, _ =	vpop (xrf0)  }
0x435: {  	v10 =	vadd.s32 v10, v11  }
0x436: {  	v10 =	vadd.s32 $0x7F, v10  }
.LBB2_91:
0x437: {  	_ = 	snop  }
.Ltmp77:
0x438: {  	_ = 	snop;
	(pc) =	sbr.rel .LBB2_95-.Ltmp77, $2  }
0x439: {  	_ =	sdelay $0x2  }
0x43a: {  	[tilespmem:v10+s17+$0x0] =	vst.idx.msk vm0, v6  }
.LBB2_57:
.Ltmp78:
0x43b: {  	(pc) =	sbr.rel .LBB2_64-.Ltmp78, $2  }
0x43c: {  	_ =	sdelay $0x2  }
0x43d: {  	v9 =	vimm.s32 $0xFFFFFFFF;
	s9 =	smov.u32 s11  }
.LBB2_99:
.Ltmp79:
0x43e: {  	(pc) =	sbr.rel .LBB2_106-.Ltmp79, $2  }
0x43f: {  	_ =	sdelay $0x2  }
0x440: {  	s10 =	simm.s32 $0x4010;
	v9 =	vimm.s32 $0xFFFFFFFF;
	s7 =	smov.u32 s11  }
.LBB2_59:
.Ltmp80:
0x441: {  	(pc) =	sbr.rel .LBB2_64-.Ltmp80, $2  }
0x442: {  	_ =	sdelay $0x2  }
0x443: {  	v9 =	vimm.s32 $0xFFFFFFFF;
	s9 =	smov.u32 s11;
	v14 =	vimm.s32 $0xFFFFFFFF  }
.LBB2_101:
.Ltmp81:
0x444: {  	(pc) =	sbr.rel .LBB2_106-.Ltmp81, $2  }
0x445: {  	_ =	sdelay $0x2  }
0x446: {  	s10 =	simm.s32 $0x4010;
	v9 =	vimm.s32 $0xFFFFFFFF;
	s7 =	smov.u32 s11  }
.LBB2_61:
.Ltmp82:
0x447: {  	(pc) =	sbr.rel .LBB2_64-.Ltmp82, $2  }
0x448: {  	_ =	sdelay $0x2  }
0x449: {  	v16 =	vmovc v7;
	v18 =	vmovc v8;
	v7 =	vmov v17;
	v8 =	vmov v15;
	v14 =	vmov v9  }
.LBB2_103:
.Ltmp83:
0x44a: {  	(pc) =	sbr.rel .LBB2_106-.Ltmp83, $2  }
0x44b: {  	_ =	sdelay $0x2  }
0x44c: {  	v14 =	vmovc v7;
	v16 =	vmov v8;
	v7 =	vmov v15;
	v8 =	vmov v13  }
.LBB2_97:
0x44d: {  	_ =	sfence.sel $0x180000  }
0x44e: {  	[bflag:$0x0] =	sbarrier.arrive $0xFFFF  }
0x44f: {  	_ =	strace $0x90000047  }
0x450: {  	s0 =	stileid.u32;
	[bflag:$0x2] =	sbarrier.arrive $0xFFFF  }
0x451: {  	p0 =	sne.s32 s0, $0x0;
	s0 =	rddreg [dreg:$0x2]  }
0x452: {  	s0 =	sadd.s32 @!p0 $0x100000, s0  }
0x453: {  	[sflag:s0] =	ssyncadd.tile.s32 @!p0 $0x1;
	_ =	shalt  }
.Lfunc_end2:
_tile_overlayer_lowered:
.L_overlay_start_2:
0x454: {  	(tag) =	ssettag $0x2  }
0x455: {  	s0 =	rddreg [dreg:$0x0];
	s2 =	stileid.u32  }
0x456: {  	s1 =	rddreg [dreg:$0x1];
	p0 =	sne.s32 s2, $0x0  }
0x457: {  	s3 =	rddreg [dreg:$0x2];
	[bflag:$0x3] =	sbarrier.arrive $0xFFFF;
	s2 =	simm.s32 @!p0 $0x1C05  }
0x458: {  	[timem:s3], [sflag:s2] =	dma.local @!p0 [hbm:s0], s1  }
0x459: {  	s0 =	simm.s32 @!p0 $0x5  }
0x45a: {  	_ =	swait.ge @!p0 [sflag:s0], s1  }
0x45b: {  	s1 =	ssub.s32 @!p0 $0x0, s1;
	[sflag:s0] =	ssyncset.done @!p0 $0x0  }
0x45c: {  	[sflag:s0] =	ssyncadd.s32 @!p0 s1  }
0x45d: {  	[bflag:$0x3] =	sbarrier.arrive $0xFFFF  }
0x45e: {  	_ =	shalt  }

</sc_bundles>
